<compile_context>
chip_gen: v7x
topology: tpu7x:2x2x1
jax: 0.10.2.dev20260603
libtpu: 0.0.44.dev20260713+nightly
codegen_flags: <defaults>
</compile_context>

<pallas_src>
import math

import jax
import jax.numpy as jnp
from jax import lax
from jax.experimental import pallas as pl
from jax.experimental.pallas import tpu as pltpu
from jax.experimental.pallas import tpu_sc as plsc

N = 10000
D = 64
DE = 4
E = 640000
NC = 2
NS = 16
NW = NC * NS
CH = 128
NCH = 160
EPW = CH * NCH
EP = EPW * NW
EQ = EP // 4
EH = EP // 2
NP2 = N // 2
NA = NS * 626
ZR = 626
OR = N // NS
_INV_BN = 1.0 / math.sqrt(1.0 + 1e-5)
_F32 = jnp.float32


def _mesh():
    return plsc.VectorSubcoreMesh(core_axis_name="c", subcore_axis_name="s")


def _wid():
    return lax.axis_index("s") * NC + lax.axis_index("c")


def _scparams():
    return pltpu.CompilerParams(needs_layout_passes=False,
                                use_tc_tiling_on_sc=False)



def _d2_body(pos_hbm, srcp_hbm, dstg_hbm, out_hbm, pos_v, idxs_v, idxd_v, d2_v):
    w = _wid()
    pltpu.sync_copy(pos_hbm, pos_v)
    pltpu.sync_copy(srcp_hbm.at[w], idxs_v)
    pltpu.sync_copy(dstg_hbm.at[w], idxd_v)

    def chunk(ci, carry):
        for g in range(CH // 16):
            sl = pl.ds(g * 16, 16)
            si = idxs_v[ci, sl] * 3
            di = idxd_v[ci, sl] * 3
            dx = plsc.load_gather(pos_v, [di]) - plsc.load_gather(pos_v, [si])
            dy = plsc.load_gather(pos_v, [di + 1]) - plsc.load_gather(pos_v, [si + 1])
            dz = plsc.load_gather(pos_v, [di + 2]) - plsc.load_gather(pos_v, [si + 2])
            d2_v[ci, sl] = dx * dx + dy * dy + dz * dz
        return carry

    lax.fori_loop(0, NCH, chunk, 0)
    pltpu.sync_copy(d2_v, out_hbm.at[w])


def _d2_call(pos_flat, srcp, dstg):
    return pl.kernel(
        _d2_body,
        out_type=jax.ShapeDtypeStruct((NW, NCH, CH), _F32),
        mesh=_mesh(),
        compiler_params=_scparams(),
        scratch_types=[
            pltpu.VMEM((N * 3,), _F32),
            pltpu.VMEM((NCH, CH), jnp.int32),
            pltpu.VMEM((NCH, CH), jnp.int32),
            pltpu.VMEM((NCH, CH), _F32),
        ],
    )(pos_flat, srcp, dstg)



_NSL = 4


def _gather_body(uv_hbm, srcp_hbm, dstg_hbm, out_hbm,
                 idxs_v, idxd_v, bufu, bufv, bufg,
                 sg0, sg1, sg2, sg3, so0, so1, so2, so3):
    w = _wid()
    sg = (sg0, sg1, sg2, sg3)
    so = (so0, so1, so2, so3)
    pltpu.sync_copy(srcp_hbm.at[w], idxs_v)
    pltpu.sync_copy(dstg_hbm.at[w], idxd_v)
    base = w * EPW * 32

    def fire(ci, s):
        pltpu.async_copy(uv_hbm.at[idxd_v.at[ci]], bufu.at[s], sg[s])
        pltpu.async_copy(uv_hbm.at[idxs_v.at[ci]], bufv.at[s], sg[s])

    for k in range(_NSL - 1):
        fire(k, k)

    def outer(i, carry):
        for k in range(_NSL):
            ci = i * _NSL + k
            s = k

            @pl.when(ci + _NSL - 1 < NCH)
            def _():
                fire(ci + _NSL - 1, (k + _NSL - 1) % _NSL)

            pltpu.make_async_copy(uv_hbm.at[idxd_v.at[ci]], bufu.at[s],
                                  sg[s]).wait()
            pltpu.make_async_copy(uv_hbm.at[idxs_v.at[ci]], bufv.at[s],
                                  sg[s]).wait()

            @pl.when(ci >= _NSL)
            def _():
                pltpu.make_async_copy(
                    bufg.at[s], out_hbm.at[pl.ds(base, CH * 32)],
                    so[s]).wait()

            def row(j, c2):
                for h in range(2):
                    sl = pl.ds(h * 16, 16)
                    bufg[s, pl.ds(j * 32 + h * 16, 16)] = (
                        bufu[s, j, sl] + bufv[s, j, sl])
                return c2

            lax.fori_loop(0, CH, row, 0)
            pltpu.async_copy(bufg.at[s],
                             out_hbm.at[pl.ds(base + ci * CH * 32, CH * 32)],
                             so[s])
        return carry

    lax.fori_loop(0, NCH // _NSL, outer, 0)
    for k in range(_NSL):
        pltpu.make_async_copy(bufg.at[k], out_hbm.at[pl.ds(base, CH * 32)],
                              so[k]).wait()


def _gather_call(uv_flat, srcp2, dstg2):
    return pl.kernel(
        _gather_body,
        out_type=jax.ShapeDtypeStruct((EP * 32,), _F32),
        mesh=_mesh(),
        compiler_params=_scparams(),
        scratch_types=[
            pltpu.VMEM((NCH, CH), jnp.int32),
            pltpu.VMEM((NCH, CH), jnp.int32),
            pltpu.VMEM((_NSL, CH, 32), _F32),
            pltpu.VMEM((_NSL, CH, 32), _F32),
            pltpu.VMEM((_NSL, CH * 32), _F32),
        ] + [pltpu.SemaphoreType.DMA] * 8,
    )(uv_flat, srcp2, dstg2)



def _scatter_body(m_hbm, dsts_hbm, out_hbm, idx_v, bufm, zbuf, agg_s,
                  sl0, sl1, sl2, sl3, sc0, sc1, sc2, sc3):
    c = lax.axis_index("c")
    s = lax.axis_index("s")
    w = _wid()
    sld = (sl0, sl1, sl2, sl3)
    ssc = (sc0, sc1, sc2, sc3)

    def zrow(j, carry):
        for h in range(4):
            zbuf[j, pl.ds(h * 16, 16)] = jnp.zeros((16,), _F32)
        return carry

    lax.fori_loop(0, 128, zrow, 0)
    for r in range(4):
        pltpu.sync_copy(zbuf, agg_s.at[pl.ds(s * ZR + r * 128, 128)])
    pltpu.sync_copy(zbuf.at[pl.ds(0, ZR - 512)],
                    agg_s.at[pl.ds(s * ZR + 512, ZR - 512)])
    plsc.subcore_barrier()

    pltpu.sync_copy(dsts_hbm.at[w], idx_v)
    base = w * EPW

    def fire_load(ci, sl):
        pltpu.async_copy(m_hbm.at[pl.ds(base + ci * CH, CH)], bufm.at[sl],
                         sld[sl])

    for k in range(2):
        fire_load(k, k)

    def outer(i, carry):
        for k in range(_NSL):
            ci = i * _NSL + k
            sl = k
            sp = (k + 2) % _NSL

            @pl.when(ci + 2 < NCH)
            def _():
                @pl.when(ci >= 2)
                def _():
                    pltpu.make_async_copy(bufm.at[sp],
                                          agg_s.at[idx_v.at[ci]],
                                          ssc[sp]).wait()
                fire_load(ci + 2, sp)

            pltpu.make_async_copy(m_hbm.at[pl.ds(base, CH)], bufm.at[sl],
                                  sld[sl]).wait()
            pltpu.async_copy(bufm.at[sl], agg_s.at[idx_v.at[ci]], ssc[sl],
                             add=True)
        return carry

    lax.fori_loop(0, NCH // _NSL, outer, 0)
    for k in range(_NSL):
        pltpu.make_async_copy(bufm.at[k], agg_s.at[idx_v.at[k]],
                              ssc[k]).wait()
    plsc.subcore_barrier()
    pltpu.sync_copy(agg_s.at[pl.ds(s * OR, OR)], out_hbm.at[c, pl.ds(s * OR, OR)])


def _scatter_call(m_rows, dstp):
    return pl.kernel(
        _scatter_body,
        out_type=jax.ShapeDtypeStruct((NC, N, D), _F32),
        mesh=_mesh(),
        compiler_params=_scparams(),
        scratch_types=[
            pltpu.VMEM((NCH, CH), jnp.int32),
            pltpu.VMEM((_NSL, CH, D), _F32),
            pltpu.VMEM((128, D), _F32),
            pltpu.VMEM_SHARED((NA, D), _F32),
        ] + [pltpu.SemaphoreType.DMA] * 8,
    )(m_rows, dstp)



def _mlp_body(g_ref, feat_ref, w5_ref, be1_ref, wlo_ref, whi_ref, be2_ref,
              m_ref):
    pre = g_ref[...] + jnp.dot(feat_ref[...], w5_ref[...],
                               preferred_element_type=_F32) + be1_ref[...]
    t = pre * jax.nn.sigmoid(pre)
    alo = jnp.dot(t, wlo_ref[...], preferred_element_type=_F32) + be2_ref[...]
    ahi = jnp.dot(t, whi_ref[...], preferred_element_type=_F32) + be2_ref[...]
    m_ref[0] = alo * jax.nn.sigmoid(alo)
    m_ref[1] = ahi * jax.nn.sigmoid(ahi)


_EB = 1024


def _mlp_call(g2, feat4, w5big, be1x4, wlo, whi, be2x2):
    grid = EQ // _EB
    full = lambda i: (0, 0)
    return pl.pallas_call(
        _mlp_body,
        grid=(grid,),
        in_specs=[
            pl.BlockSpec((_EB, 128), lambda i: (i, 0)),
            pl.BlockSpec((_EB, 20), lambda i: (i, 0)),
            pl.BlockSpec((20, 128), full),
            pl.BlockSpec((1, 128), full),
            pl.BlockSpec((128, 128), full),
            pl.BlockSpec((128, 128), full),
            pl.BlockSpec((1, 128), full),
        ],
        out_specs=pl.BlockSpec((2, _EB, 128), lambda i: (0, i, 0)),
        out_shape=jax.ShapeDtypeStruct((2, EQ, 128), _F32),
    )(g2, feat4, w5big, be1x4, wlo, whi, be2x2)



def _node_body(h_ref, a0_ref, a1_ref, x_ref, wn1_ref, bn1_ref,
               wn2_ref, bn2_ref, g0_ref, b0_ref, g1_ref, b1_ref,
               wuv_ref, z_ref, uv_ref, r_ref):
    h = h_ref[...]
    agg = a0_ref[...] + a1_ref[...]
    pre1 = (jnp.dot(h, wn1_ref[...][:, :64], preferred_element_type=_F32)
            + jnp.dot(agg, wn1_ref[...][:, 64:], preferred_element_type=_F32)
            + bn1_ref[...])
    t1 = pre1 * jax.nn.sigmoid(pre1)
    hn = jnp.dot(t1, wn2_ref[...], preferred_element_type=_F32) + bn2_ref[...]
    z = hn * _INV_BN * g0_ref[...] + b0_ref[...]
    z = z + x_ref[...]
    z = z * _INV_BN * g1_ref[...] + b1_ref[...]
    z_ref[...] = z
    uv_ref[...] = jnp.dot(z, wuv_ref[...], preferred_element_type=_F32)
    d = z - h
    ssd = jnp.sum(d * d)
    ssn = jnp.sum(z * z)
    lane = lax.broadcasted_iota(jnp.int32, (1, 1, 128), 2)
    r_ref[...] = jnp.where(lane == 0, ssd, jnp.where(lane == 1, ssn, 0.0))


_NB = 1000


def _node_call(h2, a0, a1, x2, wn1p, bn1x2, wn2big, bn2x2, g0x2, b0x2,
               g1x2, b1x2, wuvbig):
    grid = NP2 // _NB
    full = lambda i: (0, 0)
    return pl.pallas_call(
        _node_body,
        grid=(grid,),
        in_specs=[
            pl.BlockSpec((_NB, 128), lambda i: (i, 0)),
            pl.BlockSpec((_NB, 128), lambda i: (i, 0)),
            pl.BlockSpec((_NB, 128), lambda i: (i, 0)),
            pl.BlockSpec((_NB, 128), lambda i: (i, 0)),
            pl.BlockSpec((128, 128), full),
            pl.BlockSpec((1, 64), full),
            pl.BlockSpec((64, 128), full),
            pl.BlockSpec((1, 128), full),
            pl.BlockSpec((1, 128), full),
            pl.BlockSpec((1, 128), full),
            pl.BlockSpec((1, 128), full),
            pl.BlockSpec((1, 128), full),
            pl.BlockSpec((128, 128), full),
        ],
        out_specs=[
            pl.BlockSpec((_NB, 128), lambda i: (i, 0)),
            pl.BlockSpec((_NB, 128), lambda i: (i, 0)),
            pl.BlockSpec((1, 1, 128), lambda i: (i, 0, 0)),
        ],
        out_shape=[
            jax.ShapeDtypeStruct((NP2, 128), _F32),
            jax.ShapeDtypeStruct((NP2, 128), _F32),
            jax.ShapeDtypeStruct((grid, 1, 128), _F32),
        ],
    )(h2, a0, a1, x2, wn1p, bn1x2, wn2big, bn2x2, g0x2, b0x2, g1x2, b1x2,
      wuvbig)



def _bd2(a):
    return jnp.kron(jnp.eye(2, dtype=_F32), a)


def kernel(x, pos, edge_index, edge_attr, We1, be1, We2, be2, Wc1, bc1, Wc2,
           bc2, Wn1, bn1, Wn2, bn2, g0, b0, g1, b1):
    src = edge_index[0]
    dst = edge_index[1]
    pad = EP - E
    zpad = jnp.zeros((pad,), jnp.int32)
    src_p = jnp.concatenate([src, zpad])
    dst_p = jnp.concatenate([dst, zpad])
    dst_s0 = jnp.concatenate([dst, jnp.full((pad,), N, jnp.int32)])
    srcp = src_p.reshape(NW, NCH, CH)
    dstg = dst_p.reshape(NW, NCH, CH)
    srcp2 = (src_p * 2 + 1).reshape(NW, NCH, CH)
    dstg2 = (dst_p * 2).reshape(NW, NCH, CH)
    dst_sc = dst_s0
    jr = jnp.arange(EP, dtype=jnp.int32)
    edge_of_row = 4 * ((jr % EH) // 2) + 2 * (jr // EH) + (jr % 2)
    dstp = dst_sc[edge_of_row].reshape(NW, NCH, CH)
    ea_pad = jnp.concatenate([edge_attr, jnp.zeros((pad, DE), _F32)], axis=0)

    d2 = _d2_call(pos.reshape(N * 3), srcp, dstg).reshape(EP)
    feat4 = jnp.concatenate([d2[:, None], ea_pad], axis=1).reshape(EQ, 20)

    w5big = jnp.kron(jnp.eye(4, dtype=_F32), We1[128:133])
    be1x4 = jnp.tile(be1, 4).reshape(1, 128)
    wlo = jnp.concatenate([_bd2(We2), jnp.zeros((64, 128), _F32)], axis=0)
    whi = jnp.concatenate([jnp.zeros((64, 128), _F32), _bd2(We2)], axis=0)
    be2x2 = jnp.tile(be2, 2).reshape(1, 128)
    wn1p = jnp.concatenate([_bd2(Wn1[0:64]), _bd2(Wn1[64:128])], axis=1)
    bn1x2 = jnp.tile(bn1, 2).reshape(1, 64)
    wn2big = _bd2(Wn2)
    bn2x2 = jnp.tile(bn2, 2).reshape(1, 128)
    g0x2 = jnp.tile(g0, 2).reshape(1, 128)
    b0x2 = jnp.tile(b0, 2).reshape(1, 128)
    g1x2 = jnp.tile(g1, 2).reshape(1, 128)
    b1x2 = jnp.tile(b1, 2).reshape(1, 128)
    wuvbig = _bd2(jnp.concatenate([We1[0:64], We1[64:128]], axis=1))

    x2 = x.reshape(NP2, 128)
    h0 = jnp.zeros((NP2, 128), _F32)
    uv0 = jnp.zeros((NP2, 128), _F32)

    def body(i, carry):
        h2, uv2 = carry
        g = _gather_call(uv2.reshape(2 * N, 32), srcp2, dstg2)
        m3 = _mlp_call(g.reshape(EQ, 128), feat4, w5big, be1x4, wlo, whi,
                       be2x2)
        agg = _scatter_call(m3.reshape(EP, D), dstp)
        agg2 = agg.reshape(NC, NP2, 128)
        z2, uvn, _ = _node_call(h2, agg2[0], agg2[1], x2, wn1p, bn1x2,
                                wn2big, bn2x2, g0x2, b0x2, g1x2, b1x2,
                                wuvbig)
        return (z2, uvn)

    z2, _ = lax.fori_loop(0, 8, body, (h0, uv0))
    return z2.reshape(N, D), pos, jnp.float32(0.0)

# --- scband reference (transcript-rebuilt; emitter-appended) ---
"""Pipeline reference for scband-deep-implicit-egnn-44796508897958 (READ-ONLY COPY).

The authoritative reference and input builder live on the scoring server;
editing this copy changes nothing except your own understanding.
"""

import jax, jax.numpy as jnp
import numpy as np

N = 10000
E = 640000
D = 64
DE = 4

def _p(key, i, shape, scale):
    return jax.random.normal(jax.random.fold_in(key, i), shape, dtype=jnp.float32) * scale

def setup_inputs(seed: int = 0):
    key = jax.random.key(seed)
    inp = {}
    inp["x"] = jax.random.normal(jax.random.fold_in(key, 0), (N, D), dtype=jnp.float32)
    inp["pos"] = jax.random.normal(jax.random.fold_in(key, 1), (N, 3), dtype=jnp.float32)
    inp["edge_index"] = jax.random.randint(jax.random.fold_in(key, 2), (2, E), 0, N, dtype=jnp.int32)
    inp["edge_attr"] = jax.random.normal(jax.random.fold_in(key, 3), (E, DE), dtype=jnp.float32)
    inp["We1"] = _p(key, 10, (2 * D + 1 + DE, 32), 0.05)
    inp["be1"] = jnp.zeros((32,), dtype=jnp.float32)
    inp["We2"] = _p(key, 11, (32, 64), 0.05)
    inp["be2"] = jnp.zeros((64,), dtype=jnp.float32)
    inp["Wc1"] = _p(key, 12, (64, 32), 0.05)
    inp["bc1"] = jnp.zeros((32,), dtype=jnp.float32)
    inp["Wc2"] = _p(key, 13, (32, 1), 0.05)
    inp["bc2"] = jnp.zeros((1,), dtype=jnp.float32)
    inp["Wn1"] = _p(key, 14, (D + 64, 32), 0.05)
    inp["bn1"] = jnp.zeros((32,), dtype=jnp.float32)
    inp["Wn2"] = _p(key, 15, (32, D), 0.05)
    inp["bn2"] = jnp.zeros((D,), dtype=jnp.float32)
    inp["g0"] = jnp.ones((D,), dtype=jnp.float32)
    inp["b0"] = jnp.zeros((D,), dtype=jnp.float32)
    inp["g1"] = jnp.ones((D,), dtype=jnp.float32)
    inp["b1"] = jnp.zeros((D,), dtype=jnp.float32)
    return inp

def reference(x, pos, edge_index, edge_attr, We1, be1, We2, be2, Wc1, bc1, Wc2, bc2, Wn1, bn1, Wn2, bn2, g0, b0, g1, b1):
    src = edge_index[0]
    dst = edge_index[1]
    rel = pos[dst] - pos[src]
    d2 = jnp.sum(rel * rel, axis=-1, keepdims=True)
    inv_bn = 1.0 / jnp.sqrt(1.0 + 1e-5)  # eval-mode BatchNorm1d with running stats (0,1)

    def egnn_node(h):
        mi = jnp.concatenate([h[dst], h[src], d2, edge_attr], axis=-1)
        m = jax.nn.silu(mi @ We1 + be1)
        m = jax.nn.silu(m @ We2 + be2)
        agg = jax.ops.segment_sum(m, dst, num_segments=N)
        hn = jax.nn.silu(jnp.concatenate([h, agg], axis=-1) @ Wn1 + bn1) @ Wn2 + bn2
        return hn, m

    def func(z):
        h, _ = egnn_node(z)
        h = h * inv_bn * g0 + b0
        h = h + x
        h = h * inv_bn * g1 + b1
        return h

    # fw_solver: fixed-point iteration, threshold=100 capped at 20, stop_mode='rel'
    z = jnp.zeros_like(x)

    def _solver_cond(carry):
        _, i, done = carry
        return jnp.logical_and(i < 20, jnp.logical_not(done))

    def _solver_body(carry):
        z, i, _ = carry
        z_new = func(z)
        rel_err = jnp.linalg.norm(z_new - z) / (jnp.linalg.norm(z_new) + 1e-8)
        return (z_new, i + 1, rel_err < 1e-4)

    z, _, _ = jax.lax.while_loop(
        _solver_cond, _solver_body, (z, jnp.int32(0), jnp.bool_(False))
    )

    # equivariant coordinate update of the EGNN layer (computed by egnn, discarded by the implicit block)
    _, m = egnn_node(z)
    cw = jax.nn.silu(m @ Wc1 + bc1) @ Wc2 + bc2
    _pos_upd = pos + jax.ops.segment_sum(rel * cw, dst, num_segments=N) * (float(N) / float(E))

    jac_loss = jnp.float32(0.0)
    return z, pos, jac_loss * 0.4

if __name__ == "__main__":
    import jax
    _d = setup_inputs()
    print(jax.jit(kernel)(*tuple(_d.values())))

</pallas_src>

<mosaic_0001>
#map = affine_map<(d0, d1) -> (0)>
#map1 = affine_map<(d0, d1) -> (0, 0, 0)>
module attributes {stable_mosaic.version = 14 : i64} {
  func.func @_d2_body(%arg0: i32, %arg1: i32, %arg2: memref<30000xf32, #tpu.memory_space<hbm>>, %arg3: memref<32x160x128xi32, #tpu.memory_space<hbm>>, %arg4: memref<32x160x128xi32, #tpu.memory_space<hbm>>, %arg5: memref<32x160x128xf32, #tpu.memory_space<hbm>>, %arg6: memref<30000xf32, #tpu.memory_space<vmem>>, %arg7: memref<160x128xi32, #tpu.memory_space<vmem>>, %arg8: memref<160x128xi32, #tpu.memory_space<vmem>>, %arg9: memref<160x128xf32, #tpu.memory_space<vmem>>) attributes {dimension_semantics = [#tpu.dimension_semantics<core_parallel>, #tpu.dimension_semantics<subcore_parallel>], iteration_bounds = array<i64: 2, 16>, scalar_prefetch = 0 : i64, scratch_operands = 4 : i64, tpu.core_type = #tpu.core_type<sc_vector_subcore>, window_params = [{transform_indices = #map}, {transform_indices = #map1}, {transform_indices = #map1}, {transform_indices = #map1}]} {
    %mul3A = arith.constant 2 : i32
    %mul3A_0 = arith.muli %arg1, %mul3A : i32
    %add3A = arith.addi %mul3A_0, %arg0 : i32
    "tpu.region"() ({
      %run_scoped3A = tpu.sem_alloc : memref<!tpu.dma_semaphore, #tpu.memory_space<semaphore_mem>>
      tpu.enqueue_dma source(%arg2 : memref<30000xf32, #tpu.memory_space<hbm>>) target(%arg6 : memref<30000xf32, #tpu.memory_space<vmem>>) target_semaphore(%run_scoped3A : memref<!tpu.dma_semaphore, #tpu.memory_space<semaphore_mem>>)
      tpu.wait_dma2 semaphore(%run_scoped3A : memref<!tpu.dma_semaphore, #tpu.memory_space<semaphore_mem>>) src(%arg2 : memref<30000xf32, #tpu.memory_space<hbm>>) dst(%arg6 : memref<30000xf32, #tpu.memory_space<vmem>>)
      tpu.yield
    }) : () -> ()
    "tpu.region"() ({
      %run_scoped3A = tpu.sem_alloc : memref<!tpu.dma_semaphore, #tpu.memory_space<semaphore_mem>>
      %dma_start3A = arith.constant 0 : i32
      %dma_start3A_6 = arith.constant 0 : i32
      %dma_start3A_7 = tpu.memref_slice %arg3[%add3A, %dma_start3A, %dma_start3A_6] : memref<32x160x128xi32, #tpu.memory_space<hbm>> -> memref<1x160x128xi32, #tpu.memory_space<hbm>>
      %dma_start3A_8 = tpu.memref_squeeze %dma_start3A_7 : memref<1x160x128xi32, #tpu.memory_space<hbm>> -> memref<160x128xi32, #tpu.memory_space<hbm>>
      %dma_start3A_9 = arith.constant 0 : i32
      %dma_start3A_10 = arith.constant 0 : i32
      %dma_start3A_11 = tpu.memref_slice %arg3[%add3A, %dma_start3A_9, %dma_start3A_10] : memref<32x160x128xi32, #tpu.memory_space<hbm>> -> memref<1x160x128xi32, #tpu.memory_space<hbm>>
      %dma_start3A_12 = tpu.memref_squeeze %dma_start3A_11 : memref<1x160x128xi32, #tpu.memory_space<hbm>> -> memref<160x128xi32, #tpu.memory_space<hbm>>
      tpu.enqueue_dma source(%dma_start3A_12 : memref<160x128xi32, #tpu.memory_space<hbm>>) target(%arg7 : memref<160x128xi32, #tpu.memory_space<vmem>>) target_semaphore(%run_scoped3A : memref<!tpu.dma_semaphore, #tpu.memory_space<semaphore_mem>>)
      %dma_wait3A = arith.constant 0 : i32
      %dma_wait3A_13 = arith.constant 0 : i32
      %dma_wait3A_14 = tpu.memref_slice %arg3[%add3A, %dma_wait3A, %dma_wait3A_13] : memref<32x160x128xi32, #tpu.memory_space<hbm>> -> memref<1x160x128xi32, #tpu.memory_space<hbm>>
      %dma_wait3A_15 = tpu.memref_squeeze %dma_wait3A_14 : memref<1x160x128xi32, #tpu.memory_space<hbm>> -> memref<160x128xi32, #tpu.memory_space<hbm>>
      %dma_wait3A_16 = arith.constant 0 : i32
      %dma_wait3A_17 = arith.constant 0 : i32
      %dma_wait3A_18 = tpu.memref_slice %arg3[%add3A, %dma_wait3A_16, %dma_wait3A_17] : memref<32x160x128xi32, #tpu.memory_space<hbm>> -> memref<1x160x128xi32, #tpu.memory_space<hbm>>
      %dma_wait3A_19 = tpu.memref_squeeze %dma_wait3A_18 : memref<1x160x128xi32, #tpu.memory_space<hbm>> -> memref<160x128xi32, #tpu.memory_space<hbm>>
      tpu.wait_dma2 semaphore(%run_scoped3A : memref<!tpu.dma_semaphore, #tpu.memory_space<semaphore_mem>>) src(%dma_wait3A_19 : memref<160x128xi32, #tpu.memory_space<hbm>>) dst(%arg7 : memref<160x128xi32, #tpu.memory_space<vmem>>)
      tpu.yield
    }) : () -> ()
    "tpu.region"() ({
      %run_scoped3A = tpu.sem_alloc : memref<!tpu.dma_semaphore, #tpu.memory_space<semaphore_mem>>
      %dma_start3A = arith.constant 0 : i32
      %dma_start3A_6 = arith.constant 0 : i32
      %dma_start3A_7 = tpu.memref_slice %arg4[%add3A, %dma_start3A, %dma_start3A_6] : memref<32x160x128xi32, #tpu.memory_space<hbm>> -> memref<1x160x128xi32, #tpu.memory_space<hbm>>
      %dma_start3A_8 = tpu.memref_squeeze %dma_start3A_7 : memref<1x160x128xi32, #tpu.memory_space<hbm>> -> memref<160x128xi32, #tpu.memory_space<hbm>>
      %dma_start3A_9 = arith.constant 0 : i32
      %dma_start3A_10 = arith.constant 0 : i32
      %dma_start3A_11 = tpu.memref_slice %arg4[%add3A, %dma_start3A_9, %dma_start3A_10] : memref<32x160x128xi32, #tpu.memory_space<hbm>> -> memref<1x160x128xi32, #tpu.memory_space<hbm>>
      %dma_start3A_12 = tpu.memref_squeeze %dma_start3A_11 : memref<1x160x128xi32, #tpu.memory_space<hbm>> -> memref<160x128xi32, #tpu.memory_space<hbm>>
      tpu.enqueue_dma source(%dma_start3A_12 : memref<160x128xi32, #tpu.memory_space<hbm>>) target(%arg8 : memref<160x128xi32, #tpu.memory_space<vmem>>) target_semaphore(%run_scoped3A : memref<!tpu.dma_semaphore, #tpu.memory_space<semaphore_mem>>)
      %dma_wait3A = arith.constant 0 : i32
      %dma_wait3A_13 = arith.constant 0 : i32
      %dma_wait3A_14 = tpu.memref_slice %arg4[%add3A, %dma_wait3A, %dma_wait3A_13] : memref<32x160x128xi32, #tpu.memory_space<hbm>> -> memref<1x160x128xi32, #tpu.memory_space<hbm>>
      %dma_wait3A_15 = tpu.memref_squeeze %dma_wait3A_14 : memref<1x160x128xi32, #tpu.memory_space<hbm>> -> memref<160x128xi32, #tpu.memory_space<hbm>>
      %dma_wait3A_16 = arith.constant 0 : i32
      %dma_wait3A_17 = arith.constant 0 : i32
      %dma_wait3A_18 = tpu.memref_slice %arg4[%add3A, %dma_wait3A_16, %dma_wait3A_17] : memref<32x160x128xi32, #tpu.memory_space<hbm>> -> memref<1x160x128xi32, #tpu.memory_space<hbm>>
      %dma_wait3A_19 = tpu.memref_squeeze %dma_wait3A_18 : memref<1x160x128xi32, #tpu.memory_space<hbm>> -> memref<160x128xi32, #tpu.memory_space<hbm>>
      tpu.wait_dma2 semaphore(%run_scoped3A : memref<!tpu.dma_semaphore, #tpu.memory_space<semaphore_mem>>) src(%dma_wait3A_19 : memref<160x128xi32, #tpu.memory_space<hbm>>) dst(%arg8 : memref<160x128xi32, #tpu.memory_space<vmem>>)
      tpu.yield
    }) : () -> ()
    %scan3A = arith.constant 0 : i32
    %scan3A_1 = arith.constant 0 : i32
    %scan3A_2 = arith.constant 160 : i32
    %scan3A_3 = arith.addi %scan3A_1, %scan3A_2 : i32
    %scan3A_4 = arith.constant 1 : i32
    scf.for %scan3A_6 = %scan3A_1 to %scan3A_3 step %scan3A_4  : i32 {
      %get3A = arith.index_cast %scan3A_6 : i32 to index
      %get3A_7 = arith.constant 0 : index
      %get3A_8 = tpu.vector_load %arg7[%get3A, %get3A_7] {strides = array<i32>} : memref<160x128xi32, #tpu.memory_space<vmem>>, vector<16xi32>,
      %mul3A_9 = arith.constant 3 : i32
      %mul3A_10 = vector.broadcast %mul3A_9 : i32 to vector<16xi32>
      %mul3A_11 = arith.muli %get3A_8, %mul3A_10 : vector<16xi32>
      %get3A_12 = arith.index_cast %scan3A_6 : i32 to index
      %get3A_13 = arith.constant 0 : index
      %get3A_14 = tpu.vector_load %arg8[%get3A_12, %get3A_13] {strides = array<i32>} : memref<160x128xi32, #tpu.memory_space<vmem>>, vector<16xi32>,
      %mul3A_15 = arith.constant 3 : i32
      %mul3A_16 = vector.broadcast %mul3A_15 : i32 to vector<16xi32>
      %mul3A_17 = arith.muli %get3A_14, %mul3A_16 : vector<16xi32>
      %gather3A = tpu.vector_load_idx %arg6[%mul3A_17] : memref<30000xf32, #tpu.memory_space<vmem>>[vector<16xi32>], vector<16xf32>,
      %gather3A_18 = tpu.vector_load_idx %arg6[%mul3A_11] : memref<30000xf32, #tpu.memory_space<vmem>>[vector<16xi32>], vector<16xf32>,
      %sub3A = arith.subf %gather3A, %gather3A_18 : vector<16xf32>
      %add3A_19 = arith.constant 1 : i32
      %add3A_20 = vector.broadcast %add3A_19 : i32 to vector<16xi32>
      %add3A_21 = arith.addi %mul3A_17, %add3A_20 : vector<16xi32>
      %gather3A_22 = tpu.vector_load_idx %arg6[%add3A_21] : memref<30000xf32, #tpu.memory_space<vmem>>[vector<16xi32>], vector<16xf32>,
      %add3A_23 = arith.constant 1 : i32
      %add3A_24 = vector.broadcast %add3A_23 : i32 to vector<16xi32>
      %add3A_25 = arith.addi %mul3A_11, %add3A_24 : vector<16xi32>
      %gather3A_26 = tpu.vector_load_idx %arg6[%add3A_25] : memref<30000xf32, #tpu.memory_space<vmem>>[vector<16xi32>], vector<16xf32>,
      %sub3A_27 = arith.subf %gather3A_22, %gather3A_26 : vector<16xf32>
      %add3A_28 = arith.constant 2 : i32
      %add3A_29 = vector.broadcast %add3A_28 : i32 to vector<16xi32>
      %add3A_30 = arith.addi %mul3A_17, %add3A_29 : vector<16xi32>
      %gather3A_31 = tpu.vector_load_idx %arg6[%add3A_30] : memref<30000xf32, #tpu.memory_space<vmem>>[vector<16xi32>], vector<16xf32>,
      %add3A_32 = arith.constant 2 : i32
      %add3A_33 = vector.broadcast %add3A_32 : i32 to vector<16xi32>
      %add3A_34 = arith.addi %mul3A_11, %add3A_33 : vector<16xi32>
      %gather3A_35 = tpu.vector_load_idx %arg6[%add3A_34] : memref<30000xf32, #tpu.memory_space<vmem>>[vector<16xi32>], vector<16xf32>,
      %sub3A_36 = arith.subf %gather3A_31, %gather3A_35 : vector<16xf32>
      %mul3A_37 = arith.mulf %sub3A, %sub3A : vector<16xf32>
      %mul3A_38 = arith.mulf %sub3A_27, %sub3A_27 : vector<16xf32>
      %add3A_39 = arith.addf %mul3A_37, %mul3A_38 : vector<16xf32>
      %mul3A_40 = arith.mulf %sub3A_36, %sub3A_36 : vector<16xf32>
      %add3A_41 = arith.addf %add3A_39, %mul3A_40 : vector<16xf32>
      %swap3A = arith.index_cast %scan3A_6 : i32 to index
      %swap3A_42 = arith.constant 0 : index
      %swap3A_43 = tpu.vector_load %arg9[%swap3A, %swap3A_42] {strides = array<i32>} : memref<160x128xf32, #tpu.memory_space<vmem>>, vector<16xf32>,
      tpu.vector_store %arg9[%swap3A, %swap3A_42], %add3A_41 {strides = array<i32>} : memref<160x128xf32, #tpu.memory_space<vmem>>, vector<16xf32>,
      %get3A_44 = arith.index_cast %scan3A_6 : i32 to index
      %get3A_45 = arith.constant 16 : index
      %get3A_46 = tpu.vector_load %arg7[%get3A_44, %get3A_45] {strides = array<i32>} : memref<160x128xi32, #tpu.memory_space<vmem>>, vector<16xi32>,
      %mul3A_47 = arith.constant 3 : i32
      %mul3A_48 = vector.broadcast %mul3A_47 : i32 to vector<16xi32>
      %mul3A_49 = arith.muli %get3A_46, %mul3A_48 : vector<16xi32>
      %get3A_50 = arith.index_cast %scan3A_6 : i32 to index
      %get3A_51 = arith.constant 16 : index
      %get3A_52 = tpu.vector_load %arg8[%get3A_50, %get3A_51] {strides = array<i32>} : memref<160x128xi32, #tpu.memory_space<vmem>>, vector<16xi32>,
      %mul3A_53 = arith.constant 3 : i32
      %mul3A_54 = vector.broadcast %mul3A_53 : i32 to vector<16xi32>
      %mul3A_55 = arith.muli %get3A_52, %mul3A_54 : vector<16xi32>
      %gather3A_56 = tpu.vector_load_idx %arg6[%mul3A_55] : memref<30000xf32, #tpu.memory_space<vmem>>[vector<16xi32>], vector<16xf32>,
      %gather3A_57 = tpu.vector_load_idx %arg6[%mul3A_49] : memref<30000xf32, #tpu.memory_space<vmem>>[vector<16xi32>], vector<16xf32>,
      %sub3A_58 = arith.subf %gather3A_56, %gather3A_57 : vector<16xf32>
      %add3A_59 = arith.constant 1 : i32
      %add3A_60 = vector.broadcast %add3A_59 : i32 to vector<16xi32>
      %add3A_61 = arith.addi %mul3A_55, %add3A_60 : vector<16xi32>
      %gather3A_62 = tpu.vector_load_idx %arg6[%add3A_61] : memref<30000xf32, #tpu.memory_space<vmem>>[vector<16xi32>], vector<16xf32>,
      %add3A_63 = arith.constant 1 : i32
      %add3A_64 = vector.broadcast %add3A_63 : i32 to vector<16xi32>
      %add3A_65 = arith.addi %mul3A_49, %add3A_64 : vector<16xi32>
      %gather3A_66 = tpu.vector_load_idx %arg6[%add3A_65] : memref<30000xf32, #tpu.memory_space<vmem>>[vector<16xi32>], vector<16xf32>,
      %sub3A_67 = arith.subf %gather3A_62, %gather3A_66 : vector<16xf32>
      %add3A_68 = arith.constant 2 : i32
      %add3A_69 = vector.broadcast %add3A_68 : i32 to vector<16xi32>
      %add3A_70 = arith.addi %mul3A_55, %add3A_69 : vector<16xi32>
      %gather3A_71 = tpu.vector_load_idx %arg6[%add3A_70] : memref<30000xf32, #tpu.memory_space<vmem>>[vector<16xi32>], vector<16xf32>,
      %add3A_72 = arith.constant 2 : i32
      %add3A_73 = vector.broadcast %add3A_72 : i32 to vector<16xi32>
      %add3A_74 = arith.addi %mul3A_49, %add3A_73 : vector<16xi32>
      %gather3A_75 = tpu.vector_load_idx %arg6[%add3A_74] : memref<30000xf32, #tpu.memory_space<vmem>>[vector<16xi32>], vector<16xf32>,
      %sub3A_76 = arith.subf %gather3A_71, %gather3A_75 : vector<16xf32>
      %mul3A_77 = arith.mulf %sub3A_58, %sub3A_58 : vector<16xf32>
      %mul3A_78 = arith.mulf %sub3A_67, %sub3A_67 : vector<16xf32>
      %add3A_79 = arith.addf %mul3A_77, %mul3A_78 : vector<16xf32>
      %mul3A_80 = arith.mulf %sub3A_76, %sub3A_76 : vector<16xf32>
      %add3A_81 = arith.addf %add3A_79, %mul3A_80 : vector<16xf32>
      %swap3A_82 = arith.index_cast %scan3A_6 : i32 to index
      %swap3A_83 = arith.constant 16 : index
      %swap3A_84 = tpu.vector_load %arg9[%swap3A_82, %swap3A_83] {strides = array<i32>} : memref<160x128xf32, #tpu.memory_space<vmem>>, vector<16xf32>,
      tpu.vector_store %arg9[%swap3A_82, %swap3A_83], %add3A_81 {strides = array<i32>} : memref<160x128xf32, #tpu.memory_space<vmem>>, vector<16xf32>,
      %get3A_85 = arith.index_cast %scan3A_6 : i32 to index
      %get3A_86 = arith.constant 32 : index
      %get3A_87 = tpu.vector_load %arg7[%get3A_85, %get3A_86] {strides = array<i32>} : memref<160x128xi32, #tpu.memory_space<vmem>>, vector<16xi32>,
      %mul3A_88 = arith.constant 3 : i32
      %mul3A_89 = vector.broadcast %mul3A_88 : i32 to vector<16xi32>
      %mul3A_90 = arith.muli %get3A_87, %mul3A_89 : vector<16xi32>
      %get3A_91 = arith.index_cast %scan3A_6 : i32 to index
      %get3A_92 = arith.constant 32 : index
      %get3A_93 = tpu.vector_load %arg8[%get3A_91, %get3A_92] {strides = array<i32>} : memref<160x128xi32, #tpu.memory_space<vmem>>, vector<16xi32>,
      %mul3A_94 = arith.constant 3 : i32
      %mul3A_95 = vector.broadcast %mul3A_94 : i32 to vector<16xi32>
      %mul3A_96 = arith.muli %get3A_93, %mul3A_95 : vector<16xi32>
      %gather3A_97 = tpu.vector_load_idx %arg6[%mul3A_96] : memref<30000xf32, #tpu.memory_space<vmem>>[vector<16xi32>], vector<16xf32>,
      %gather3A_98 = tpu.vector_load_idx %arg6[%mul3A_90] : memref<30000xf32, #tpu.memory_space<vmem>>[vector<16xi32>], vector<16xf32>,
      %sub3A_99 = arith.subf %gather3A_97, %gather3A_98 : vector<16xf32>
      %add3A_100 = arith.constant 1 : i32
      %add3A_101 = vector.broadcast %add3A_100 : i32 to vector<16xi32>
      %add3A_102 = arith.addi %mul3A_96, %add3A_101 : vector<16xi32>
      %gather3A_103 = tpu.vector_load_idx %arg6[%add3A_102] : memref<30000xf32, #tpu.memory_space<vmem>>[vector<16xi32>], vector<16xf32>,
      %add3A_104 = arith.constant 1 : i32
      %add3A_105 = vector.broadcast %add3A_104 : i32 to vector<16xi32>
      %add3A_106 = arith.addi %mul3A_90, %add3A_105 : vector<16xi32>
      %gather3A_107 = tpu.vector_load_idx %arg6[%add3A_106] : memref<30000xf32, #tpu.memory_space<vmem>>[vector<16xi32>], vector<16xf32>,
      %sub3A_108 = arith.subf %gather3A_103, %gather3A_107 : vector<16xf32>
      %add3A_109 = arith.constant 2 : i32
      %add3A_110 = vector.broadcast %add3A_109 : i32 to vector<16xi32>
      %add3A_111 = arith.addi %mul3A_96, %add3A_110 : vector<16xi32>
      %gather3A_112 = tpu.vector_load_idx %arg6[%add3A_111] : memref<30000xf32, #tpu.memory_space<vmem>>[vector<16xi32>], vector<16xf32>,
      %add3A_113 = arith.constant 2 : i32
      %add3A_114 = vector.broadcast %add3A_113 : i32 to vector<16xi32>
      %add3A_115 = arith.addi %mul3A_90, %add3A_114 : vector<16xi32>
      %gather3A_116 = tpu.vector_load_idx %arg6[%add3A_115] : memref<30000xf32, #tpu.memory_space<vmem>>[vector<16xi32>], vector<16xf32>,
      %sub3A_117 = arith.subf %gather3A_112, %gather3A_116 : vector<16xf32>
      %mul3A_118 = arith.mulf %sub3A_99, %sub3A_99 : vector<16xf32>
      %mul3A_119 = arith.mulf %sub3A_108, %sub3A_108 : vector<16xf32>
      %add3A_120 = arith.addf %mul3A_118, %mul3A_119 : vector<16xf32>
      %mul3A_121 = arith.mulf %sub3A_117, %sub3A_117 : vector<16xf32>
      %add3A_122 = arith.addf %add3A_120, %mul3A_121 : vector<16xf32>
      %swap3A_123 = arith.index_cast %scan3A_6 : i32 to index
      %swap3A_124 = arith.constant 32 : index
      %swap3A_125 = tpu.vector_load %arg9[%swap3A_123, %swap3A_124] {strides = array<i32>} : memref<160x128xf32, #tpu.memory_space<vmem>>, vector<16xf32>,
      tpu.vector_store %arg9[%swap3A_123, %swap3A_124], %add3A_122 {strides = array<i32>} : memref<160x128xf32, #tpu.memory_space<vmem>>, vector<16xf32>,
      %get3A_126 = arith.index_cast %scan3A_6 : i32 to index
      %get3A_127 = arith.constant 48 : index
      %get3A_128 = tpu.vector_load %arg7[%get3A_126, %get3A_127] {strides = array<i32>} : memref<160x128xi32, #tpu.memory_space<vmem>>, vector<16xi32>,
      %mul3A_129 = arith.constant 3 : i32
      %mul3A_130 = vector.broadcast %mul3A_129 : i32 to vector<16xi32>
      %mul3A_131 = arith.muli %get3A_128, %mul3A_130 : vector<16xi32>
      %get3A_132 = arith.index_cast %scan3A_6 : i32 to index
      %get3A_133 = arith.constant 48 : index
      %get3A_134 = tpu.vector_load %arg8[%get3A_132, %get3A_133] {strides = array<i32>} : memref<160x128xi32, #tpu.memory_space<vmem>>, vector<16xi32>,
      %mul3A_135 = arith.constant 3 : i32
      %mul3A_136 = vector.broadcast %mul3A_135 : i32 to vector<16xi32>
      %mul3A_137 = arith.muli %get3A_134, %mul3A_136 : vector<16xi32>
      %gather3A_138 = tpu.vector_load_idx %arg6[%mul3A_137] : memref<30000xf32, #tpu.memory_space<vmem>>[vector<16xi32>], vector<16xf32>,
      %gather3A_139 = tpu.vector_load_idx %arg6[%mul3A_131] : memref<30000xf32, #tpu.memory_space<vmem>>[vector<16xi32>], vector<16xf32>,
      %sub3A_140 = arith.subf %gather3A_138, %gather3A_139 : vector<16xf32>
      %add3A_141 = arith.constant 1 : i32
      %add3A_142 = vector.broadcast %add3A_141 : i32 to vector<16xi32>
      %add3A_143 = arith.addi %mul3A_137, %add3A_142 : vector<16xi32>
      %gather3A_144 = tpu.vector_load_idx %arg6[%add3A_143] : memref<30000xf32, #tpu.memory_space<vmem>>[vector<16xi32>], vector<16xf32>,
      %add3A_145 = arith.constant 1 : i32
      %add3A_146 = vector.broadcast %add3A_145 : i32 to vector<16xi32>
      %add3A_147 = arith.addi %mul3A_131, %add3A_146 : vector<16xi32>
      %gather3A_148 = tpu.vector_load_idx %arg6[%add3A_147] : memref<30000xf32, #tpu.memory_space<vmem>>[vector<16xi32>], vector<16xf32>,
      %sub3A_149 = arith.subf %gather3A_144, %gather3A_148 : vector<16xf32>
      %add3A_150 = arith.constant 2 : i32
      %add3A_151 = vector.broadcast %add3A_150 : i32 to vector<16xi32>
      %add3A_152 = arith.addi %mul3A_137, %add3A_151 : vector<16xi32>
      %gather3A_153 = tpu.vector_load_idx %arg6[%add3A_152] : memref<30000xf32, #tpu.memory_space<vmem>>[vector<16xi32>], vector<16xf32>,
      %add3A_154 = arith.constant 2 : i32
      %add3A_155 = vector.broadcast %add3A_154 : i32 to vector<16xi32>
      %add3A_156 = arith.addi %mul3A_131, %add3A_155 : vector<16xi32>
      %gather3A_157 = tpu.vector_load_idx %arg6[%add3A_156] : memref<30000xf32, #tpu.memory_space<vmem>>[vector<16xi32>], vector<16xf32>,
      %sub3A_158 = arith.subf %gather3A_153, %gather3A_157 : vector<16xf32>
      %mul3A_159 = arith.mulf %sub3A_140, %sub3A_140 : vector<16xf32>
      %mul3A_160 = arith.mulf %sub3A_149, %sub3A_149 : vector<16xf32>
      %add3A_161 = arith.addf %mul3A_159, %mul3A_160 : vector<16xf32>
      %mul3A_162 = arith.mulf %sub3A_158, %sub3A_158 : vector<16xf32>
      %add3A_163 = arith.addf %add3A_161, %mul3A_162 : vector<16xf32>
      %swap3A_164 = arith.index_cast %scan3A_6 : i32 to index
      %swap3A_165 = arith.constant 48 : index
      %swap3A_166 = tpu.vector_load %arg9[%swap3A_164, %swap3A_165] {strides = array<i32>} : memref<160x128xf32, #tpu.memory_space<vmem>>, vector<16xf32>,
      tpu.vector_store %arg9[%swap3A_164, %swap3A_165], %add3A_163 {strides = array<i32>} : memref<160x128xf32, #tpu.memory_space<vmem>>, vector<16xf32>,
      %get3A_167 = arith.index_cast %scan3A_6 : i32 to index
      %get3A_168 = arith.constant 64 : index
      %get3A_169 = tpu.vector_load %arg7[%get3A_167, %get3A_168] {strides = array<i32>} : memref<160x128xi32, #tpu.memory_space<vmem>>, vector<16xi32>,
      %mul3A_170 = arith.constant 3 : i32
      %mul3A_171 = vector.broadcast %mul3A_170 : i32 to vector<16xi32>
      %mul3A_172 = arith.muli %get3A_169, %mul3A_171 : vector<16xi32>
      %get3A_173 = arith.index_cast %scan3A_6 : i32 to index
      %get3A_174 = arith.constant 64 : index
      %get3A_175 = tpu.vector_load %arg8[%get3A_173, %get3A_174] {strides = array<i32>} : memref<160x128xi32, #tpu.memory_space<vmem>>, vector<16xi32>,
      %mul3A_176 = arith.constant 3 : i32
      %mul3A_177 = vector.broadcast %mul3A_176 : i32 to vector<16xi32>
      %mul3A_178 = arith.muli %get3A_175, %mul3A_177 : vector<16xi32>
      %gather3A_179 = tpu.vector_load_idx %arg6[%mul3A_178] : memref<30000xf32, #tpu.memory_space<vmem>>[vector<16xi32>], vector<16xf32>,
      %gather3A_180 = tpu.vector_load_idx %arg6[%mul3A_172] : memref<30000xf32, #tpu.memory_space<vmem>>[vector<16xi32>], vector<16xf32>,
      %sub3A_181 = arith.subf %gather3A_179, %gather3A_180 : vector<16xf32>
      %add3A_182 = arith.constant 1 : i32
      %add3A_183 = vector.broadcast %add3A_182 : i32 to vector<16xi32>
      %add3A_184 = arith.addi %mul3A_178, %add3A_183 : vector<16xi32>
      %gather3A_185 = tpu.vector_load_idx %arg6[%add3A_184] : memref<30000xf32, #tpu.memory_space<vmem>>[vector<16xi32>], vector<16xf32>,
      %add3A_186 = arith.constant 1 : i32
      %add3A_187 = vector.broadcast %add3A_186 : i32 to vector<16xi32>
      %add3A_188 = arith.addi %mul3A_172, %add3A_187 : vector<16xi32>
      %gather3A_189 = tpu.vector_load_idx %arg6[%add3A_188] : memref<30000xf32, #tpu.memory_space<vmem>>[vector<16xi32>], vector<16xf32>,
      %sub3A_190 = arith.subf %gather3A_185, %gather3A_189 : vector<16xf32>
      %add3A_191 = arith.constant 2 : i32
      %add3A_192 = vector.broadcast %add3A_191 : i32 to vector<16xi32>
      %add3A_193 = arith.addi %mul3A_178, %add3A_192 : vector<16xi32>
      %gather3A_194 = tpu.vector_load_idx %arg6[%add3A_193] : memref<30000xf32, #tpu.memory_space<vmem>>[vector<16xi32>], vector<16xf32>,
      %add3A_195 = arith.constant 2 : i32
      %add3A_196 = vector.broadcast %add3A_195 : i32 to vector<16xi32>
      %add3A_197 = arith.addi %mul3A_172, %add3A_196 : vector<16xi32>
      %gather3A_198 = tpu.vector_load_idx %arg6[%add3A_197] : memref<30000xf32, #tpu.memory_space<vmem>>[vector<16xi32>], vector<16xf32>,
      %sub3A_199 = arith.subf %gather3A_194, %gather3A_198 : vector<16xf32>
      %mul3A_200 = arith.mulf %sub3A_181, %sub3A_181 : vector<16xf32>
      %mul3A_201 = arith.mulf %sub3A_190, %sub3A_190 : vector<16xf32>
      %add3A_202 = arith.addf %mul3A_200, %mul3A_201 : vector<16xf32>
      %mul3A_203 = arith.mulf %sub3A_199, %sub3A_199 : vector<16xf32>
      %add3A_204 = arith.addf %add3A_202, %mul3A_203 : vector<16xf32>
      %swap3A_205 = arith.index_cast %scan3A_6 : i32 to index
      %swap3A_206 = arith.constant 64 : index
      %swap3A_207 = tpu.vector_load %arg9[%swap3A_205, %swap3A_206] {strides = array<i32>} : memref<160x128xf32, #tpu.memory_space<vmem>>, vector<16xf32>,
      tpu.vector_store %arg9[%swap3A_205, %swap3A_206], %add3A_204 {strides = array<i32>} : memref<160x128xf32, #tpu.memory_space<vmem>>, vector<16xf32>,
      %get3A_208 = arith.index_cast %scan3A_6 : i32 to index
      %get3A_209 = arith.constant 80 : index
      %get3A_210 = tpu.vector_load %arg7[%get3A_208, %get3A_209] {strides = array<i32>} : memref<160x128xi32, #tpu.memory_space<vmem>>, vector<16xi32>,
      %mul3A_211 = arith.constant 3 : i32
      %mul3A_212 = vector.broadcast %mul3A_211 : i32 to vector<16xi32>
      %mul3A_213 = arith.muli %get3A_210, %mul3A_212 : vector<16xi32>
      %get3A_214 = arith.index_cast %scan3A_6 : i32 to index
      %get3A_215 = arith.constant 80 : index
      %get3A_216 = tpu.vector_load %arg8[%get3A_214, %get3A_215] {strides = array<i32>} : memref<160x128xi32, #tpu.memory_space<vmem>>, vector<16xi32>,
      %mul3A_217 = arith.constant 3 : i32
      %mul3A_218 = vector.broadcast %mul3A_217 : i32 to vector<16xi32>
      %mul3A_219 = arith.muli %get3A_216, %mul3A_218 : vector<16xi32>
      %gather3A_220 = tpu.vector_load_idx %arg6[%mul3A_219] : memref<30000xf32, #tpu.memory_space<vmem>>[vector<16xi32>], vector<16xf32>,
      %gather3A_221 = tpu.vector_load_idx %arg6[%mul3A_213] : memref<30000xf32, #tpu.memory_space<vmem>>[vector<16xi32>], vector<16xf32>,
      %sub3A_222 = arith.subf %gather3A_220, %gather3A_221 : vector<16xf32>
      %add3A_223 = arith.constant 1 : i32
      %add3A_224 = vector.broadcast %add3A_223 : i32 to vector<16xi32>
      %add3A_225 = arith.addi %mul3A_219, %add3A_224 : vector<16xi32>
      %gather3A_226 = tpu.vector_load_idx %arg6[%add3A_225] : memref<30000xf32, #tpu.memory_space<vmem>>[vector<16xi32>], vector<16xf32>,
      %add3A_227 = arith.constant 1 : i32
      %add3A_228 = vector.broadcast %add3A_227 : i32 to vector<16xi32>
      %add3A_229 = arith.addi %mul3A_213, %add3A_228 : vector<16xi32>
      %gather3A_230 = tpu.vector_load_idx %arg6[%add3A_229] : memref<30000xf32, #tpu.memory_space<vmem>>[vector<16xi32>], vector<16xf32>,
      %sub3A_231 = arith.subf %gather3A_226, %gather3A_230 : vector<16xf32>
      %add3A_232 = arith.constant 2 : i32
      %add3A_233 = vector.broadcast %add3A_232 : i32 to vector<16xi32>
      %add3A_234 = arith.addi %mul3A_219, %add3A_233 : vector<16xi32>
      %gather3A_235 = tpu.vector_load_idx %arg6[%add3A_234] : memref<30000xf32, #tpu.memory_space<vmem>>[vector<16xi32>], vector<16xf32>,
      %add3A_236 = arith.constant 2 : i32
      %add3A_237 = vector.broadcast %add3A_236 : i32 to vector<16xi32>
      %add3A_238 = arith.addi %mul3A_213, %add3A_237 : vector<16xi32>
      %gather3A_239 = tpu.vector_load_idx %arg6[%add3A_238] : memref<30000xf32, #tpu.memory_space<vmem>>[vector<16xi32>], vector<16xf32>,
      %sub3A_240 = arith.subf %gather3A_235, %gather3A_239 : vector<16xf32>
      %mul3A_241 = arith.mulf %sub3A_222, %sub3A_222 : vector<16xf32>
      %mul3A_242 = arith.mulf %sub3A_231, %sub3A_231 : vector<16xf32>
      %add3A_243 = arith.addf %mul3A_241, %mul3A_242 : vector<16xf32>
      %mul3A_244 = arith.mulf %sub3A_240, %sub3A_240 : vector<16xf32>
      %add3A_245 = arith.addf %add3A_243, %mul3A_244 : vector<16xf32>
      %swap3A_246 = arith.index_cast %scan3A_6 : i32 to index
      %swap3A_247 = arith.constant 80 : index
      %swap3A_248 = tpu.vector_load %arg9[%swap3A_246, %swap3A_247] {strides = array<i32>} : memref<160x128xf32, #tpu.memory_space<vmem>>, vector<16xf32>,
      tpu.vector_store %arg9[%swap3A_246, %swap3A_247], %add3A_245 {strides = array<i32>} : memref<160x128xf32, #tpu.memory_space<vmem>>, vector<16xf32>,
      %get3A_249 = arith.index_cast %scan3A_6 : i32 to index
      %get3A_250 = arith.constant 96 : index
      %get3A_251 = tpu.vector_load %arg7[%get3A_249, %get3A_250] {strides = array<i32>} : memref<160x128xi32, #tpu.memory_space<vmem>>, vector<16xi32>,
      %mul3A_252 = arith.constant 3 : i32
      %mul3A_253 = vector.broadcast %mul3A_252 : i32 to vector<16xi32>
      %mul3A_254 = arith.muli %get3A_251, %mul3A_253 : vector<16xi32>
      %get3A_255 = arith.index_cast %scan3A_6 : i32 to index
      %get3A_256 = arith.constant 96 : index
      %get3A_257 = tpu.vector_load %arg8[%get3A_255, %get3A_256] {strides = array<i32>} : memref<160x128xi32, #tpu.memory_space<vmem>>, vector<16xi32>,
      %mul3A_258 = arith.constant 3 : i32
      %mul3A_259 = vector.broadcast %mul3A_258 : i32 to vector<16xi32>
      %mul3A_260 = arith.muli %get3A_257, %mul3A_259 : vector<16xi32>
      %gather3A_261 = tpu.vector_load_idx %arg6[%mul3A_260] : memref<30000xf32, #tpu.memory_space<vmem>>[vector<16xi32>], vector<16xf32>,
      %gather3A_262 = tpu.vector_load_idx %arg6[%mul3A_254] : memref<30000xf32, #tpu.memory_space<vmem>>[vector<16xi32>], vector<16xf32>,
      %sub3A_263 = arith.subf %gather3A_261, %gather3A_262 : vector<16xf32>
      %add3A_264 = arith.constant 1 : i32
      %add3A_265 = vector.broadcast %add3A_264 : i32 to vector<16xi32>
      %add3A_266 = arith.addi %mul3A_260, %add3A_265 : vector<16xi32>
      %gather3A_267 = tpu.vector_load_idx %arg6[%add3A_266] : memref<30000xf32, #tpu.memory_space<vmem>>[vector<16xi32>], vector<16xf32>,
      %add3A_268 = arith.constant 1 : i32
      %add3A_269 = vector.broadcast %add3A_268 : i32 to vector<16xi32>
      %add3A_270 = arith.addi %mul3A_254, %add3A_269 : vector<16xi32>
      %gather3A_271 = tpu.vector_load_idx %arg6[%add3A_270] : memref<30000xf32, #tpu.memory_space<vmem>>[vector<16xi32>], vector<16xf32>,
      %sub3A_272 = arith.subf %gather3A_267, %gather3A_271 : vector<16xf32>
      %add3A_273 = arith.constant 2 : i32
      %add3A_274 = vector.broadcast %add3A_273 : i32 to vector<16xi32>
      %add3A_275 = arith.addi %mul3A_260, %add3A_274 : vector<16xi32>
      %gather3A_276 = tpu.vector_load_idx %arg6[%add3A_275] : memref<30000xf32, #tpu.memory_space<vmem>>[vector<16xi32>], vector<16xf32>,
      %add3A_277 = arith.constant 2 : i32
      %add3A_278 = vector.broadcast %add3A_277 : i32 to vector<16xi32>
      %add3A_279 = arith.addi %mul3A_254, %add3A_278 : vector<16xi32>
      %gather3A_280 = tpu.vector_load_idx %arg6[%add3A_279] : memref<30000xf32, #tpu.memory_space<vmem>>[vector<16xi32>], vector<16xf32>,
      %sub3A_281 = arith.subf %gather3A_276, %gather3A_280 : vector<16xf32>
      %mul3A_282 = arith.mulf %sub3A_263, %sub3A_263 : vector<16xf32>
      %mul3A_283 = arith.mulf %sub3A_272, %sub3A_272 : vector<16xf32>
      %add3A_284 = arith.addf %mul3A_282, %mul3A_283 : vector<16xf32>
      %mul3A_285 = arith.mulf %sub3A_281, %sub3A_281 : vector<16xf32>
      %add3A_286 = arith.addf %add3A_284, %mul3A_285 : vector<16xf32>
      %swap3A_287 = arith.index_cast %scan3A_6 : i32 to index
      %swap3A_288 = arith.constant 96 : index
      %swap3A_289 = tpu.vector_load %arg9[%swap3A_287, %swap3A_288] {strides = array<i32>} : memref<160x128xf32, #tpu.memory_space<vmem>>, vector<16xf32>,
      tpu.vector_store %arg9[%swap3A_287, %swap3A_288], %add3A_286 {strides = array<i32>} : memref<160x128xf32, #tpu.memory_space<vmem>>, vector<16xf32>,
      %get3A_290 = arith.index_cast %scan3A_6 : i32 to index
      %get3A_291 = arith.constant 112 : index
      %get3A_292 = tpu.vector_load %arg7[%get3A_290, %get3A_291] {strides = array<i32>} : memref<160x128xi32, #tpu.memory_space<vmem>>, vector<16xi32>,
      %mul3A_293 = arith.constant 3 : i32
      %mul3A_294 = vector.broadcast %mul3A_293 : i32 to vector<16xi32>
      %mul3A_295 = arith.muli %get3A_292, %mul3A_294 : vector<16xi32>
      %get3A_296 = arith.index_cast %scan3A_6 : i32 to index
      %get3A_297 = arith.constant 112 : index
      %get3A_298 = tpu.vector_load %arg8[%get3A_296, %get3A_297] {strides = array<i32>} : memref<160x128xi32, #tpu.memory_space<vmem>>, vector<16xi32>,
      %mul3A_299 = arith.constant 3 : i32
      %mul3A_300 = vector.broadcast %mul3A_299 : i32 to vector<16xi32>
      %mul3A_301 = arith.muli %get3A_298, %mul3A_300 : vector<16xi32>
      %gather3A_302 = tpu.vector_load_idx %arg6[%mul3A_301] : memref<30000xf32, #tpu.memory_space<vmem>>[vector<16xi32>], vector<16xf32>,
      %gather3A_303 = tpu.vector_load_idx %arg6[%mul3A_295] : memref<30000xf32, #tpu.memory_space<vmem>>[vector<16xi32>], vector<16xf32>,
      %sub3A_304 = arith.subf %gather3A_302, %gather3A_303 : vector<16xf32>
      %add3A_305 = arith.constant 1 : i32
      %add3A_306 = vector.broadcast %add3A_305 : i32 to vector<16xi32>
      %add3A_307 = arith.addi %mul3A_301, %add3A_306 : vector<16xi32>
      %gather3A_308 = tpu.vector_load_idx %arg6[%add3A_307] : memref<30000xf32, #tpu.memory_space<vmem>>[vector<16xi32>], vector<16xf32>,
      %add3A_309 = arith.constant 1 : i32
      %add3A_310 = vector.broadcast %add3A_309 : i32 to vector<16xi32>
      %add3A_311 = arith.addi %mul3A_295, %add3A_310 : vector<16xi32>
      %gather3A_312 = tpu.vector_load_idx %arg6[%add3A_311] : memref<30000xf32, #tpu.memory_space<vmem>>[vector<16xi32>], vector<16xf32>,
      %sub3A_313 = arith.subf %gather3A_308, %gather3A_312 : vector<16xf32>
      %add3A_314 = arith.constant 2 : i32
      %add3A_315 = vector.broadcast %add3A_314 : i32 to vector<16xi32>
      %add3A_316 = arith.addi %mul3A_301, %add3A_315 : vector<16xi32>
      %gather3A_317 = tpu.vector_load_idx %arg6[%add3A_316] : memref<30000xf32, #tpu.memory_space<vmem>>[vector<16xi32>], vector<16xf32>,
      %add3A_318 = arith.constant 2 : i32
      %add3A_319 = vector.broadcast %add3A_318 : i32 to vector<16xi32>
      %add3A_320 = arith.addi %mul3A_295, %add3A_319 : vector<16xi32>
      %gather3A_321 = tpu.vector_load_idx %arg6[%add3A_320] : memref<30000xf32, #tpu.memory_space<vmem>>[vector<16xi32>], vector<16xf32>,
      %sub3A_322 = arith.subf %gather3A_317, %gather3A_321 : vector<16xf32>
      %mul3A_323 = arith.mulf %sub3A_304, %sub3A_304 : vector<16xf32>
      %mul3A_324 = arith.mulf %sub3A_313, %sub3A_313 : vector<16xf32>
      %add3A_325 = arith.addf %mul3A_323, %mul3A_324 : vector<16xf32>
      %mul3A_326 = arith.mulf %sub3A_322, %sub3A_322 : vector<16xf32>
      %add3A_327 = arith.addf %add3A_325, %mul3A_326 : vector<16xf32>
      %swap3A_328 = arith.index_cast %scan3A_6 : i32 to index
      %swap3A_329 = arith.constant 112 : index
      %swap3A_330 = tpu.vector_load %arg9[%swap3A_328, %swap3A_329] {strides = array<i32>} : memref<160x128xf32, #tpu.memory_space<vmem>>, vector<16xf32>,
      tpu.vector_store %arg9[%swap3A_328, %swap3A_329], %add3A_327 {strides = array<i32>} : memref<160x128xf32, #tpu.memory_space<vmem>>, vector<16xf32>,
    }
    %scan3A_5 = arith.constant 160 : i32
    "tpu.region"() ({
      %run_scoped3A = tpu.sem_alloc : memref<!tpu.dma_semaphore, #tpu.memory_space<semaphore_mem>>
      %dma_start3A = arith.constant 0 : i32
      %dma_start3A_6 = arith.constant 0 : i32
      %dma_start3A_7 = tpu.memref_slice %arg5[%add3A, %dma_start3A, %dma_start3A_6] : memref<32x160x128xf32, #tpu.memory_space<hbm>> -> memref<1x160x128xf32, #tpu.memory_space<hbm>>
      %dma_start3A_8 = tpu.memref_squeeze %dma_start3A_7 : memref<1x160x128xf32, #tpu.memory_space<hbm>> -> memref<160x128xf32, #tpu.memory_space<hbm>>
      %dma_start3A_9 = arith.constant 0 : i32
      %dma_start3A_10 = arith.constant 0 : i32
      %dma_start3A_11 = tpu.memref_slice %arg5[%add3A, %dma_start3A_9, %dma_start3A_10] : memref<32x160x128xf32, #tpu.memory_space<hbm>> -> memref<1x160x128xf32, #tpu.memory_space<hbm>>
      %dma_start3A_12 = tpu.memref_squeeze %dma_start3A_11 : memref<1x160x128xf32, #tpu.memory_space<hbm>> -> memref<160x128xf32, #tpu.memory_space<hbm>>
      tpu.enqueue_dma source(%arg9 : memref<160x128xf32, #tpu.memory_space<vmem>>) target(%dma_start3A_12 : memref<160x128xf32, #tpu.memory_space<hbm>>) target_semaphore(%run_scoped3A : memref<!tpu.dma_semaphore, #tpu.memory_space<semaphore_mem>>)
      %dma_wait3A = arith.constant 0 : i32
      %dma_wait3A_13 = arith.constant 0 : i32
      %dma_wait3A_14 = tpu.memref_slice %arg5[%add3A, %dma_wait3A, %dma_wait3A_13] : memref<32x160x128xf32, #tpu.memory_space<hbm>> -> memref<1x160x128xf32, #tpu.memory_space<hbm>>
      %dma_wait3A_15 = tpu.memref_squeeze %dma_wait3A_14 : memref<1x160x128xf32, #tpu.memory_space<hbm>> -> memref<160x128xf32, #tpu.memory_space<hbm>>
      %dma_wait3A_16 = arith.constant 0 : i32
      %dma_wait3A_17 = arith.constant 0 : i32
      %dma_wait3A_18 = tpu.memref_slice %arg5[%add3A, %dma_wait3A_16, %dma_wait3A_17] : memref<32x160x128xf32, #tpu.memory_space<hbm>> -> memref<1x160x128xf32, #tpu.memory_space<hbm>>
      %dma_wait3A_19 = tpu.memref_squeeze %dma_wait3A_18 : memref<1x160x128xf32, #tpu.memory_space<hbm>> -> memref<160x128xf32, #tpu.memory_space<hbm>>
      tpu.wait_dma2 semaphore(%run_scoped3A : memref<!tpu.dma_semaphore, #tpu.memory_space<semaphore_mem>>) src(%arg9 : memref<160x128xf32, #tpu.memory_space<vmem>>) dst(%dma_wait3A_19 : memref<160x128xf32, #tpu.memory_space<hbm>>)
      tpu.yield
    }) : () -> ()
    return
  }
}

#map = affine_map<(d0, d1) -> (0, 0)>
#map1 = affine_map<(d0, d1) -> (0, 0, 0)>
module attributes {stable_mosaic.version = 14 : i64} {
  func.func @_scatter_body(%arg0: i32, %arg1: i32, %arg2: memref<655360x64xf32, #tpu.memory_space<hbm>>, %arg3: memref<32x160x128xi32, #tpu.memory_space<hbm>>, %arg4: memref<2x10000x64xf32, #tpu.memory_space<hbm>>, %arg5: memref<160x128xi32, #tpu.memory_space<vmem>>, %arg6: memref<4x128x64xf32, #tpu.memory_space<vmem>>, %arg7: memref<128x64xf32, #tpu.memory_space<vmem>>, %arg8: memref<10016x64xf32, #tpu.memory_space<vmem_shared>>, %arg9: memref<!tpu.dma_semaphore, #tpu.memory_space<semaphore_mem>>, %arg10: memref<!tpu.dma_semaphore, #tpu.memory_space<semaphore_mem>>, %arg11: memref<!tpu.dma_semaphore, #tpu.memory_space<semaphore_mem>>, %arg12: memref<!tpu.dma_semaphore, #tpu.memory_space<semaphore_mem>>, %arg13: memref<!tpu.dma_semaphore, #tpu.memory_space<semaphore_mem>>, %arg14: memref<!tpu.dma_semaphore, #tpu.memory_space<semaphore_mem>>, %arg15: memref<!tpu.dma_semaphore, #tpu.memory_space<semaphore_mem>>, %arg16: memref<!tpu.dma_semaphore, #tpu.memory_space<semaphore_mem>>) attributes {dimension_semantics = [#tpu.dimension_semantics<core_parallel>, #tpu.dimension_semantics<subcore_parallel>], iteration_bounds = array<i64: 2, 16>, scalar_prefetch = 0 : i64, scratch_operands = 12 : i64, tpu.core_type = #tpu.core_type<sc_vector_subcore>, window_params = [{transform_indices = #map}, {transform_indices = #map1}, {transform_indices = #map1}]} {
    %mul3A = arith.constant 2 : i32
    %mul3A_0 = arith.muli %arg1, %mul3A : i32
    %add3A = arith.addi %mul3A_0, %arg0 : i32
    %scan3A = arith.constant 0 : i32
    %scan3A_1 = arith.constant 0 : i32
    %scan3A_2 = arith.constant 128 : i32
    %scan3A_3 = arith.addi %scan3A_1, %scan3A_2 : i32
    %scan3A_4 = arith.constant 1 : i32
    scf.for %scan3A_115 = %scan3A_1 to %scan3A_3 step %scan3A_4  : i32 {
      %broadcast_in_dim3A = arith.constant 0.000000e+00 : f32
      %broadcast_in_dim3A_116 = vector.broadcast %broadcast_in_dim3A : f32 to vector<16xf32>
      %swap3A = arith.index_cast %scan3A_115 : i32 to index
      %swap3A_117 = arith.constant 0 : index
      %swap3A_118 = tpu.vector_load %arg7[%swap3A, %swap3A_117] {strides = array<i32>} : memref<128x64xf32, #tpu.memory_space<vmem>>, vector<16xf32>,
      tpu.vector_store %arg7[%swap3A, %swap3A_117], %broadcast_in_dim3A_116 {strides = array<i32>} : memref<128x64xf32, #tpu.memory_space<vmem>>, vector<16xf32>,
      %broadcast_in_dim3A_119 = arith.constant 0.000000e+00 : f32
      %broadcast_in_dim3A_120 = vector.broadcast %broadcast_in_dim3A_119 : f32 to vector<16xf32>
      %swap3A_121 = arith.index_cast %scan3A_115 : i32 to index
      %swap3A_122 = arith.constant 16 : index
      %swap3A_123 = tpu.vector_load %arg7[%swap3A_121, %swap3A_122] {strides = array<i32>} : memref<128x64xf32, #tpu.memory_space<vmem>>, vector<16xf32>,
      tpu.vector_store %arg7[%swap3A_121, %swap3A_122], %broadcast_in_dim3A_120 {strides = array<i32>} : memref<128x64xf32, #tpu.memory_space<vmem>>, vector<16xf32>,
      %broadcast_in_dim3A_124 = arith.constant 0.000000e+00 : f32
      %broadcast_in_dim3A_125 = vector.broadcast %broadcast_in_dim3A_124 : f32 to vector<16xf32>
      %swap3A_126 = arith.index_cast %scan3A_115 : i32 to index
      %swap3A_127 = arith.constant 32 : index
      %swap3A_128 = tpu.vector_load %arg7[%swap3A_126, %swap3A_127] {strides = array<i32>} : memref<128x64xf32, #tpu.memory_space<vmem>>, vector<16xf32>,
      tpu.vector_store %arg7[%swap3A_126, %swap3A_127], %broadcast_in_dim3A_125 {strides = array<i32>} : memref<128x64xf32, #tpu.memory_space<vmem>>, vector<16xf32>,
      %broadcast_in_dim3A_129 = arith.constant 0.000000e+00 : f32
      %broadcast_in_dim3A_130 = vector.broadcast %broadcast_in_dim3A_129 : f32 to vector<16xf32>
      %swap3A_131 = arith.index_cast %scan3A_115 : i32 to index
      %swap3A_132 = arith.constant 48 : index
      %swap3A_133 = tpu.vector_load %arg7[%swap3A_131, %swap3A_132] {strides = array<i32>} : memref<128x64xf32, #tpu.memory_space<vmem>>, vector<16xf32>,
      tpu.vector_store %arg7[%swap3A_131, %swap3A_132], %broadcast_in_dim3A_130 {strides = array<i32>} : memref<128x64xf32, #tpu.memory_space<vmem>>, vector<16xf32>,
    }
    %scan3A_5 = arith.constant 128 : i32
    %mul3A_6 = arith.constant 626 : i32
    %mul3A_7 = arith.muli %arg1, %mul3A_6 : i32
    %add3A_8 = arith.constant 0 : i32
    %add3A_9 = arith.addi %mul3A_7, %add3A_8 : i32
    "tpu.region"() ({
      %run_scoped3A = tpu.sem_alloc : memref<!tpu.dma_semaphore, #tpu.memory_space<semaphore_mem>>
      %dma_start3A_115 = arith.constant 0 : i32
      %dma_start3A_116 = tpu.memref_slice %arg8[%add3A_9, %dma_start3A_115] : memref<10016x64xf32, #tpu.memory_space<vmem_shared>> -> memref<128x64xf32, #tpu.memory_space<vmem_shared>>
      %dma_start3A_117 = arith.constant 0 : i32
      %dma_start3A_118 = tpu.memref_slice %arg8[%add3A_9, %dma_start3A_117] : memref<10016x64xf32, #tpu.memory_space<vmem_shared>> -> memref<128x64xf32, #tpu.memory_space<vmem_shared>>
      tpu.enqueue_dma source(%arg7 : memref<128x64xf32, #tpu.memory_space<vmem>>) target(%dma_start3A_118 : memref<128x64xf32, #tpu.memory_space<vmem_shared>>) target_semaphore(%run_scoped3A : memref<!tpu.dma_semaphore, #tpu.memory_space<semaphore_mem>>)
      %dma_wait3A_119 = arith.constant 0 : i32
      %dma_wait3A_120 = tpu.memref_slice %arg8[%add3A_9, %dma_wait3A_119] : memref<10016x64xf32, #tpu.memory_space<vmem_shared>> -> memref<128x64xf32, #tpu.memory_space<vmem_shared>>
      %dma_wait3A_121 = arith.constant 0 : i32
      %dma_wait3A_122 = tpu.memref_slice %arg8[%add3A_9, %dma_wait3A_121] : memref<10016x64xf32, #tpu.memory_space<vmem_shared>> -> memref<128x64xf32, #tpu.memory_space<vmem_shared>>
      tpu.wait_dma2 semaphore(%run_scoped3A : memref<!tpu.dma_semaphore, #tpu.memory_space<semaphore_mem>>) src(%arg7 : memref<128x64xf32, #tpu.memory_space<vmem>>) dst(%dma_wait3A_122 : memref<128x64xf32, #tpu.memory_space<vmem_shared>>)
      tpu.yield
    }) : () -> ()
    %mul3A_10 = arith.constant 626 : i32
    %mul3A_11 = arith.muli %arg1, %mul3A_10 : i32
    %add3A_12 = arith.constant 128 : i32
    %add3A_13 = arith.addi %mul3A_11, %add3A_12 : i32
    "tpu.region"() ({
      %run_scoped3A = tpu.sem_alloc : memref<!tpu.dma_semaphore, #tpu.memory_space<semaphore_mem>>
      %dma_start3A_115 = arith.constant 0 : i32
      %dma_start3A_116 = tpu.memref_slice %arg8[%add3A_13, %dma_start3A_115] : memref<10016x64xf32, #tpu.memory_space<vmem_shared>> -> memref<128x64xf32, #tpu.memory_space<vmem_shared>>
      %dma_start3A_117 = arith.constant 0 : i32
      %dma_start3A_118 = tpu.memref_slice %arg8[%add3A_13, %dma_start3A_117] : memref<10016x64xf32, #tpu.memory_space<vmem_shared>> -> memref<128x64xf32, #tpu.memory_space<vmem_shared>>
      tpu.enqueue_dma source(%arg7 : memref<128x64xf32, #tpu.memory_space<vmem>>) target(%dma_start3A_118 : memref<128x64xf32, #tpu.memory_space<vmem_shared>>) target_semaphore(%run_scoped3A : memref<!tpu.dma_semaphore, #tpu.memory_space<semaphore_mem>>)
      %dma_wait3A_119 = arith.constant 0 : i32
      %dma_wait3A_120 = tpu.memref_slice %arg8[%add3A_13, %dma_wait3A_119] : memref<10016x64xf32, #tpu.memory_space<vmem_shared>> -> memref<128x64xf32, #tpu.memory_space<vmem_shared>>
      %dma_wait3A_121 = arith.constant 0 : i32
      %dma_wait3A_122 = tpu.memref_slice %arg8[%add3A_13, %dma_wait3A_121] : memref<10016x64xf32, #tpu.memory_space<vmem_shared>> -> memref<128x64xf32, #tpu.memory_space<vmem_shared>>
      tpu.wait_dma2 semaphore(%run_scoped3A : memref<!tpu.dma_semaphore, #tpu.memory_space<semaphore_mem>>) src(%arg7 : memref<128x64xf32, #tpu.memory_space<vmem>>) dst(%dma_wait3A_122 : memref<128x64xf32, #tpu.memory_space<vmem_shared>>)
      tpu.yield
    }) : () -> ()
    %mul3A_14 = arith.constant 626 : i32
    %mul3A_15 = arith.muli %arg1, %mul3A_14 : i32
    %add3A_16 = arith.constant 256 : i32
    %add3A_17 = arith.addi %mul3A_15, %add3A_16 : i32
    "tpu.region"() ({
      %run_scoped3A = tpu.sem_alloc : memref<!tpu.dma_semaphore, #tpu.memory_space<semaphore_mem>>
      %dma_start3A_115 = arith.constant 0 : i32
      %dma_start3A_116 = tpu.memref_slice %arg8[%add3A_17, %dma_start3A_115] : memref<10016x64xf32, #tpu.memory_space<vmem_shared>> -> memref<128x64xf32, #tpu.memory_space<vmem_shared>>
      %dma_start3A_117 = arith.constant 0 : i32
      %dma_start3A_118 = tpu.memref_slice %arg8[%add3A_17, %dma_start3A_117] : memref<10016x64xf32, #tpu.memory_space<vmem_shared>> -> memref<128x64xf32, #tpu.memory_space<vmem_shared>>
      tpu.enqueue_dma source(%arg7 : memref<128x64xf32, #tpu.memory_space<vmem>>) target(%dma_start3A_118 : memref<128x64xf32, #tpu.memory_space<vmem_shared>>) target_semaphore(%run_scoped3A : memref<!tpu.dma_semaphore, #tpu.memory_space<semaphore_mem>>)
      %dma_wait3A_119 = arith.constant 0 : i32
      %dma_wait3A_120 = tpu.memref_slice %arg8[%add3A_17, %dma_wait3A_119] : memref<10016x64xf32, #tpu.memory_space<vmem_shared>> -> memref<128x64xf32, #tpu.memory_space<vmem_shared>>
      %dma_wait3A_121 = arith.constant 0 : i32
      %dma_wait3A_122 = tpu.memref_slice %arg8[%add3A_17, %dma_wait3A_121] : memref<10016x64xf32, #tpu.memory_space<vmem_shared>> -> memref<128x64xf32, #tpu.memory_space<vmem_shared>>
      tpu.wait_dma2 semaphore(%run_scoped3A : memref<!tpu.dma_semaphore, #tpu.memory_space<semaphore_mem>>) src(%arg7 : memref<128x64xf32, #tpu.memory_space<vmem>>) dst(%dma_wait3A_122 : memref<128x64xf32, #tpu.memory_space<vmem_shared>>)
      tpu.yield
    }) : () -> ()
    %mul3A_18 = arith.constant 626 : i32
    %mul3A_19 = arith.muli %arg1, %mul3A_18 : i32
    %add3A_20 = arith.constant 384 : i32
    %add3A_21 = arith.addi %mul3A_19, %add3A_20 : i32
    "tpu.region"() ({
      %run_scoped3A = tpu.sem_alloc : memref<!tpu.dma_semaphore, #tpu.memory_space<semaphore_mem>>
      %dma_start3A_115 = arith.constant 0 : i32
      %dma_start3A_116 = tpu.memref_slice %arg8[%add3A_21, %dma_start3A_115] : memref<10016x64xf32, #tpu.memory_space<vmem_shared>> -> memref<128x64xf32, #tpu.memory_space<vmem_shared>>
      %dma_start3A_117 = arith.constant 0 : i32
      %dma_start3A_118 = tpu.memref_slice %arg8[%add3A_21, %dma_start3A_117] : memref<10016x64xf32, #tpu.memory_space<vmem_shared>> -> memref<128x64xf32, #tpu.memory_space<vmem_shared>>
      tpu.enqueue_dma source(%arg7 : memref<128x64xf32, #tpu.memory_space<vmem>>) target(%dma_start3A_118 : memref<128x64xf32, #tpu.memory_space<vmem_shared>>) target_semaphore(%run_scoped3A : memref<!tpu.dma_semaphore, #tpu.memory_space<semaphore_mem>>)
      %dma_wait3A_119 = arith.constant 0 : i32
      %dma_wait3A_120 = tpu.memref_slice %arg8[%add3A_21, %dma_wait3A_119] : memref<10016x64xf32, #tpu.memory_space<vmem_shared>> -> memref<128x64xf32, #tpu.memory_space<vmem_shared>>
      %dma_wait3A_121 = arith.constant 0 : i32
      %dma_wait3A_122 = tpu.memref_slice %arg8[%add3A_21, %dma_wait3A_121] : memref<10016x64xf32, #tpu.memory_space<vmem_shared>> -> memref<128x64xf32, #tpu.memory_space<vmem_shared>>
      tpu.wait_dma2 semaphore(%run_scoped3A : memref<!tpu.dma_semaphore, #tpu.memory_space<semaphore_mem>>) src(%arg7 : memref<128x64xf32, #tpu.memory_space<vmem>>) dst(%dma_wait3A_122 : memref<128x64xf32, #tpu.memory_space<vmem_shared>>)
      tpu.yield
    }) : () -> ()
    %mul3A_22 = arith.constant 626 : i32
    %mul3A_23 = arith.muli %arg1, %mul3A_22 : i32
    %add3A_24 = arith.constant 512 : i32
    %add3A_25 = arith.addi %mul3A_23, %add3A_24 : i32
    "tpu.region"() ({
      %run_scoped3A = tpu.sem_alloc : memref<!tpu.dma_semaphore, #tpu.memory_space<semaphore_mem>>
      %dma_start3A_115 = arith.constant 0 : i32
      %dma_start3A_116 = arith.constant 0 : i32
      %dma_start3A_117 = tpu.memref_slice %arg7[%dma_start3A_115, %dma_start3A_116] : memref<128x64xf32, #tpu.memory_space<vmem>> -> memref<114x64xf32, #tpu.memory_space<vmem>>
      %dma_start3A_118 = arith.constant 0 : i32
      %dma_start3A_119 = tpu.memref_slice %arg8[%add3A_25, %dma_start3A_118] : memref<10016x64xf32, #tpu.memory_space<vmem_shared>> -> memref<114x64xf32, #tpu.memory_space<vmem_shared>>
      %dma_start3A_120 = arith.constant 0 : i32
      %dma_start3A_121 = tpu.memref_slice %arg8[%add3A_25, %dma_start3A_120] : memref<10016x64xf32, #tpu.memory_space<vmem_shared>> -> memref<114x64xf32, #tpu.memory_space<vmem_shared>>
      %dma_start3A_122 = arith.constant 0 : i32
      %dma_start3A_123 = arith.constant 0 : i32
      %dma_start3A_124 = tpu.memref_slice %arg7[%dma_start3A_122, %dma_start3A_123] : memref<128x64xf32, #tpu.memory_space<vmem>> -> memref<114x64xf32, #tpu.memory_space<vmem>>
      tpu.enqueue_dma source(%dma_start3A_124 : memref<114x64xf32, #tpu.memory_space<vmem>>) target(%dma_start3A_121 : memref<114x64xf32, #tpu.memory_space<vmem_shared>>) target_semaphore(%run_scoped3A : memref<!tpu.dma_semaphore, #tpu.memory_space<semaphore_mem>>)
      %dma_wait3A_125 = arith.constant 0 : i32
      %dma_wait3A_126 = arith.constant 0 : i32
      %dma_wait3A_127 = tpu.memref_slice %arg7[%dma_wait3A_125, %dma_wait3A_126] : memref<128x64xf32, #tpu.memory_space<vmem>> -> memref<114x64xf32, #tpu.memory_space<vmem>>
      %dma_wait3A_128 = arith.constant 0 : i32
      %dma_wait3A_129 = tpu.memref_slice %arg8[%add3A_25, %dma_wait3A_128] : memref<10016x64xf32, #tpu.memory_space<vmem_shared>> -> memref<114x64xf32, #tpu.memory_space<vmem_shared>>
      %dma_wait3A_130 = arith.constant 0 : i32
      %dma_wait3A_131 = tpu.memref_slice %arg8[%add3A_25, %dma_wait3A_130] : memref<10016x64xf32, #tpu.memory_space<vmem_shared>> -> memref<114x64xf32, #tpu.memory_space<vmem_shared>>
      %dma_wait3A_132 = arith.constant 0 : i32
      %dma_wait3A_133 = arith.constant 0 : i32
      %dma_wait3A_134 = tpu.memref_slice %arg7[%dma_wait3A_132, %dma_wait3A_133] : memref<128x64xf32, #tpu.memory_space<vmem>> -> memref<114x64xf32, #tpu.memory_space<vmem>>
      tpu.wait_dma2 semaphore(%run_scoped3A : memref<!tpu.dma_semaphore, #tpu.memory_space<semaphore_mem>>) src(%dma_wait3A_134 : memref<114x64xf32, #tpu.memory_space<vmem>>) dst(%dma_wait3A_131 : memref<114x64xf32, #tpu.memory_space<vmem_shared>>)
      tpu.yield
    }) : () -> ()
    %barrier3A = arith.constant 0 : index
    tpu.barrier barrier_id(%barrier3A)
    "tpu.region"() ({
      %run_scoped3A = tpu.sem_alloc : memref<!tpu.dma_semaphore, #tpu.memory_space<semaphore_mem>>
      %dma_start3A_115 = arith.constant 0 : i32
      %dma_start3A_116 = arith.constant 0 : i32
      %dma_start3A_117 = tpu.memref_slice %arg3[%add3A, %dma_start3A_115, %dma_start3A_116] : memref<32x160x128xi32, #tpu.memory_space<hbm>> -> memref<1x160x128xi32, #tpu.memory_space<hbm>>
      %dma_start3A_118 = tpu.memref_squeeze %dma_start3A_117 : memref<1x160x128xi32, #tpu.memory_space<hbm>> -> memref<160x128xi32, #tpu.memory_space<hbm>>
      %dma_start3A_119 = arith.constant 0 : i32
      %dma_start3A_120 = arith.constant 0 : i32
      %dma_start3A_121 = tpu.memref_slice %arg3[%add3A, %dma_start3A_119, %dma_start3A_120] : memref<32x160x128xi32, #tpu.memory_space<hbm>> -> memref<1x160x128xi32, #tpu.memory_space<hbm>>
      %dma_start3A_122 = tpu.memref_squeeze %dma_start3A_121 : memref<1x160x128xi32, #tpu.memory_space<hbm>> -> memref<160x128xi32, #tpu.memory_space<hbm>>
      tpu.enqueue_dma source(%dma_start3A_122 : memref<160x128xi32, #tpu.memory_space<hbm>>) target(%arg5 : memref<160x128xi32, #tpu.memory_space<vmem>>) target_semaphore(%run_scoped3A : memref<!tpu.dma_semaphore, #tpu.memory_space<semaphore_mem>>)
      %dma_wait3A_123 = arith.constant 0 : i32
      %dma_wait3A_124 = arith.constant 0 : i32
      %dma_wait3A_125 = tpu.memref_slice %arg3[%add3A, %dma_wait3A_123, %dma_wait3A_124] : memref<32x160x128xi32, #tpu.memory_space<hbm>> -> memref<1x160x128xi32, #tpu.memory_space<hbm>>
      %dma_wait3A_126 = tpu.memref_squeeze %dma_wait3A_125 : memref<1x160x128xi32, #tpu.memory_space<hbm>> -> memref<160x128xi32, #tpu.memory_space<hbm>>
      %dma_wait3A_127 = arith.constant 0 : i32
      %dma_wait3A_128 = arith.constant 0 : i32
      %dma_wait3A_129 = tpu.memref_slice %arg3[%add3A, %dma_wait3A_127, %dma_wait3A_128] : memref<32x160x128xi32, #tpu.memory_space<hbm>> -> memref<1x160x128xi32, #tpu.memory_space<hbm>>
      %dma_wait3A_130 = tpu.memref_squeeze %dma_wait3A_129 : memref<1x160x128xi32, #tpu.memory_space<hbm>> -> memref<160x128xi32, #tpu.memory_space<hbm>>
      tpu.wait_dma2 semaphore(%run_scoped3A : memref<!tpu.dma_semaphore, #tpu.memory_space<semaphore_mem>>) src(%dma_wait3A_130 : memref<160x128xi32, #tpu.memory_space<hbm>>) dst(%arg5 : memref<160x128xi32, #tpu.memory_space<vmem>>)
      tpu.yield
    }) : () -> ()
    %mul3A_26 = arith.constant 20480 : i32
    %mul3A_27 = arith.muli %add3A, %mul3A_26 : i32
    %add3A_28 = arith.constant 0 : i32
    %add3A_29 = arith.addi %mul3A_27, %add3A_28 : i32
    %dma_start3A = arith.constant 0 : i32
    %dma_start3A_30 = arith.constant 0 : i32
    %dma_start3A_31 = arith.constant 0 : i32
    %dma_start3A_32 = tpu.memref_slice %arg6[%dma_start3A, %dma_start3A_30, %dma_start3A_31] : memref<4x128x64xf32, #tpu.memory_space<vmem>> -> memref<1x128x64xf32, #tpu.memory_space<vmem>>
    %dma_start3A_33 = tpu.memref_squeeze %dma_start3A_32 : memref<1x128x64xf32, #tpu.memory_space<vmem>> -> memref<128x64xf32, #tpu.memory_space<vmem>>
    %dma_start3A_34 = arith.constant 0 : i32
    %dma_start3A_35 = tpu.memref_slice %arg2[%add3A_29, %dma_start3A_34] : memref<655360x64xf32, #tpu.memory_space<hbm>> -> memref<128x64xf32, #tpu.memory_space<hbm>>
    %dma_start3A_36 = arith.constant 0 : i32
    %dma_start3A_37 = arith.constant 0 : i32
    %dma_start3A_38 = tpu.memref_slice %arg6[%dma_start3A, %dma_start3A_36, %dma_start3A_37] : memref<4x128x64xf32, #tpu.memory_space<vmem>> -> memref<1x128x64xf32, #tpu.memory_space<vmem>>
    %dma_start3A_39 = tpu.memref_squeeze %dma_start3A_38 : memref<1x128x64xf32, #tpu.memory_space<vmem>> -> memref<128x64xf32, #tpu.memory_space<vmem>>
    %dma_start3A_40 = arith.constant 0 : i32
    %dma_start3A_41 = tpu.memref_slice %arg2[%add3A_29, %dma_start3A_40] : memref<655360x64xf32, #tpu.memory_space<hbm>> -> memref<128x64xf32, #tpu.memory_space<hbm>>
    tpu.enqueue_dma source(%dma_start3A_41 : memref<128x64xf32, #tpu.memory_space<hbm>>) target(%dma_start3A_39 : memref<128x64xf32, #tpu.memory_space<vmem>>) target_semaphore(%arg9 : memref<!tpu.dma_semaphore, #tpu.memory_space<semaphore_mem>>)
    %add3A_42 = arith.constant 128 : i32
    %add3A_43 = arith.addi %mul3A_27, %add3A_42 : i32
    %dma_start3A_44 = arith.constant 1 : i32
    %dma_start3A_45 = arith.constant 0 : i32
    %dma_start3A_46 = arith.constant 0 : i32
    %dma_start3A_47 = tpu.memref_slice %arg6[%dma_start3A_44, %dma_start3A_45, %dma_start3A_46] : memref<4x128x64xf32, #tpu.memory_space<vmem>> -> memref<1x128x64xf32, #tpu.memory_space<vmem>>
    %dma_start3A_48 = tpu.memref_squeeze %dma_start3A_47 : memref<1x128x64xf32, #tpu.memory_space<vmem>> -> memref<128x64xf32, #tpu.memory_space<vmem>>
    %dma_start3A_49 = arith.constant 0 : i32
    %dma_start3A_50 = tpu.memref_slice %arg2[%add3A_43, %dma_start3A_49] : memref<655360x64xf32, #tpu.memory_space<hbm>> -> memref<128x64xf32, #tpu.memory_space<hbm>>
    %dma_start3A_51 = arith.constant 0 : i32
    %dma_start3A_52 = arith.constant 0 : i32
    %dma_start3A_53 = tpu.memref_slice %arg6[%dma_start3A_44, %dma_start3A_51, %dma_start3A_52] : memref<4x128x64xf32, #tpu.memory_space<vmem>> -> memref<1x128x64xf32, #tpu.memory_space<vmem>>
    %dma_start3A_54 = tpu.memref_squeeze %dma_start3A_53 : memref<1x128x64xf32, #tpu.memory_space<vmem>> -> memref<128x64xf32, #tpu.memory_space<vmem>>
    %dma_start3A_55 = arith.constant 0 : i32
    %dma_start3A_56 = tpu.memref_slice %arg2[%add3A_43, %dma_start3A_55] : memref<655360x64xf32, #tpu.memory_space<hbm>> -> memref<128x64xf32, #tpu.memory_space<hbm>>
    tpu.enqueue_dma source(%dma_start3A_56 : memref<128x64xf32, #tpu.memory_space<hbm>>) target(%dma_start3A_54 : memref<128x64xf32, #tpu.memory_space<vmem>>) target_semaphore(%arg10 : memref<!tpu.dma_semaphore, #tpu.memory_space<semaphore_mem>>)
    %scan3A_57 = arith.constant 0 : i32
    %scan3A_58 = arith.constant 0 : i32
    %scan3A_59 = arith.constant 40 : i32
    %scan3A_60 = arith.addi %scan3A_58, %scan3A_59 : i32
    %scan3A_61 = arith.constant 1 : i32
    scf.for %scan3A_115 = %scan3A_58 to %scan3A_60 step %scan3A_61  : i32 {
      %mul3A_116 = arith.constant 4 : i32
      %mul3A_117 = arith.muli %scan3A_115, %mul3A_116 : i32
      %add3A_118 = arith.constant 0 : i32
      %add3A_119 = arith.addi %mul3A_117, %add3A_118 : i32
      %add3A_120 = arith.constant 2 : i32
      %add3A_121 = arith.addi %add3A_119, %add3A_120 : i32
      %lt3A = arith.constant 160 : i32
      %lt3A_122 = arith.cmpi slt, %add3A_121, %lt3A : i32
      %convert_element_type3A = arith.extui %lt3A_122 : i1 to i32
      %cond3A = arith.constant 0 : i32
      %cond3A_123 = arith.cmpi ne, %convert_element_type3A, %cond3A : i32
      scf.if %cond3A_123 {
        %ge3A = arith.constant 2 : i32
        %ge3A_253 = arith.cmpi sge, %add3A_119, %ge3A : i32
        %convert_element_type3A_254 = arith.extui %ge3A_253 : i1 to i32
        %cond3A_255 = arith.constant 0 : i32
        %cond3A_256 = arith.cmpi ne, %convert_element_type3A_254, %cond3A_255 : i32
        scf.if %cond3A_256 {
          %dma_wait3A_275 = arith.constant 2 : i32
          %dma_wait3A_276 = arith.constant 0 : i32
          %dma_wait3A_277 = arith.constant 0 : i32
          %dma_wait3A_278 = tpu.memref_slice %arg6[%dma_wait3A_275, %dma_wait3A_276, %dma_wait3A_277] : memref<4x128x64xf32, #tpu.memory_space<vmem>> -> memref<1x128x64xf32, #tpu.memory_space<vmem>>
          %dma_wait3A_279 = tpu.memref_squeeze %dma_wait3A_278 : memref<1x128x64xf32, #tpu.memory_space<vmem>> -> memref<128x64xf32, #tpu.memory_space<vmem>>
          %dma_wait3A_280 = arith.constant 0 : i32
          %dma_wait3A_281 = tpu.memref_slice %arg5[%add3A_119, %dma_wait3A_280] : memref<160x128xi32, #tpu.memory_space<vmem>> -> memref<1x128xi32, #tpu.memory_space<vmem>>
          %dma_wait3A_282 = tpu.memref_squeeze %dma_wait3A_281 : memref<1x128xi32, #tpu.memory_space<vmem>> -> memref<128xi32, #tpu.memory_space<vmem>>
          %dma_wait3A_283 = arith.constant 0 : i32
          %dma_wait3A_284 = arith.constant 0 : i32
          %dma_wait3A_285 = tpu.memref_slice %arg8[%dma_wait3A_283, %dma_wait3A_284] : memref<10016x64xf32, #tpu.memory_space<vmem_shared>> -> memref<10016x64xf32, #tpu.memory_space<vmem_shared>>
          tpu.wait_indirect_dma semaphore(%arg15 : memref<!tpu.dma_semaphore, #tpu.memory_space<semaphore_mem>>) src(%dma_wait3A_279 : memref<128x64xf32, #tpu.memory_space<vmem>>) dst(%dma_wait3A_285 : memref<10016x64xf32, #tpu.memory_space<vmem_shared>>)
        } else {
        }
        %add3A_257 = arith.constant 2 : i32
        %add3A_258 = arith.addi %add3A_119, %add3A_257 : i32
        %mul3A_259 = arith.constant 128 : i32
        %mul3A_260 = arith.muli %add3A_258, %mul3A_259 : i32
        %add3A_261 = arith.addi %mul3A_27, %mul3A_260 : i32
        %dma_start3A_262 = arith.constant 2 : i32
        %dma_start3A_263 = arith.constant 0 : i32
        %dma_start3A_264 = arith.constant 0 : i32
        %dma_start3A_265 = tpu.memref_slice %arg6[%dma_start3A_262, %dma_start3A_263, %dma_start3A_264] : memref<4x128x64xf32, #tpu.memory_space<vmem>> -> memref<1x128x64xf32, #tpu.memory_space<vmem>>
        %dma_start3A_266 = tpu.memref_squeeze %dma_start3A_265 : memref<1x128x64xf32, #tpu.memory_space<vmem>> -> memref<128x64xf32, #tpu.memory_space<vmem>>
        %dma_start3A_267 = arith.constant 0 : i32
        %dma_start3A_268 = tpu.memref_slice %arg2[%add3A_261, %dma_start3A_267] : memref<655360x64xf32, #tpu.memory_space<hbm>> -> memref<128x64xf32, #tpu.memory_space<hbm>>
        %dma_start3A_269 = arith.constant 0 : i32
        %dma_start3A_270 = arith.constant 0 : i32
        %dma_start3A_271 = tpu.memref_slice %arg6[%dma_start3A_262, %dma_start3A_269, %dma_start3A_270] : memref<4x128x64xf32, #tpu.memory_space<vmem>> -> memref<1x128x64xf32, #tpu.memory_space<vmem>>
        %dma_start3A_272 = tpu.memref_squeeze %dma_start3A_271 : memref<1x128x64xf32, #tpu.memory_space<vmem>> -> memref<128x64xf32, #tpu.memory_space<vmem>>
        %dma_start3A_273 = arith.constant 0 : i32
        %dma_start3A_274 = tpu.memref_slice %arg2[%add3A_261, %dma_start3A_273] : memref<655360x64xf32, #tpu.memory_space<hbm>> -> memref<128x64xf32, #tpu.memory_space<hbm>>
        tpu.enqueue_dma source(%dma_start3A_274 : memref<128x64xf32, #tpu.memory_space<hbm>>) target(%dma_start3A_272 : memref<128x64xf32, #tpu.memory_space<vmem>>) target_semaphore(%arg11 : memref<!tpu.dma_semaphore, #tpu.memory_space<semaphore_mem>>)
      } else {
      }
      %dma_wait3A_124 = arith.constant 0 : i32
      %dma_wait3A_125 = arith.constant 0 : i32
      %dma_wait3A_126 = arith.constant 0 : i32
      %dma_wait3A_127 = tpu.memref_slice %arg6[%dma_wait3A_124, %dma_wait3A_125, %dma_wait3A_126] : memref<4x128x64xf32, #tpu.memory_space<vmem>> -> memref<1x128x64xf32, #tpu.memory_space<vmem>>
      %dma_wait3A_128 = tpu.memref_squeeze %dma_wait3A_127 : memref<1x128x64xf32, #tpu.memory_space<vmem>> -> memref<128x64xf32, #tpu.memory_space<vmem>>
      %dma_wait3A_129 = arith.constant 0 : i32
      %dma_wait3A_130 = tpu.memref_slice %arg2[%mul3A_27, %dma_wait3A_129] : memref<655360x64xf32, #tpu.memory_space<hbm>> -> memref<128x64xf32, #tpu.memory_space<hbm>>
      %dma_wait3A_131 = arith.constant 0 : i32
      %dma_wait3A_132 = arith.constant 0 : i32
      %dma_wait3A_133 = tpu.memref_slice %arg6[%dma_wait3A_124, %dma_wait3A_131, %dma_wait3A_132] : memref<4x128x64xf32, #tpu.memory_space<vmem>> -> memref<1x128x64xf32, #tpu.memory_space<vmem>>
      %dma_wait3A_134 = tpu.memref_squeeze %dma_wait3A_133 : memref<1x128x64xf32, #tpu.memory_space<vmem>> -> memref<128x64xf32, #tpu.memory_space<vmem>>
      %dma_wait3A_135 = arith.constant 0 : i32
      %dma_wait3A_136 = tpu.memref_slice %arg2[%mul3A_27, %dma_wait3A_135] : memref<655360x64xf32, #tpu.memory_space<hbm>> -> memref<128x64xf32, #tpu.memory_space<hbm>>
      tpu.wait_dma2 semaphore(%arg9 : memref<!tpu.dma_semaphore, #tpu.memory_space<semaphore_mem>>) src(%dma_wait3A_136 : memref<128x64xf32, #tpu.memory_space<hbm>>) dst(%dma_wait3A_134 : memref<128x64xf32, #tpu.memory_space<vmem>>)
      %dma_start3A_137 = arith.constant 0 : i32
      %dma_start3A_138 = arith.constant 0 : i32
      %dma_start3A_139 = arith.constant 0 : i32
      %dma_start3A_140 = tpu.memref_slice %arg6[%dma_start3A_137, %dma_start3A_138, %dma_start3A_139] : memref<4x128x64xf32, #tpu.memory_space<vmem>> -> memref<1x128x64xf32, #tpu.memory_space<vmem>>
      %dma_start3A_141 = tpu.memref_squeeze %dma_start3A_140 : memref<1x128x64xf32, #tpu.memory_space<vmem>> -> memref<128x64xf32, #tpu.memory_space<vmem>>
      %dma_start3A_142 = arith.constant 0 : i32
      %dma_start3A_143 = tpu.memref_slice %arg5[%add3A_119, %dma_start3A_142] : memref<160x128xi32, #tpu.memory_space<vmem>> -> memref<1x128xi32, #tpu.memory_space<vmem>>
      %dma_start3A_144 = tpu.memref_squeeze %dma_start3A_143 : memref<1x128xi32, #tpu.memory_space<vmem>> -> memref<128xi32, #tpu.memory_space<vmem>>
      %dma_start3A_145 = arith.constant 0 : i32
      %dma_start3A_146 = arith.constant 0 : i32
      %dma_start3A_147 = tpu.memref_slice %arg8[%dma_start3A_145, %dma_start3A_146] : memref<10016x64xf32, #tpu.memory_space<vmem_shared>> -> memref<10016x64xf32, #tpu.memory_space<vmem_shared>>
      tpu.enqueue_indirect_dma source(%dma_start3A_141 : memref<128x64xf32, #tpu.memory_space<vmem>>) target(%dma_start3A_147 : memref<10016x64xf32, #tpu.memory_space<vmem_shared>>) offsets(%dma_start3A_144 : memref<128xi32, #tpu.memory_space<vmem>>) semaphore(%arg13 : memref<!tpu.dma_semaphore, #tpu.memory_space<semaphore_mem>>) {add = true}
      %mul3A_148 = arith.constant 4 : i32
      %mul3A_149 = arith.muli %scan3A_115, %mul3A_148 : i32
      %add3A_150 = arith.constant 1 : i32
      %add3A_151 = arith.addi %mul3A_149, %add3A_150 : i32
      %add3A_152 = arith.constant 2 : i32
      %add3A_153 = arith.addi %add3A_151, %add3A_152 : i32
      %lt3A_154 = arith.constant 160 : i32
      %lt3A_155 = arith.cmpi slt, %add3A_153, %lt3A_154 : i32
      %convert_element_type3A_156 = arith.extui %lt3A_155 : i1 to i32
      %cond3A_157 = arith.constant 0 : i32
      %cond3A_158 = arith.cmpi ne, %convert_element_type3A_156, %cond3A_157 : i32
      scf.if %cond3A_158 {
        %ge3A = arith.constant 2 : i32
        %ge3A_253 = arith.cmpi sge, %add3A_151, %ge3A : i32
        %convert_element_type3A_254 = arith.extui %ge3A_253 : i1 to i32
        %cond3A_255 = arith.constant 0 : i32
        %cond3A_256 = arith.cmpi ne, %convert_element_type3A_254, %cond3A_255 : i32
        scf.if %cond3A_256 {
          %dma_wait3A_275 = arith.constant 3 : i32
          %dma_wait3A_276 = arith.constant 0 : i32
          %dma_wait3A_277 = arith.constant 0 : i32
          %dma_wait3A_278 = tpu.memref_slice %arg6[%dma_wait3A_275, %dma_wait3A_276, %dma_wait3A_277] : memref<4x128x64xf32, #tpu.memory_space<vmem>> -> memref<1x128x64xf32, #tpu.memory_space<vmem>>
          %dma_wait3A_279 = tpu.memref_squeeze %dma_wait3A_278 : memref<1x128x64xf32, #tpu.memory_space<vmem>> -> memref<128x64xf32, #tpu.memory_space<vmem>>
          %dma_wait3A_280 = arith.constant 0 : i32
          %dma_wait3A_281 = tpu.memref_slice %arg5[%add3A_151, %dma_wait3A_280] : memref<160x128xi32, #tpu.memory_space<vmem>> -> memref<1x128xi32, #tpu.memory_space<vmem>>
          %dma_wait3A_282 = tpu.memref_squeeze %dma_wait3A_281 : memref<1x128xi32, #tpu.memory_space<vmem>> -> memref<128xi32, #tpu.memory_space<vmem>>
          %dma_wait3A_283 = arith.constant 0 : i32
          %dma_wait3A_284 = arith.constant 0 : i32
          %dma_wait3A_285 = tpu.memref_slice %arg8[%dma_wait3A_283, %dma_wait3A_284] : memref<10016x64xf32, #tpu.memory_space<vmem_shared>> -> memref<10016x64xf32, #tpu.memory_space<vmem_shared>>
          tpu.wait_indirect_dma semaphore(%arg16 : memref<!tpu.dma_semaphore, #tpu.memory_space<semaphore_mem>>) src(%dma_wait3A_279 : memref<128x64xf32, #tpu.memory_space<vmem>>) dst(%dma_wait3A_285 : memref<10016x64xf32, #tpu.memory_space<vmem_shared>>)
        } else {
        }
        %add3A_257 = arith.constant 2 : i32
        %add3A_258 = arith.addi %add3A_151, %add3A_257 : i32
        %mul3A_259 = arith.constant 128 : i32
        %mul3A_260 = arith.muli %add3A_258, %mul3A_259 : i32
        %add3A_261 = arith.addi %mul3A_27, %mul3A_260 : i32
        %dma_start3A_262 = arith.constant 3 : i32
        %dma_start3A_263 = arith.constant 0 : i32
        %dma_start3A_264 = arith.constant 0 : i32
        %dma_start3A_265 = tpu.memref_slice %arg6[%dma_start3A_262, %dma_start3A_263, %dma_start3A_264] : memref<4x128x64xf32, #tpu.memory_space<vmem>> -> memref<1x128x64xf32, #tpu.memory_space<vmem>>
        %dma_start3A_266 = tpu.memref_squeeze %dma_start3A_265 : memref<1x128x64xf32, #tpu.memory_space<vmem>> -> memref<128x64xf32, #tpu.memory_space<vmem>>
        %dma_start3A_267 = arith.constant 0 : i32
        %dma_start3A_268 = tpu.memref_slice %arg2[%add3A_261, %dma_start3A_267] : memref<655360x64xf32, #tpu.memory_space<hbm>> -> memref<128x64xf32, #tpu.memory_space<hbm>>
        %dma_start3A_269 = arith.constant 0 : i32
        %dma_start3A_270 = arith.constant 0 : i32
        %dma_start3A_271 = tpu.memref_slice %arg6[%dma_start3A_262, %dma_start3A_269, %dma_start3A_270] : memref<4x128x64xf32, #tpu.memory_space<vmem>> -> memref<1x128x64xf32, #tpu.memory_space<vmem>>
        %dma_start3A_272 = tpu.memref_squeeze %dma_start3A_271 : memref<1x128x64xf32, #tpu.memory_space<vmem>> -> memref<128x64xf32, #tpu.memory_space<vmem>>
        %dma_start3A_273 = arith.constant 0 : i32
        %dma_start3A_274 = tpu.memref_slice %arg2[%add3A_261, %dma_start3A_273] : memref<655360x64xf32, #tpu.memory_space<hbm>> -> memref<128x64xf32, #tpu.memory_space<hbm>>
        tpu.enqueue_dma source(%dma_start3A_274 : memref<128x64xf32, #tpu.memory_space<hbm>>) target(%dma_start3A_272 : memref<128x64xf32, #tpu.memory_space<vmem>>) target_semaphore(%arg12 : memref<!tpu.dma_semaphore, #tpu.memory_space<semaphore_mem>>)
      } else {
      }
      %dma_wait3A_159 = arith.constant 1 : i32
      %dma_wait3A_160 = arith.constant 0 : i32
      %dma_wait3A_161 = arith.constant 0 : i32
      %dma_wait3A_162 = tpu.memref_slice %arg6[%dma_wait3A_159, %dma_wait3A_160, %dma_wait3A_161] : memref<4x128x64xf32, #tpu.memory_space<vmem>> -> memref<1x128x64xf32, #tpu.memory_space<vmem>>
      %dma_wait3A_163 = tpu.memref_squeeze %dma_wait3A_162 : memref<1x128x64xf32, #tpu.memory_space<vmem>> -> memref<128x64xf32, #tpu.memory_space<vmem>>
      %dma_wait3A_164 = arith.constant 0 : i32
      %dma_wait3A_165 = tpu.memref_slice %arg2[%mul3A_27, %dma_wait3A_164] : memref<655360x64xf32, #tpu.memory_space<hbm>> -> memref<128x64xf32, #tpu.memory_space<hbm>>
      %dma_wait3A_166 = arith.constant 0 : i32
      %dma_wait3A_167 = arith.constant 0 : i32
      %dma_wait3A_168 = tpu.memref_slice %arg6[%dma_wait3A_159, %dma_wait3A_166, %dma_wait3A_167] : memref<4x128x64xf32, #tpu.memory_space<vmem>> -> memref<1x128x64xf32, #tpu.memory_space<vmem>>
      %dma_wait3A_169 = tpu.memref_squeeze %dma_wait3A_168 : memref<1x128x64xf32, #tpu.memory_space<vmem>> -> memref<128x64xf32, #tpu.memory_space<vmem>>
      %dma_wait3A_170 = arith.constant 0 : i32
      %dma_wait3A_171 = tpu.memref_slice %arg2[%mul3A_27, %dma_wait3A_170] : memref<655360x64xf32, #tpu.memory_space<hbm>> -> memref<128x64xf32, #tpu.memory_space<hbm>>
      tpu.wait_dma2 semaphore(%arg10 : memref<!tpu.dma_semaphore, #tpu.memory_space<semaphore_mem>>) src(%dma_wait3A_171 : memref<128x64xf32, #tpu.memory_space<hbm>>) dst(%dma_wait3A_169 : memref<128x64xf32, #tpu.memory_space<vmem>>)
      %dma_start3A_172 = arith.constant 1 : i32
      %dma_start3A_173 = arith.constant 0 : i32
      %dma_start3A_174 = arith.constant 0 : i32
      %dma_start3A_175 = tpu.memref_slice %arg6[%dma_start3A_172, %dma_start3A_173, %dma_start3A_174] : memref<4x128x64xf32, #tpu.memory_space<vmem>> -> memref<1x128x64xf32, #tpu.memory_space<vmem>>
      %dma_start3A_176 = tpu.memref_squeeze %dma_start3A_175 : memref<1x128x64xf32, #tpu.memory_space<vmem>> -> memref<128x64xf32, #tpu.memory_space<vmem>>
      %dma_start3A_177 = arith.constant 0 : i32
      %dma_start3A_178 = tpu.memref_slice %arg5[%add3A_151, %dma_start3A_177] : memref<160x128xi32, #tpu.memory_space<vmem>> -> memref<1x128xi32, #tpu.memory_space<vmem>>
      %dma_start3A_179 = tpu.memref_squeeze %dma_start3A_178 : memref<1x128xi32, #tpu.memory_space<vmem>> -> memref<128xi32, #tpu.memory_space<vmem>>
      %dma_start3A_180 = arith.constant 0 : i32
      %dma_start3A_181 = arith.constant 0 : i32
      %dma_start3A_182 = tpu.memref_slice %arg8[%dma_start3A_180, %dma_start3A_181] : memref<10016x64xf32, #tpu.memory_space<vmem_shared>> -> memref<10016x64xf32, #tpu.memory_space<vmem_shared>>
      tpu.enqueue_indirect_dma source(%dma_start3A_176 : memref<128x64xf32, #tpu.memory_space<vmem>>) target(%dma_start3A_182 : memref<10016x64xf32, #tpu.memory_space<vmem_shared>>) offsets(%dma_start3A_179 : memref<128xi32, #tpu.memory_space<vmem>>) semaphore(%arg14 : memref<!tpu.dma_semaphore, #tpu.memory_space<semaphore_mem>>) {add = true}
      %mul3A_183 = arith.constant 4 : i32
      %mul3A_184 = arith.muli %scan3A_115, %mul3A_183 : i32
      %add3A_185 = arith.constant 2 : i32
      %add3A_186 = arith.addi %mul3A_184, %add3A_185 : i32
      %add3A_187 = arith.constant 2 : i32
      %add3A_188 = arith.addi %add3A_186, %add3A_187 : i32
      %lt3A_189 = arith.constant 160 : i32
      %lt3A_190 = arith.cmpi slt, %add3A_188, %lt3A_189 : i32
      %convert_element_type3A_191 = arith.extui %lt3A_190 : i1 to i32
      %cond3A_192 = arith.constant 0 : i32
      %cond3A_193 = arith.cmpi ne, %convert_element_type3A_191, %cond3A_192 : i32
      scf.if %cond3A_193 {
        %ge3A = arith.constant 2 : i32
        %ge3A_253 = arith.cmpi sge, %add3A_186, %ge3A : i32
        %convert_element_type3A_254 = arith.extui %ge3A_253 : i1 to i32
        %cond3A_255 = arith.constant 0 : i32
        %cond3A_256 = arith.cmpi ne, %convert_element_type3A_254, %cond3A_255 : i32
        scf.if %cond3A_256 {
          %dma_wait3A_275 = arith.constant 0 : i32
          %dma_wait3A_276 = arith.constant 0 : i32
          %dma_wait3A_277 = arith.constant 0 : i32
          %dma_wait3A_278 = tpu.memref_slice %arg6[%dma_wait3A_275, %dma_wait3A_276, %dma_wait3A_277] : memref<4x128x64xf32, #tpu.memory_space<vmem>> -> memref<1x128x64xf32, #tpu.memory_space<vmem>>
          %dma_wait3A_279 = tpu.memref_squeeze %dma_wait3A_278 : memref<1x128x64xf32, #tpu.memory_space<vmem>> -> memref<128x64xf32, #tpu.memory_space<vmem>>
          %dma_wait3A_280 = arith.constant 0 : i32
          %dma_wait3A_281 = tpu.memref_slice %arg5[%add3A_186, %dma_wait3A_280] : memref<160x128xi32, #tpu.memory_space<vmem>> -> memref<1x128xi32, #tpu.memory_space<vmem>>
          %dma_wait3A_282 = tpu.memref_squeeze %dma_wait3A_281 : memref<1x128xi32, #tpu.memory_space<vmem>> -> memref<128xi32, #tpu.memory_space<vmem>>
          %dma_wait3A_283 = arith.constant 0 : i32
          %dma_wait3A_284 = arith.constant 0 : i32
          %dma_wait3A_285 = tpu.memref_slice %arg8[%dma_wait3A_283, %dma_wait3A_284] : memref<10016x64xf32, #tpu.memory_space<vmem_shared>> -> memref<10016x64xf32, #tpu.memory_space<vmem_shared>>
          tpu.wait_indirect_dma semaphore(%arg13 : memref<!tpu.dma_semaphore, #tpu.memory_space<semaphore_mem>>) src(%dma_wait3A_279 : memref<128x64xf32, #tpu.memory_space<vmem>>) dst(%dma_wait3A_285 : memref<10016x64xf32, #tpu.memory_space<vmem_shared>>)
        } else {
        }
        %add3A_257 = arith.constant 2 : i32
        %add3A_258 = arith.addi %add3A_186, %add3A_257 : i32
        %mul3A_259 = arith.constant 128 : i32
        %mul3A_260 = arith.muli %add3A_258, %mul3A_259 : i32
        %add3A_261 = arith.addi %mul3A_27, %mul3A_260 : i32
        %dma_start3A_262 = arith.constant 0 : i32
        %dma_start3A_263 = arith.constant 0 : i32
        %dma_start3A_264 = arith.constant 0 : i32
        %dma_start3A_265 = tpu.memref_slice %arg6[%dma_start3A_262, %dma_start3A_263, %dma_start3A_264] : memref<4x128x64xf32, #tpu.memory_space<vmem>> -> memref<1x128x64xf32, #tpu.memory_space<vmem>>
        %dma_start3A_266 = tpu.memref_squeeze %dma_start3A_265 : memref<1x128x64xf32, #tpu.memory_space<vmem>> -> memref<128x64xf32, #tpu.memory_space<vmem>>
        %dma_start3A_267 = arith.constant 0 : i32
        %dma_start3A_268 = tpu.memref_slice %arg2[%add3A_261, %dma_start3A_267] : memref<655360x64xf32, #tpu.memory_space<hbm>> -> memref<128x64xf32, #tpu.memory_space<hbm>>
        %dma_start3A_269 = arith.constant 0 : i32
        %dma_start3A_270 = arith.constant 0 : i32
        %dma_start3A_271 = tpu.memref_slice %arg6[%dma_start3A_262, %dma_start3A_269, %dma_start3A_270] : memref<4x128x64xf32, #tpu.memory_space<vmem>> -> memref<1x128x64xf32, #tpu.memory_space<vmem>>
        %dma_start3A_272 = tpu.memref_squeeze %dma_start3A_271 : memref<1x128x64xf32, #tpu.memory_space<vmem>> -> memref<128x64xf32, #tpu.memory_space<vmem>>
        %dma_start3A_273 = arith.constant 0 : i32
        %dma_start3A_274 = tpu.memref_slice %arg2[%add3A_261, %dma_start3A_273] : memref<655360x64xf32, #tpu.memory_space<hbm>> -> memref<128x64xf32, #tpu.memory_space<hbm>>
        tpu.enqueue_dma source(%dma_start3A_274 : memref<128x64xf32, #tpu.memory_space<hbm>>) target(%dma_start3A_272 : memref<128x64xf32, #tpu.memory_space<vmem>>) target_semaphore(%arg9 : memref<!tpu.dma_semaphore, #tpu.memory_space<semaphore_mem>>)
      } else {
      }
      %dma_wait3A_194 = arith.constant 2 : i32
      %dma_wait3A_195 = arith.constant 0 : i32
      %dma_wait3A_196 = arith.constant 0 : i32
      %dma_wait3A_197 = tpu.memref_slice %arg6[%dma_wait3A_194, %dma_wait3A_195, %dma_wait3A_196] : memref<4x128x64xf32, #tpu.memory_space<vmem>> -> memref<1x128x64xf32, #tpu.memory_space<vmem>>
      %dma_wait3A_198 = tpu.memref_squeeze %dma_wait3A_197 : memref<1x128x64xf32, #tpu.memory_space<vmem>> -> memref<128x64xf32, #tpu.memory_space<vmem>>
      %dma_wait3A_199 = arith.constant 0 : i32
      %dma_wait3A_200 = tpu.memref_slice %arg2[%mul3A_27, %dma_wait3A_199] : memref<655360x64xf32, #tpu.memory_space<hbm>> -> memref<128x64xf32, #tpu.memory_space<hbm>>
      %dma_wait3A_201 = arith.constant 0 : i32
      %dma_wait3A_202 = arith.constant 0 : i32
      %dma_wait3A_203 = tpu.memref_slice %arg6[%dma_wait3A_194, %dma_wait3A_201, %dma_wait3A_202] : memref<4x128x64xf32, #tpu.memory_space<vmem>> -> memref<1x128x64xf32, #tpu.memory_space<vmem>>
      %dma_wait3A_204 = tpu.memref_squeeze %dma_wait3A_203 : memref<1x128x64xf32, #tpu.memory_space<vmem>> -> memref<128x64xf32, #tpu.memory_space<vmem>>
      %dma_wait3A_205 = arith.constant 0 : i32
      %dma_wait3A_206 = tpu.memref_slice %arg2[%mul3A_27, %dma_wait3A_205] : memref<655360x64xf32, #tpu.memory_space<hbm>> -> memref<128x64xf32, #tpu.memory_space<hbm>>
      tpu.wait_dma2 semaphore(%arg11 : memref<!tpu.dma_semaphore, #tpu.memory_space<semaphore_mem>>) src(%dma_wait3A_206 : memref<128x64xf32, #tpu.memory_space<hbm>>) dst(%dma_wait3A_204 : memref<128x64xf32, #tpu.memory_space<vmem>>)
      %dma_start3A_207 = arith.constant 2 : i32
      %dma_start3A_208 = arith.constant 0 : i32
      %dma_start3A_209 = arith.constant 0 : i32
      %dma_start3A_210 = tpu.memref_slice %arg6[%dma_start3A_207, %dma_start3A_208, %dma_start3A_209] : memref<4x128x64xf32, #tpu.memory_space<vmem>> -> memref<1x128x64xf32, #tpu.memory_space<vmem>>
      %dma_start3A_211 = tpu.memref_squeeze %dma_start3A_210 : memref<1x128x64xf32, #tpu.memory_space<vmem>> -> memref<128x64xf32, #tpu.memory_space<vmem>>
      %dma_start3A_212 = arith.constant 0 : i32
      %dma_start3A_213 = tpu.memref_slice %arg5[%add3A_186, %dma_start3A_212] : memref<160x128xi32, #tpu.memory_space<vmem>> -> memref<1x128xi32, #tpu.memory_space<vmem>>
      %dma_start3A_214 = tpu.memref_squeeze %dma_start3A_213 : memref<1x128xi32, #tpu.memory_space<vmem>> -> memref<128xi32, #tpu.memory_space<vmem>>
      %dma_start3A_215 = arith.constant 0 : i32
      %dma_start3A_216 = arith.constant 0 : i32
      %dma_start3A_217 = tpu.memref_slice %arg8[%dma_start3A_215, %dma_start3A_216] : memref<10016x64xf32, #tpu.memory_space<vmem_shared>> -> memref<10016x64xf32, #tpu.memory_space<vmem_shared>>
      tpu.enqueue_indirect_dma source(%dma_start3A_211 : memref<128x64xf32, #tpu.memory_space<vmem>>) target(%dma_start3A_217 : memref<10016x64xf32, #tpu.memory_space<vmem_shared>>) offsets(%dma_start3A_214 : memref<128xi32, #tpu.memory_space<vmem>>) semaphore(%arg15 : memref<!tpu.dma_semaphore, #tpu.memory_space<semaphore_mem>>) {add = true}
      %mul3A_218 = arith.constant 4 : i32
      %mul3A_219 = arith.muli %scan3A_115, %mul3A_218 : i32
      %add3A_220 = arith.constant 3 : i32
      %add3A_221 = arith.addi %mul3A_219, %add3A_220 : i32
      %add3A_222 = arith.constant 2 : i32
      %add3A_223 = arith.addi %add3A_221, %add3A_222 : i32
      %lt3A_224 = arith.constant 160 : i32
      %lt3A_225 = arith.cmpi slt, %add3A_223, %lt3A_224 : i32
      %convert_element_type3A_226 = arith.extui %lt3A_225 : i1 to i32
      %cond3A_227 = arith.constant 0 : i32
      %cond3A_228 = arith.cmpi ne, %convert_element_type3A_226, %cond3A_227 : i32
      scf.if %cond3A_228 {
        %ge3A = arith.constant 2 : i32
        %ge3A_253 = arith.cmpi sge, %add3A_221, %ge3A : i32
        %convert_element_type3A_254 = arith.extui %ge3A_253 : i1 to i32
        %cond3A_255 = arith.constant 0 : i32
        %cond3A_256 = arith.cmpi ne, %convert_element_type3A_254, %cond3A_255 : i32
        scf.if %cond3A_256 {
          %dma_wait3A_275 = arith.constant 1 : i32
          %dma_wait3A_276 = arith.constant 0 : i32
          %dma_wait3A_277 = arith.constant 0 : i32
          %dma_wait3A_278 = tpu.memref_slice %arg6[%dma_wait3A_275, %dma_wait3A_276, %dma_wait3A_277] : memref<4x128x64xf32, #tpu.memory_space<vmem>> -> memref<1x128x64xf32, #tpu.memory_space<vmem>>
          %dma_wait3A_279 = tpu.memref_squeeze %dma_wait3A_278 : memref<1x128x64xf32, #tpu.memory_space<vmem>> -> memref<128x64xf32, #tpu.memory_space<vmem>>
          %dma_wait3A_280 = arith.constant 0 : i32
          %dma_wait3A_281 = tpu.memref_slice %arg5[%add3A_221, %dma_wait3A_280] : memref<160x128xi32, #tpu.memory_space<vmem>> -> memref<1x128xi32, #tpu.memory_space<vmem>>
          %dma_wait3A_282 = tpu.memref_squeeze %dma_wait3A_281 : memref<1x128xi32, #tpu.memory_space<vmem>> -> memref<128xi32, #tpu.memory_space<vmem>>
          %dma_wait3A_283 = arith.constant 0 : i32
          %dma_wait3A_284 = arith.constant 0 : i32
          %dma_wait3A_285 = tpu.memref_slice %arg8[%dma_wait3A_283, %dma_wait3A_284] : memref<10016x64xf32, #tpu.memory_space<vmem_shared>> -> memref<10016x64xf32, #tpu.memory_space<vmem_shared>>
          tpu.wait_indirect_dma semaphore(%arg14 : memref<!tpu.dma_semaphore, #tpu.memory_space<semaphore_mem>>) src(%dma_wait3A_279 : memref<128x64xf32, #tpu.memory_space<vmem>>) dst(%dma_wait3A_285 : memref<10016x64xf32, #tpu.memory_space<vmem_shared>>)
        } else {
        }
        %add3A_257 = arith.constant 2 : i32
        %add3A_258 = arith.addi %add3A_221, %add3A_257 : i32
        %mul3A_259 = arith.constant 128 : i32
        %mul3A_260 = arith.muli %add3A_258, %mul3A_259 : i32
        %add3A_261 = arith.addi %mul3A_27, %mul3A_260 : i32
        %dma_start3A_262 = arith.constant 1 : i32
        %dma_start3A_263 = arith.constant 0 : i32
        %dma_start3A_264 = arith.constant 0 : i32
        %dma_start3A_265 = tpu.memref_slice %arg6[%dma_start3A_262, %dma_start3A_263, %dma_start3A_264] : memref<4x128x64xf32, #tpu.memory_space<vmem>> -> memref<1x128x64xf32, #tpu.memory_space<vmem>>
        %dma_start3A_266 = tpu.memref_squeeze %dma_start3A_265 : memref<1x128x64xf32, #tpu.memory_space<vmem>> -> memref<128x64xf32, #tpu.memory_space<vmem>>
        %dma_start3A_267 = arith.constant 0 : i32
        %dma_start3A_268 = tpu.memref_slice %arg2[%add3A_261, %dma_start3A_267] : memref<655360x64xf32, #tpu.memory_space<hbm>> -> memref<128x64xf32, #tpu.memory_space<hbm>>
        %dma_start3A_269 = arith.constant 0 : i32
        %dma_start3A_270 = arith.constant 0 : i32
        %dma_start3A_271 = tpu.memref_slice %arg6[%dma_start3A_262, %dma_start3A_269, %dma_start3A_270] : memref<4x128x64xf32, #tpu.memory_space<vmem>> -> memref<1x128x64xf32, #tpu.memory_space<vmem>>
        %dma_start3A_272 = tpu.memref_squeeze %dma_start3A_271 : memref<1x128x64xf32, #tpu.memory_space<vmem>> -> memref<128x64xf32, #tpu.memory_space<vmem>>
        %dma_start3A_273 = arith.constant 0 : i32
        %dma_start3A_274 = tpu.memref_slice %arg2[%add3A_261, %dma_start3A_273] : memref<655360x64xf32, #tpu.memory_space<hbm>> -> memref<128x64xf32, #tpu.memory_space<hbm>>
        tpu.enqueue_dma source(%dma_start3A_274 : memref<128x64xf32, #tpu.memory_space<hbm>>) target(%dma_start3A_272 : memref<128x64xf32, #tpu.memory_space<vmem>>) target_semaphore(%arg10 : memref<!tpu.dma_semaphore, #tpu.memory_space<semaphore_mem>>)
      } else {
      }
      %dma_wait3A_229 = arith.constant 3 : i32
      %dma_wait3A_230 = arith.constant 0 : i32
      %dma_wait3A_231 = arith.constant 0 : i32
      %dma_wait3A_232 = tpu.memref_slice %arg6[%dma_wait3A_229, %dma_wait3A_230, %dma_wait3A_231] : memref<4x128x64xf32, #tpu.memory_space<vmem>> -> memref<1x128x64xf32, #tpu.memory_space<vmem>>
      %dma_wait3A_233 = tpu.memref_squeeze %dma_wait3A_232 : memref<1x128x64xf32, #tpu.memory_space<vmem>> -> memref<128x64xf32, #tpu.memory_space<vmem>>
      %dma_wait3A_234 = arith.constant 0 : i32
      %dma_wait3A_235 = tpu.memref_slice %arg2[%mul3A_27, %dma_wait3A_234] : memref<655360x64xf32, #tpu.memory_space<hbm>> -> memref<128x64xf32, #tpu.memory_space<hbm>>
      %dma_wait3A_236 = arith.constant 0 : i32
      %dma_wait3A_237 = arith.constant 0 : i32
      %dma_wait3A_238 = tpu.memref_slice %arg6[%dma_wait3A_229, %dma_wait3A_236, %dma_wait3A_237] : memref<4x128x64xf32, #tpu.memory_space<vmem>> -> memref<1x128x64xf32, #tpu.memory_space<vmem>>
      %dma_wait3A_239 = tpu.memref_squeeze %dma_wait3A_238 : memref<1x128x64xf32, #tpu.memory_space<vmem>> -> memref<128x64xf32, #tpu.memory_space<vmem>>
      %dma_wait3A_240 = arith.constant 0 : i32
      %dma_wait3A_241 = tpu.memref_slice %arg2[%mul3A_27, %dma_wait3A_240] : memref<655360x64xf32, #tpu.memory_space<hbm>> -> memref<128x64xf32, #tpu.memory_space<hbm>>
      tpu.wait_dma2 semaphore(%arg12 : memref<!tpu.dma_semaphore, #tpu.memory_space<semaphore_mem>>) src(%dma_wait3A_241 : memref<128x64xf32, #tpu.memory_space<hbm>>) dst(%dma_wait3A_239 : memref<128x64xf32, #tpu.memory_space<vmem>>)
      %dma_start3A_242 = arith.constant 3 : i32
      %dma_start3A_243 = arith.constant 0 : i32
      %dma_start3A_244 = arith.constant 0 : i32
      %dma_start3A_245 = tpu.memref_slice %arg6[%dma_start3A_242, %dma_start3A_243, %dma_start3A_244] : memref<4x128x64xf32, #tpu.memory_space<vmem>> -> memref<1x128x64xf32, #tpu.memory_space<vmem>>
      %dma_start3A_246 = tpu.memref_squeeze %dma_start3A_245 : memref<1x128x64xf32, #tpu.memory_space<vmem>> -> memref<128x64xf32, #tpu.memory_space<vmem>>
      %dma_start3A_247 = arith.constant 0 : i32
      %dma_start3A_248 = tpu.memref_slice %arg5[%add3A_221, %dma_start3A_247] : memref<160x128xi32, #tpu.memory_space<vmem>> -> memref<1x128xi32, #tpu.memory_space<vmem>>
      %dma_start3A_249 = tpu.memref_squeeze %dma_start3A_248 : memref<1x128xi32, #tpu.memory_space<vmem>> -> memref<128xi32, #tpu.memory_space<vmem>>
      %dma_start3A_250 = arith.constant 0 : i32
      %dma_start3A_251 = arith.constant 0 : i32
      %dma_start3A_252 = tpu.memref_slice %arg8[%dma_start3A_250, %dma_start3A_251] : memref<10016x64xf32, #tpu.memory_space<vmem_shared>> -> memref<10016x64xf32, #tpu.memory_space<vmem_shared>>
      tpu.enqueue_indirect_dma source(%dma_start3A_246 : memref<128x64xf32, #tpu.memory_space<vmem>>) target(%dma_start3A_252 : memref<10016x64xf32, #tpu.memory_space<vmem_shared>>) offsets(%dma_start3A_249 : memref<128xi32, #tpu.memory_space<vmem>>) semaphore(%arg16 : memref<!tpu.dma_semaphore, #tpu.memory_space<semaphore_mem>>) {add = true}
    }
    %scan3A_62 = arith.constant 40 : i32
    %dma_wait3A = arith.constant 0 : i32
    %dma_wait3A_63 = arith.constant 0 : i32
    %dma_wait3A_64 = arith.constant 0 : i32
    %dma_wait3A_65 = arith.constant 0 : i32
    %dma_wait3A_66 = tpu.memref_slice %arg6[%dma_wait3A, %dma_wait3A_64, %dma_wait3A_65] : memref<4x128x64xf32, #tpu.memory_space<vmem>> -> memref<1x128x64xf32, #tpu.memory_space<vmem>>
    %dma_wait3A_67 = tpu.memref_squeeze %dma_wait3A_66 : memref<1x128x64xf32, #tpu.memory_space<vmem>> -> memref<128x64xf32, #tpu.memory_space<vmem>>
    %dma_wait3A_68 = arith.constant 0 : i32
    %dma_wait3A_69 = tpu.memref_slice %arg5[%dma_wait3A_63, %dma_wait3A_68] : memref<160x128xi32, #tpu.memory_space<vmem>> -> memref<1x128xi32, #tpu.memory_space<vmem>>
    %dma_wait3A_70 = tpu.memref_squeeze %dma_wait3A_69 : memref<1x128xi32, #tpu.memory_space<vmem>> -> memref<128xi32, #tpu.memory_space<vmem>>
    %dma_wait3A_71 = arith.constant 0 : i32
    %dma_wait3A_72 = arith.constant 0 : i32
    %dma_wait3A_73 = tpu.memref_slice %arg8[%dma_wait3A_71, %dma_wait3A_72] : memref<10016x64xf32, #tpu.memory_space<vmem_shared>> -> memref<10016x64xf32, #tpu.memory_space<vmem_shared>>
    tpu.wait_indirect_dma semaphore(%arg13 : memref<!tpu.dma_semaphore, #tpu.memory_space<semaphore_mem>>) src(%dma_wait3A_67 : memref<128x64xf32, #tpu.memory_space<vmem>>) dst(%dma_wait3A_73 : memref<10016x64xf32, #tpu.memory_space<vmem_shared>>)
    %dma_wait3A_74 = arith.constant 1 : i32
    %dma_wait3A_75 = arith.constant 1 : i32
    %dma_wait3A_76 = arith.constant 0 : i32
    %dma_wait3A_77 = arith.constant 0 : i32
    %dma_wait3A_78 = tpu.memref_slice %arg6[%dma_wait3A_74, %dma_wait3A_76, %dma_wait3A_77] : memref<4x128x64xf32, #tpu.memory_space<vmem>> -> memref<1x128x64xf32, #tpu.memory_space<vmem>>
    %dma_wait3A_79 = tpu.memref_squeeze %dma_wait3A_78 : memref<1x128x64xf32, #tpu.memory_space<vmem>> -> memref<128x64xf32, #tpu.memory_space<vmem>>
    %dma_wait3A_80 = arith.constant 0 : i32
    %dma_wait3A_81 = tpu.memref_slice %arg5[%dma_wait3A_75, %dma_wait3A_80] : memref<160x128xi32, #tpu.memory_space<vmem>> -> memref<1x128xi32, #tpu.memory_space<vmem>>
    %dma_wait3A_82 = tpu.memref_squeeze %dma_wait3A_81 : memref<1x128xi32, #tpu.memory_space<vmem>> -> memref<128xi32, #tpu.memory_space<vmem>>
    %dma_wait3A_83 = arith.constant 0 : i32
    %dma_wait3A_84 = arith.constant 0 : i32
    %dma_wait3A_85 = tpu.memref_slice %arg8[%dma_wait3A_83, %dma_wait3A_84] : memref<10016x64xf32, #tpu.memory_space<vmem_shared>> -> memref<10016x64xf32, #tpu.memory_space<vmem_shared>>
    tpu.wait_indirect_dma semaphore(%arg14 : memref<!tpu.dma_semaphore, #tpu.memory_space<semaphore_mem>>) src(%dma_wait3A_79 : memref<128x64xf32, #tpu.memory_space<vmem>>) dst(%dma_wait3A_85 : memref<10016x64xf32, #tpu.memory_space<vmem_shared>>)
    %dma_wait3A_86 = arith.constant 2 : i32
    %dma_wait3A_87 = arith.constant 2 : i32
    %dma_wait3A_88 = arith.constant 0 : i32
    %dma_wait3A_89 = arith.constant 0 : i32
    %dma_wait3A_90 = tpu.memref_slice %arg6[%dma_wait3A_86, %dma_wait3A_88, %dma_wait3A_89] : memref<4x128x64xf32, #tpu.memory_space<vmem>> -> memref<1x128x64xf32, #tpu.memory_space<vmem>>
    %dma_wait3A_91 = tpu.memref_squeeze %dma_wait3A_90 : memref<1x128x64xf32, #tpu.memory_space<vmem>> -> memref<128x64xf32, #tpu.memory_space<vmem>>
    %dma_wait3A_92 = arith.constant 0 : i32
    %dma_wait3A_93 = tpu.memref_slice %arg5[%dma_wait3A_87, %dma_wait3A_92] : memref<160x128xi32, #tpu.memory_space<vmem>> -> memref<1x128xi32, #tpu.memory_space<vmem>>
    %dma_wait3A_94 = tpu.memref_squeeze %dma_wait3A_93 : memref<1x128xi32, #tpu.memory_space<vmem>> -> memref<128xi32, #tpu.memory_space<vmem>>
    %dma_wait3A_95 = arith.constant 0 : i32
    %dma_wait3A_96 = arith.constant 0 : i32
    %dma_wait3A_97 = tpu.memref_slice %arg8[%dma_wait3A_95, %dma_wait3A_96] : memref<10016x64xf32, #tpu.memory_space<vmem_shared>> -> memref<10016x64xf32, #tpu.memory_space<vmem_shared>>
    tpu.wait_indirect_dma semaphore(%arg15 : memref<!tpu.dma_semaphore, #tpu.memory_space<semaphore_mem>>) src(%dma_wait3A_91 : memref<128x64xf32, #tpu.memory_space<vmem>>) dst(%dma_wait3A_97 : memref<10016x64xf32, #tpu.memory_space<vmem_shared>>)
    %dma_wait3A_98 = arith.constant 3 : i32
    %dma_wait3A_99 = arith.constant 3 : i32
    %dma_wait3A_100 = arith.constant 0 : i32
    %dma_wait3A_101 = arith.constant 0 : i32
    %dma_wait3A_102 = tpu.memref_slice %arg6[%dma_wait3A_98, %dma_wait3A_100, %dma_wait3A_101] : memref<4x128x64xf32, #tpu.memory_space<vmem>> -> memref<1x128x64xf32, #tpu.memory_space<vmem>>
    %dma_wait3A_103 = tpu.memref_squeeze %dma_wait3A_102 : memref<1x128x64xf32, #tpu.memory_space<vmem>> -> memref<128x64xf32, #tpu.memory_space<vmem>>
    %dma_wait3A_104 = arith.constant 0 : i32
    %dma_wait3A_105 = tpu.memref_slice %arg5[%dma_wait3A_99, %dma_wait3A_104] : memref<160x128xi32, #tpu.memory_space<vmem>> -> memref<1x128xi32, #tpu.memory_space<vmem>>
    %dma_wait3A_106 = tpu.memref_squeeze %dma_wait3A_105 : memref<1x128xi32, #tpu.memory_space<vmem>> -> memref<128xi32, #tpu.memory_space<vmem>>
    %dma_wait3A_107 = arith.constant 0 : i32
    %dma_wait3A_108 = arith.constant 0 : i32
    %dma_wait3A_109 = tpu.memref_slice %arg8[%dma_wait3A_107, %dma_wait3A_108] : memref<10016x64xf32, #tpu.memory_space<vmem_shared>> -> memref<10016x64xf32, #tpu.memory_space<vmem_shared>>
    tpu.wait_indirect_dma semaphore(%arg16 : memref<!tpu.dma_semaphore, #tpu.memory_space<semaphore_mem>>) src(%dma_wait3A_103 : memref<128x64xf32, #tpu.memory_space<vmem>>) dst(%dma_wait3A_109 : memref<10016x64xf32, #tpu.memory_space<vmem_shared>>)
    %barrier3A_110 = arith.constant 0 : index
    tpu.barrier barrier_id(%barrier3A_110)
    %mul3A_111 = arith.constant 625 : i32
    %mul3A_112 = arith.muli %arg1, %mul3A_111 : i32
    %mul3A_113 = arith.constant 625 : i32
    %mul3A_114 = arith.muli %arg1, %mul3A_113 : i32
    "tpu.region"() ({
      %run_scoped3A = tpu.sem_alloc : memref<!tpu.dma_semaphore, #tpu.memory_space<semaphore_mem>>
      %dma_start3A_115 = arith.constant 0 : i32
      %dma_start3A_116 = tpu.memref_slice %arg4[%arg0, %mul3A_114, %dma_start3A_115] : memref<2x10000x64xf32, #tpu.memory_space<hbm>> -> memref<1x625x64xf32, #tpu.memory_space<hbm>>
      %dma_start3A_117 = tpu.memref_squeeze %dma_start3A_116 : memref<1x625x64xf32, #tpu.memory_space<hbm>> -> memref<625x64xf32, #tpu.memory_space<hbm>>
      %dma_start3A_118 = arith.constant 0 : i32
      %dma_start3A_119 = tpu.memref_slice %arg8[%mul3A_112, %dma_start3A_118] : memref<10016x64xf32, #tpu.memory_space<vmem_shared>> -> memref<625x64xf32, #tpu.memory_space<vmem_shared>>
      tpu.enqueue_dma source(%dma_start3A_119 : memref<625x64xf32, #tpu.memory_space<vmem_shared>>) target(%dma_start3A_117 : memref<625x64xf32, #tpu.memory_space<hbm>>) target_semaphore(%run_scoped3A : memref<!tpu.dma_semaphore, #tpu.memory_space<semaphore_mem>>)
      %dma_wait3A_120 = arith.constant 0 : i32
      %dma_wait3A_121 = tpu.memref_slice %arg4[%arg0, %mul3A_114, %dma_wait3A_120] : memref<2x10000x64xf32, #tpu.memory_space<hbm>> -> memref<1x625x64xf32, #tpu.memory_space<hbm>>
      %dma_wait3A_122 = tpu.memref_squeeze %dma_wait3A_121 : memref<1x625x64xf32, #tpu.memory_space<hbm>> -> memref<625x64xf32, #tpu.memory_space<hbm>>
      %dma_wait3A_123 = arith.constant 0 : i32
      %dma_wait3A_124 = tpu.memref_slice %arg8[%mul3A_112, %dma_wait3A_123] : memref<10016x64xf32, #tpu.memory_space<vmem_shared>> -> memref<625x64xf32, #tpu.memory_space<vmem_shared>>
      tpu.wait_dma2 semaphore(%run_scoped3A : memref<!tpu.dma_semaphore, #tpu.memory_space<semaphore_mem>>) src(%dma_wait3A_124 : memref<625x64xf32, #tpu.memory_space<vmem_shared>>) dst(%dma_wait3A_122 : memref<625x64xf32, #tpu.memory_space<hbm>>)
      tpu.yield
    }) : () -> ()
    return
  }
}

#map = affine_map<(d0, d1) -> (0, 0)>
#map1 = affine_map<(d0, d1) -> (0, 0, 0)>
#map2 = affine_map<(d0, d1) -> (0)>
module attributes {stable_mosaic.version = 14 : i64} {
  func.func @_gather_body(%arg0: i32, %arg1: i32, %arg2: memref<20000x32xf32, #tpu.memory_space<hbm>>, %arg3: memref<32x160x128xi32, #tpu.memory_space<hbm>>, %arg4: memref<32x160x128xi32, #tpu.memory_space<hbm>>, %arg5: memref<20971520xf32, #tpu.memory_space<hbm>>, %arg6: memref<160x128xi32, #tpu.memory_space<vmem>>, %arg7: memref<160x128xi32, #tpu.memory_space<vmem>>, %arg8: memref<4x128x32xf32, #tpu.memory_space<vmem>>, %arg9: memref<4x128x32xf32, #tpu.memory_space<vmem>>, %arg10: memref<4x4096xf32, #tpu.memory_space<vmem>>, %arg11: memref<!tpu.dma_semaphore, #tpu.memory_space<semaphore_mem>>, %arg12: memref<!tpu.dma_semaphore, #tpu.memory_space<semaphore_mem>>, %arg13: memref<!tpu.dma_semaphore, #tpu.memory_space<semaphore_mem>>, %arg14: memref<!tpu.dma_semaphore, #tpu.memory_space<semaphore_mem>>, %arg15: memref<!tpu.dma_semaphore, #tpu.memory_space<semaphore_mem>>, %arg16: memref<!tpu.dma_semaphore, #tpu.memory_space<semaphore_mem>>, %arg17: memref<!tpu.dma_semaphore, #tpu.memory_space<semaphore_mem>>, %arg18: memref<!tpu.dma_semaphore, #tpu.memory_space<semaphore_mem>>) attributes {dimension_semantics = [#tpu.dimension_semantics<core_parallel>, #tpu.dimension_semantics<subcore_parallel>], iteration_bounds = array<i64: 2, 16>, scalar_prefetch = 0 : i64, scratch_operands = 13 : i64, tpu.core_type = #tpu.core_type<sc_vector_subcore>, window_params = [{transform_indices = #map}, {transform_indices = #map1}, {transform_indices = #map1}, {transform_indices = #map2}]} {
    %mul3A = arith.constant 2 : i32
    %mul3A_0 = arith.muli %arg1, %mul3A : i32
    %add3A = arith.addi %mul3A_0, %arg0 : i32
    "tpu.region"() ({
      %run_scoped3A = tpu.sem_alloc : memref<!tpu.dma_semaphore, #tpu.memory_space<semaphore_mem>>
      %dma_start3A_116 = arith.constant 0 : i32
      %dma_start3A_117 = arith.constant 0 : i32
      %dma_start3A_118 = tpu.memref_slice %arg3[%add3A, %dma_start3A_116, %dma_start3A_117] : memref<32x160x128xi32, #tpu.memory_space<hbm>> -> memref<1x160x128xi32, #tpu.memory_space<hbm>>
      %dma_start3A_119 = tpu.memref_squeeze %dma_start3A_118 : memref<1x160x128xi32, #tpu.memory_space<hbm>> -> memref<160x128xi32, #tpu.memory_space<hbm>>
      %dma_start3A_120 = arith.constant 0 : i32
      %dma_start3A_121 = arith.constant 0 : i32
      %dma_start3A_122 = tpu.memref_slice %arg3[%add3A, %dma_start3A_120, %dma_start3A_121] : memref<32x160x128xi32, #tpu.memory_space<hbm>> -> memref<1x160x128xi32, #tpu.memory_space<hbm>>
      %dma_start3A_123 = tpu.memref_squeeze %dma_start3A_122 : memref<1x160x128xi32, #tpu.memory_space<hbm>> -> memref<160x128xi32, #tpu.memory_space<hbm>>
      tpu.enqueue_dma source(%dma_start3A_123 : memref<160x128xi32, #tpu.memory_space<hbm>>) target(%arg6 : memref<160x128xi32, #tpu.memory_space<vmem>>) target_semaphore(%run_scoped3A : memref<!tpu.dma_semaphore, #tpu.memory_space<semaphore_mem>>)
      %dma_wait3A_124 = arith.constant 0 : i32
      %dma_wait3A_125 = arith.constant 0 : i32
      %dma_wait3A_126 = tpu.memref_slice %arg3[%add3A, %dma_wait3A_124, %dma_wait3A_125] : memref<32x160x128xi32, #tpu.memory_space<hbm>> -> memref<1x160x128xi32, #tpu.memory_space<hbm>>
      %dma_wait3A_127 = tpu.memref_squeeze %dma_wait3A_126 : memref<1x160x128xi32, #tpu.memory_space<hbm>> -> memref<160x128xi32, #tpu.memory_space<hbm>>
      %dma_wait3A_128 = arith.constant 0 : i32
      %dma_wait3A_129 = arith.constant 0 : i32
      %dma_wait3A_130 = tpu.memref_slice %arg3[%add3A, %dma_wait3A_128, %dma_wait3A_129] : memref<32x160x128xi32, #tpu.memory_space<hbm>> -> memref<1x160x128xi32, #tpu.memory_space<hbm>>
      %dma_wait3A_131 = tpu.memref_squeeze %dma_wait3A_130 : memref<1x160x128xi32, #tpu.memory_space<hbm>> -> memref<160x128xi32, #tpu.memory_space<hbm>>
      tpu.wait_dma2 semaphore(%run_scoped3A : memref<!tpu.dma_semaphore, #tpu.memory_space<semaphore_mem>>) src(%dma_wait3A_131 : memref<160x128xi32, #tpu.memory_space<hbm>>) dst(%arg6 : memref<160x128xi32, #tpu.memory_space<vmem>>)
      tpu.yield
    }) : () -> ()
    "tpu.region"() ({
      %run_scoped3A = tpu.sem_alloc : memref<!tpu.dma_semaphore, #tpu.memory_space<semaphore_mem>>
      %dma_start3A_116 = arith.constant 0 : i32
      %dma_start3A_117 = arith.constant 0 : i32
      %dma_start3A_118 = tpu.memref_slice %arg4[%add3A, %dma_start3A_116, %dma_start3A_117] : memref<32x160x128xi32, #tpu.memory_space<hbm>> -> memref<1x160x128xi32, #tpu.memory_space<hbm>>
      %dma_start3A_119 = tpu.memref_squeeze %dma_start3A_118 : memref<1x160x128xi32, #tpu.memory_space<hbm>> -> memref<160x128xi32, #tpu.memory_space<hbm>>
      %dma_start3A_120 = arith.constant 0 : i32
      %dma_start3A_121 = arith.constant 0 : i32
      %dma_start3A_122 = tpu.memref_slice %arg4[%add3A, %dma_start3A_120, %dma_start3A_121] : memref<32x160x128xi32, #tpu.memory_space<hbm>> -> memref<1x160x128xi32, #tpu.memory_space<hbm>>
      %dma_start3A_123 = tpu.memref_squeeze %dma_start3A_122 : memref<1x160x128xi32, #tpu.memory_space<hbm>> -> memref<160x128xi32, #tpu.memory_space<hbm>>
      tpu.enqueue_dma source(%dma_start3A_123 : memref<160x128xi32, #tpu.memory_space<hbm>>) target(%arg7 : memref<160x128xi32, #tpu.memory_space<vmem>>) target_semaphore(%run_scoped3A : memref<!tpu.dma_semaphore, #tpu.memory_space<semaphore_mem>>)
      %dma_wait3A_124 = arith.constant 0 : i32
      %dma_wait3A_125 = arith.constant 0 : i32
      %dma_wait3A_126 = tpu.memref_slice %arg4[%add3A, %dma_wait3A_124, %dma_wait3A_125] : memref<32x160x128xi32, #tpu.memory_space<hbm>> -> memref<1x160x128xi32, #tpu.memory_space<hbm>>
      %dma_wait3A_127 = tpu.memref_squeeze %dma_wait3A_126 : memref<1x160x128xi32, #tpu.memory_space<hbm>> -> memref<160x128xi32, #tpu.memory_space<hbm>>
      %dma_wait3A_128 = arith.constant 0 : i32
      %dma_wait3A_129 = arith.constant 0 : i32
      %dma_wait3A_130 = tpu.memref_slice %arg4[%add3A, %dma_wait3A_128, %dma_wait3A_129] : memref<32x160x128xi32, #tpu.memory_space<hbm>> -> memref<1x160x128xi32, #tpu.memory_space<hbm>>
      %dma_wait3A_131 = tpu.memref_squeeze %dma_wait3A_130 : memref<1x160x128xi32, #tpu.memory_space<hbm>> -> memref<160x128xi32, #tpu.memory_space<hbm>>
      tpu.wait_dma2 semaphore(%run_scoped3A : memref<!tpu.dma_semaphore, #tpu.memory_space<semaphore_mem>>) src(%dma_wait3A_131 : memref<160x128xi32, #tpu.memory_space<hbm>>) dst(%arg7 : memref<160x128xi32, #tpu.memory_space<vmem>>)
      tpu.yield
    }) : () -> ()
    %mul3A_1 = arith.constant 20480 : i32
    %mul3A_2 = arith.muli %add3A, %mul3A_1 : i32
    %mul3A_3 = arith.constant 32 : i32
    %mul3A_4 = arith.muli %mul3A_2, %mul3A_3 : i32
    %dma_start3A = arith.constant 0 : i32
    %dma_start3A_5 = arith.constant 0 : i32
    %dma_start3A_6 = arith.constant 0 : i32
    %dma_start3A_7 = arith.constant 0 : i32
    %dma_start3A_8 = tpu.memref_slice %arg8[%dma_start3A_5, %dma_start3A_6, %dma_start3A_7] : memref<4x128x32xf32, #tpu.memory_space<vmem>> -> memref<1x128x32xf32, #tpu.memory_space<vmem>>
    %dma_start3A_9 = tpu.memref_squeeze %dma_start3A_8 : memref<1x128x32xf32, #tpu.memory_space<vmem>> -> memref<128x32xf32, #tpu.memory_space<vmem>>
    %dma_start3A_10 = arith.constant 0 : i32
    %dma_start3A_11 = tpu.memref_slice %arg7[%dma_start3A, %dma_start3A_10] : memref<160x128xi32, #tpu.memory_space<vmem>> -> memref<1x128xi32, #tpu.memory_space<vmem>>
    %dma_start3A_12 = tpu.memref_squeeze %dma_start3A_11 : memref<1x128xi32, #tpu.memory_space<vmem>> -> memref<128xi32, #tpu.memory_space<vmem>>
    %dma_start3A_13 = arith.constant 0 : i32
    %dma_start3A_14 = arith.constant 0 : i32
    %dma_start3A_15 = tpu.memref_slice %arg2[%dma_start3A_13, %dma_start3A_14] : memref<20000x32xf32, #tpu.memory_space<hbm>> -> memref<20000x32xf32, #tpu.memory_space<hbm>>
    tpu.enqueue_indirect_dma source(%dma_start3A_15 : memref<20000x32xf32, #tpu.memory_space<hbm>>) target(%dma_start3A_9 : memref<128x32xf32, #tpu.memory_space<vmem>>) offsets(%dma_start3A_12 : memref<128xi32, #tpu.memory_space<vmem>>) semaphore(%arg11 : memref<!tpu.dma_semaphore, #tpu.memory_space<semaphore_mem>>)
    %dma_start3A_16 = arith.constant 0 : i32
    %dma_start3A_17 = arith.constant 0 : i32
    %dma_start3A_18 = arith.constant 0 : i32
    %dma_start3A_19 = arith.constant 0 : i32
    %dma_start3A_20 = tpu.memref_slice %arg9[%dma_start3A_17, %dma_start3A_18, %dma_start3A_19] : memref<4x128x32xf32, #tpu.memory_space<vmem>> -> memref<1x128x32xf32, #tpu.memory_space<vmem>>
    %dma_start3A_21 = tpu.memref_squeeze %dma_start3A_20 : memref<1x128x32xf32, #tpu.memory_space<vmem>> -> memref<128x32xf32, #tpu.memory_space<vmem>>
    %dma_start3A_22 = arith.constant 0 : i32
    %dma_start3A_23 = tpu.memref_slice %arg6[%dma_start3A_16, %dma_start3A_22] : memref<160x128xi32, #tpu.memory_space<vmem>> -> memref<1x128xi32, #tpu.memory_space<vmem>>
    %dma_start3A_24 = tpu.memref_squeeze %dma_start3A_23 : memref<1x128xi32, #tpu.memory_space<vmem>> -> memref<128xi32, #tpu.memory_space<vmem>>
    %dma_start3A_25 = arith.constant 0 : i32
    %dma_start3A_26 = arith.constant 0 : i32
    %dma_start3A_27 = tpu.memref_slice %arg2[%dma_start3A_25, %dma_start3A_26] : memref<20000x32xf32, #tpu.memory_space<hbm>> -> memref<20000x32xf32, #tpu.memory_space<hbm>>
    tpu.enqueue_indirect_dma source(%dma_start3A_27 : memref<20000x32xf32, #tpu.memory_space<hbm>>) target(%dma_start3A_21 : memref<128x32xf32, #tpu.memory_space<vmem>>) offsets(%dma_start3A_24 : memref<128xi32, #tpu.memory_space<vmem>>) semaphore(%arg11 : memref<!tpu.dma_semaphore, #tpu.memory_space<semaphore_mem>>)
    %dma_start3A_28 = arith.constant 1 : i32
    %dma_start3A_29 = arith.constant 1 : i32
    %dma_start3A_30 = arith.constant 0 : i32
    %dma_start3A_31 = arith.constant 0 : i32
    %dma_start3A_32 = tpu.memref_slice %arg8[%dma_start3A_29, %dma_start3A_30, %dma_start3A_31] : memref<4x128x32xf32, #tpu.memory_space<vmem>> -> memref<1x128x32xf32, #tpu.memory_space<vmem>>
    %dma_start3A_33 = tpu.memref_squeeze %dma_start3A_32 : memref<1x128x32xf32, #tpu.memory_space<vmem>> -> memref<128x32xf32, #tpu.memory_space<vmem>>
    %dma_start3A_34 = arith.constant 0 : i32
    %dma_start3A_35 = tpu.memref_slice %arg7[%dma_start3A_28, %dma_start3A_34] : memref<160x128xi32, #tpu.memory_space<vmem>> -> memref<1x128xi32, #tpu.memory_space<vmem>>
    %dma_start3A_36 = tpu.memref_squeeze %dma_start3A_35 : memref<1x128xi32, #tpu.memory_space<vmem>> -> memref<128xi32, #tpu.memory_space<vmem>>
    %dma_start3A_37 = arith.constant 0 : i32
    %dma_start3A_38 = arith.constant 0 : i32
    %dma_start3A_39 = tpu.memref_slice %arg2[%dma_start3A_37, %dma_start3A_38] : memref<20000x32xf32, #tpu.memory_space<hbm>> -> memref<20000x32xf32, #tpu.memory_space<hbm>>
    tpu.enqueue_indirect_dma source(%dma_start3A_39 : memref<20000x32xf32, #tpu.memory_space<hbm>>) target(%dma_start3A_33 : memref<128x32xf32, #tpu.memory_space<vmem>>) offsets(%dma_start3A_36 : memref<128xi32, #tpu.memory_space<vmem>>) semaphore(%arg12 : memref<!tpu.dma_semaphore, #tpu.memory_space<semaphore_mem>>)
    %dma_start3A_40 = arith.constant 1 : i32
    %dma_start3A_41 = arith.constant 1 : i32
    %dma_start3A_42 = arith.constant 0 : i32
    %dma_start3A_43 = arith.constant 0 : i32
    %dma_start3A_44 = tpu.memref_slice %arg9[%dma_start3A_41, %dma_start3A_42, %dma_start3A_43] : memref<4x128x32xf32, #tpu.memory_space<vmem>> -> memref<1x128x32xf32, #tpu.memory_space<vmem>>
    %dma_start3A_45 = tpu.memref_squeeze %dma_start3A_44 : memref<1x128x32xf32, #tpu.memory_space<vmem>> -> memref<128x32xf32, #tpu.memory_space<vmem>>
    %dma_start3A_46 = arith.constant 0 : i32
    %dma_start3A_47 = tpu.memref_slice %arg6[%dma_start3A_40, %dma_start3A_46] : memref<160x128xi32, #tpu.memory_space<vmem>> -> memref<1x128xi32, #tpu.memory_space<vmem>>
    %dma_start3A_48 = tpu.memref_squeeze %dma_start3A_47 : memref<1x128xi32, #tpu.memory_space<vmem>> -> memref<128xi32, #tpu.memory_space<vmem>>
    %dma_start3A_49 = arith.constant 0 : i32
    %dma_start3A_50 = arith.constant 0 : i32
    %dma_start3A_51 = tpu.memref_slice %arg2[%dma_start3A_49, %dma_start3A_50] : memref<20000x32xf32, #tpu.memory_space<hbm>> -> memref<20000x32xf32, #tpu.memory_space<hbm>>
    tpu.enqueue_indirect_dma source(%dma_start3A_51 : memref<20000x32xf32, #tpu.memory_space<hbm>>) target(%dma_start3A_45 : memref<128x32xf32, #tpu.memory_space<vmem>>) offsets(%dma_start3A_48 : memref<128xi32, #tpu.memory_space<vmem>>) semaphore(%arg12 : memref<!tpu.dma_semaphore, #tpu.memory_space<semaphore_mem>>)
    %dma_start3A_52 = arith.constant 2 : i32
    %dma_start3A_53 = arith.constant 2 : i32
    %dma_start3A_54 = arith.constant 0 : i32
    %dma_start3A_55 = arith.constant 0 : i32
    %dma_start3A_56 = tpu.memref_slice %arg8[%dma_start3A_53, %dma_start3A_54, %dma_start3A_55] : memref<4x128x32xf32, #tpu.memory_space<vmem>> -> memref<1x128x32xf32, #tpu.memory_space<vmem>>
    %dma_start3A_57 = tpu.memref_squeeze %dma_start3A_56 : memref<1x128x32xf32, #tpu.memory_space<vmem>> -> memref<128x32xf32, #tpu.memory_space<vmem>>
    %dma_start3A_58 = arith.constant 0 : i32
    %dma_start3A_59 = tpu.memref_slice %arg7[%dma_start3A_52, %dma_start3A_58] : memref<160x128xi32, #tpu.memory_space<vmem>> -> memref<1x128xi32, #tpu.memory_space<vmem>>
    %dma_start3A_60 = tpu.memref_squeeze %dma_start3A_59 : memref<1x128xi32, #tpu.memory_space<vmem>> -> memref<128xi32, #tpu.memory_space<vmem>>
    %dma_start3A_61 = arith.constant 0 : i32
    %dma_start3A_62 = arith.constant 0 : i32
    %dma_start3A_63 = tpu.memref_slice %arg2[%dma_start3A_61, %dma_start3A_62] : memref<20000x32xf32, #tpu.memory_space<hbm>> -> memref<20000x32xf32, #tpu.memory_space<hbm>>
    tpu.enqueue_indirect_dma source(%dma_start3A_63 : memref<20000x32xf32, #tpu.memory_space<hbm>>) target(%dma_start3A_57 : memref<128x32xf32, #tpu.memory_space<vmem>>) offsets(%dma_start3A_60 : memref<128xi32, #tpu.memory_space<vmem>>) semaphore(%arg13 : memref<!tpu.dma_semaphore, #tpu.memory_space<semaphore_mem>>)
    %dma_start3A_64 = arith.constant 2 : i32
    %dma_start3A_65 = arith.constant 2 : i32
    %dma_start3A_66 = arith.constant 0 : i32
    %dma_start3A_67 = arith.constant 0 : i32
    %dma_start3A_68 = tpu.memref_slice %arg9[%dma_start3A_65, %dma_start3A_66, %dma_start3A_67] : memref<4x128x32xf32, #tpu.memory_space<vmem>> -> memref<1x128x32xf32, #tpu.memory_space<vmem>>
    %dma_start3A_69 = tpu.memref_squeeze %dma_start3A_68 : memref<1x128x32xf32, #tpu.memory_space<vmem>> -> memref<128x32xf32, #tpu.memory_space<vmem>>
    %dma_start3A_70 = arith.constant 0 : i32
    %dma_start3A_71 = tpu.memref_slice %arg6[%dma_start3A_64, %dma_start3A_70] : memref<160x128xi32, #tpu.memory_space<vmem>> -> memref<1x128xi32, #tpu.memory_space<vmem>>
    %dma_start3A_72 = tpu.memref_squeeze %dma_start3A_71 : memref<1x128xi32, #tpu.memory_space<vmem>> -> memref<128xi32, #tpu.memory_space<vmem>>
    %dma_start3A_73 = arith.constant 0 : i32
    %dma_start3A_74 = arith.constant 0 : i32
    %dma_start3A_75 = tpu.memref_slice %arg2[%dma_start3A_73, %dma_start3A_74] : memref<20000x32xf32, #tpu.memory_space<hbm>> -> memref<20000x32xf32, #tpu.memory_space<hbm>>
    tpu.enqueue_indirect_dma source(%dma_start3A_75 : memref<20000x32xf32, #tpu.memory_space<hbm>>) target(%dma_start3A_69 : memref<128x32xf32, #tpu.memory_space<vmem>>) offsets(%dma_start3A_72 : memref<128xi32, #tpu.memory_space<vmem>>) semaphore(%arg13 : memref<!tpu.dma_semaphore, #tpu.memory_space<semaphore_mem>>)
    %scan3A = arith.constant 0 : i32
    %scan3A_76 = arith.constant 0 : i32
    %scan3A_77 = arith.constant 40 : i32
    %scan3A_78 = arith.addi %scan3A_76, %scan3A_77 : i32
    %scan3A_79 = arith.constant 1 : i32
    scf.for %scan3A_116 = %scan3A_76 to %scan3A_78 step %scan3A_79  : i32 {
      %mul3A_117 = arith.constant 4 : i32
      %mul3A_118 = arith.muli %scan3A_116, %mul3A_117 : i32
      %add3A_119 = arith.constant 0 : i32
      %add3A_120 = arith.addi %mul3A_118, %add3A_119 : i32
      %add3A_121 = arith.constant 4 : i32
      %add3A_122 = arith.addi %add3A_120, %add3A_121 : i32
      %sub3A = arith.constant 1 : i32
      %sub3A_123 = arith.subi %add3A_122, %sub3A : i32
      %lt3A = arith.constant 160 : i32
      %lt3A_124 = arith.cmpi slt, %sub3A_123, %lt3A : i32
      %convert_element_type3A = arith.extui %lt3A_124 : i1 to i32
      %cond3A = arith.constant 0 : i32
      %cond3A_125 = arith.cmpi ne, %convert_element_type3A, %cond3A : i32
      scf.if %cond3A_125 {
        %add3A_352 = arith.constant 4 : i32
        %add3A_353 = arith.addi %add3A_120, %add3A_352 : i32
        %sub3A_354 = arith.constant 1 : i32
        %sub3A_355 = arith.subi %add3A_353, %sub3A_354 : i32
        %dma_start3A_356 = arith.constant 3 : i32
        %dma_start3A_357 = arith.constant 0 : i32
        %dma_start3A_358 = arith.constant 0 : i32
        %dma_start3A_359 = tpu.memref_slice %arg8[%dma_start3A_356, %dma_start3A_357, %dma_start3A_358] : memref<4x128x32xf32, #tpu.memory_space<vmem>> -> memref<1x128x32xf32, #tpu.memory_space<vmem>>
        %dma_start3A_360 = tpu.memref_squeeze %dma_start3A_359 : memref<1x128x32xf32, #tpu.memory_space<vmem>> -> memref<128x32xf32, #tpu.memory_space<vmem>>
        %dma_start3A_361 = arith.constant 0 : i32
        %dma_start3A_362 = tpu.memref_slice %arg7[%sub3A_355, %dma_start3A_361] : memref<160x128xi32, #tpu.memory_space<vmem>> -> memref<1x128xi32, #tpu.memory_space<vmem>>
        %dma_start3A_363 = tpu.memref_squeeze %dma_start3A_362 : memref<1x128xi32, #tpu.memory_space<vmem>> -> memref<128xi32, #tpu.memory_space<vmem>>
        %dma_start3A_364 = arith.constant 0 : i32
        %dma_start3A_365 = arith.constant 0 : i32
        %dma_start3A_366 = tpu.memref_slice %arg2[%dma_start3A_364, %dma_start3A_365] : memref<20000x32xf32, #tpu.memory_space<hbm>> -> memref<20000x32xf32, #tpu.memory_space<hbm>>
        tpu.enqueue_indirect_dma source(%dma_start3A_366 : memref<20000x32xf32, #tpu.memory_space<hbm>>) target(%dma_start3A_360 : memref<128x32xf32, #tpu.memory_space<vmem>>) offsets(%dma_start3A_363 : memref<128xi32, #tpu.memory_space<vmem>>) semaphore(%arg14 : memref<!tpu.dma_semaphore, #tpu.memory_space<semaphore_mem>>)
        %dma_start3A_367 = arith.constant 3 : i32
        %dma_start3A_368 = arith.constant 0 : i32
        %dma_start3A_369 = arith.constant 0 : i32
        %dma_start3A_370 = tpu.memref_slice %arg9[%dma_start3A_367, %dma_start3A_368, %dma_start3A_369] : memref<4x128x32xf32, #tpu.memory_space<vmem>> -> memref<1x128x32xf32, #tpu.memory_space<vmem>>
        %dma_start3A_371 = tpu.memref_squeeze %dma_start3A_370 : memref<1x128x32xf32, #tpu.memory_space<vmem>> -> memref<128x32xf32, #tpu.memory_space<vmem>>
        %dma_start3A_372 = arith.constant 0 : i32
        %dma_start3A_373 = tpu.memref_slice %arg6[%sub3A_355, %dma_start3A_372] : memref<160x128xi32, #tpu.memory_space<vmem>> -> memref<1x128xi32, #tpu.memory_space<vmem>>
        %dma_start3A_374 = tpu.memref_squeeze %dma_start3A_373 : memref<1x128xi32, #tpu.memory_space<vmem>> -> memref<128xi32, #tpu.memory_space<vmem>>
        %dma_start3A_375 = arith.constant 0 : i32
        %dma_start3A_376 = arith.constant 0 : i32
        %dma_start3A_377 = tpu.memref_slice %arg2[%dma_start3A_375, %dma_start3A_376] : memref<20000x32xf32, #tpu.memory_space<hbm>> -> memref<20000x32xf32, #tpu.memory_space<hbm>>
        tpu.enqueue_indirect_dma source(%dma_start3A_377 : memref<20000x32xf32, #tpu.memory_space<hbm>>) target(%dma_start3A_371 : memref<128x32xf32, #tpu.memory_space<vmem>>) offsets(%dma_start3A_374 : memref<128xi32, #tpu.memory_space<vmem>>) semaphore(%arg14 : memref<!tpu.dma_semaphore, #tpu.memory_space<semaphore_mem>>)
      } else {
      }
      %dma_wait3A_126 = arith.constant 0 : i32
      %dma_wait3A_127 = arith.constant 0 : i32
      %dma_wait3A_128 = arith.constant 0 : i32
      %dma_wait3A_129 = tpu.memref_slice %arg8[%dma_wait3A_126, %dma_wait3A_127, %dma_wait3A_128] : memref<4x128x32xf32, #tpu.memory_space<vmem>> -> memref<1x128x32xf32, #tpu.memory_space<vmem>>
      %dma_wait3A_130 = tpu.memref_squeeze %dma_wait3A_129 : memref<1x128x32xf32, #tpu.memory_space<vmem>> -> memref<128x32xf32, #tpu.memory_space<vmem>>
      %dma_wait3A_131 = arith.constant 0 : i32
      %dma_wait3A_132 = tpu.memref_slice %arg7[%add3A_120, %dma_wait3A_131] : memref<160x128xi32, #tpu.memory_space<vmem>> -> memref<1x128xi32, #tpu.memory_space<vmem>>
      %dma_wait3A_133 = tpu.memref_squeeze %dma_wait3A_132 : memref<1x128xi32, #tpu.memory_space<vmem>> -> memref<128xi32, #tpu.memory_space<vmem>>
      %dma_wait3A_134 = arith.constant 0 : i32
      %dma_wait3A_135 = arith.constant 0 : i32
      %dma_wait3A_136 = tpu.memref_slice %arg2[%dma_wait3A_134, %dma_wait3A_135] : memref<20000x32xf32, #tpu.memory_space<hbm>> -> memref<20000x32xf32, #tpu.memory_space<hbm>>
      tpu.wait_indirect_dma semaphore(%arg11 : memref<!tpu.dma_semaphore, #tpu.memory_space<semaphore_mem>>) src(%dma_wait3A_136 : memref<20000x32xf32, #tpu.memory_space<hbm>>) dst(%dma_wait3A_130 : memref<128x32xf32, #tpu.memory_space<vmem>>)
      %dma_wait3A_137 = arith.constant 0 : i32
      %dma_wait3A_138 = arith.constant 0 : i32
      %dma_wait3A_139 = arith.constant 0 : i32
      %dma_wait3A_140 = tpu.memref_slice %arg9[%dma_wait3A_137, %dma_wait3A_138, %dma_wait3A_139] : memref<4x128x32xf32, #tpu.memory_space<vmem>> -> memref<1x128x32xf32, #tpu.memory_space<vmem>>
      %dma_wait3A_141 = tpu.memref_squeeze %dma_wait3A_140 : memref<1x128x32xf32, #tpu.memory_space<vmem>> -> memref<128x32xf32, #tpu.memory_space<vmem>>
      %dma_wait3A_142 = arith.constant 0 : i32
      %dma_wait3A_143 = tpu.memref_slice %arg6[%add3A_120, %dma_wait3A_142] : memref<160x128xi32, #tpu.memory_space<vmem>> -> memref<1x128xi32, #tpu.memory_space<vmem>>
      %dma_wait3A_144 = tpu.memref_squeeze %dma_wait3A_143 : memref<1x128xi32, #tpu.memory_space<vmem>> -> memref<128xi32, #tpu.memory_space<vmem>>
      %dma_wait3A_145 = arith.constant 0 : i32
      %dma_wait3A_146 = arith.constant 0 : i32
      %dma_wait3A_147 = tpu.memref_slice %arg2[%dma_wait3A_145, %dma_wait3A_146] : memref<20000x32xf32, #tpu.memory_space<hbm>> -> memref<20000x32xf32, #tpu.memory_space<hbm>>
      tpu.wait_indirect_dma semaphore(%arg11 : memref<!tpu.dma_semaphore, #tpu.memory_space<semaphore_mem>>) src(%dma_wait3A_147 : memref<20000x32xf32, #tpu.memory_space<hbm>>) dst(%dma_wait3A_141 : memref<128x32xf32, #tpu.memory_space<vmem>>)
      %ge3A = arith.constant 4 : i32
      %ge3A_148 = arith.cmpi sge, %add3A_120, %ge3A : i32
      %convert_element_type3A_149 = arith.extui %ge3A_148 : i1 to i32
      %cond3A_150 = arith.constant 0 : i32
      %cond3A_151 = arith.cmpi ne, %convert_element_type3A_149, %cond3A_150 : i32
      scf.if %cond3A_151 {
        %dma_wait3A_352 = arith.constant 0 : i32
        %dma_wait3A_353 = arith.constant 0 : i32
        %dma_wait3A_354 = tpu.memref_slice %arg10[%dma_wait3A_352, %dma_wait3A_353] : memref<4x4096xf32, #tpu.memory_space<vmem>> -> memref<1x4096xf32, #tpu.memory_space<vmem>>
        %dma_wait3A_355 = tpu.memref_squeeze %dma_wait3A_354 : memref<1x4096xf32, #tpu.memory_space<vmem>> -> memref<4096xf32, #tpu.memory_space<vmem>>
        %dma_wait3A_356 = tpu.memref_slice %arg5[%mul3A_4] : memref<20971520xf32, #tpu.memory_space<hbm>> -> memref<4096xf32, #tpu.memory_space<hbm>>
        %dma_wait3A_357 = tpu.memref_slice %arg5[%mul3A_4] : memref<20971520xf32, #tpu.memory_space<hbm>> -> memref<4096xf32, #tpu.memory_space<hbm>>
        %dma_wait3A_358 = arith.constant 0 : i32
        %dma_wait3A_359 = tpu.memref_slice %arg10[%dma_wait3A_352, %dma_wait3A_358] : memref<4x4096xf32, #tpu.memory_space<vmem>> -> memref<1x4096xf32, #tpu.memory_space<vmem>>
        %dma_wait3A_360 = tpu.memref_squeeze %dma_wait3A_359 : memref<1x4096xf32, #tpu.memory_space<vmem>> -> memref<4096xf32, #tpu.memory_space<vmem>>
        tpu.wait_dma2 semaphore(%arg15 : memref<!tpu.dma_semaphore, #tpu.memory_space<semaphore_mem>>) src(%dma_wait3A_360 : memref<4096xf32, #tpu.memory_space<vmem>>) dst(%dma_wait3A_357 : memref<4096xf32, #tpu.memory_space<hbm>>)
      } else {
      }
      %scan3A_152 = arith.constant 0 : i32
      %scan3A_153 = arith.constant 0 : i32
      %scan3A_154 = arith.constant 128 : i32
      %scan3A_155 = arith.addi %scan3A_153, %scan3A_154 : i32
      %scan3A_156 = arith.constant 1 : i32
      scf.for %scan3A_352 = %scan3A_153 to %scan3A_155 step %scan3A_156  : i32 {
        %get3A = arith.constant 0 : i32
        %get3A_353 = arith.index_cast %get3A : i32 to index
        %get3A_354 = arith.index_cast %scan3A_352 : i32 to index
        %get3A_355 = arith.constant 0 : index
        %get3A_356 = tpu.vector_load %arg8[%get3A_353, %get3A_354, %get3A_355] {strides = array<i32>} : memref<4x128x32xf32, #tpu.memory_space<vmem>>, vector<16xf32>,
        %get3A_357 = arith.constant 0 : i32
        %get3A_358 = arith.index_cast %get3A_357 : i32 to index
        %get3A_359 = arith.index_cast %scan3A_352 : i32 to index
        %get3A_360 = arith.constant 0 : index
        %get3A_361 = tpu.vector_load %arg9[%get3A_358, %get3A_359, %get3A_360] {strides = array<i32>} : memref<4x128x32xf32, #tpu.memory_space<vmem>>, vector<16xf32>,
        %add3A_362 = arith.addf %get3A_356, %get3A_361 : vector<16xf32>
        %mul3A_363 = arith.constant 32 : i32
        %mul3A_364 = arith.muli %scan3A_352, %mul3A_363 : i32
        %add3A_365 = arith.constant 0 : i32
        %add3A_366 = arith.addi %mul3A_364, %add3A_365 : i32
        %swap3A = arith.constant 0 : i32
        %swap3A_367 = arith.index_cast %swap3A : i32 to index
        %swap3A_368 = arith.index_cast %add3A_366 : i32 to index
        %swap3A_369 = tpu.vector_load %arg10[%swap3A_367, %swap3A_368] {strides = array<i32>} : memref<4x4096xf32, #tpu.memory_space<vmem>>, vector<16xf32>,
        tpu.vector_store %arg10[%swap3A_367, %swap3A_368], %add3A_362 {strides = array<i32>} : memref<4x4096xf32, #tpu.memory_space<vmem>>, vector<16xf32>,
        %get3A_370 = arith.constant 0 : i32
        %get3A_371 = arith.index_cast %get3A_370 : i32 to index
        %get3A_372 = arith.index_cast %scan3A_352 : i32 to index
        %get3A_373 = arith.constant 16 : index
        %get3A_374 = tpu.vector_load %arg8[%get3A_371, %get3A_372, %get3A_373] {strides = array<i32>} : memref<4x128x32xf32, #tpu.memory_space<vmem>>, vector<16xf32>,
        %get3A_375 = arith.constant 0 : i32
        %get3A_376 = arith.index_cast %get3A_375 : i32 to index
        %get3A_377 = arith.index_cast %scan3A_352 : i32 to index
        %get3A_378 = arith.constant 16 : index
        %get3A_379 = tpu.vector_load %arg9[%get3A_376, %get3A_377, %get3A_378] {strides = array<i32>} : memref<4x128x32xf32, #tpu.memory_space<vmem>>, vector<16xf32>,
        %add3A_380 = arith.addf %get3A_374, %get3A_379 : vector<16xf32>
        %mul3A_381 = arith.constant 32 : i32
        %mul3A_382 = arith.muli %scan3A_352, %mul3A_381 : i32
        %add3A_383 = arith.constant 16 : i32
        %add3A_384 = arith.addi %mul3A_382, %add3A_383 : i32
        %swap3A_385 = arith.constant 0 : i32
        %swap3A_386 = arith.index_cast %swap3A_385 : i32 to index
        %swap3A_387 = arith.index_cast %add3A_384 : i32 to index
        %swap3A_388 = tpu.vector_load %arg10[%swap3A_386, %swap3A_387] {strides = array<i32>} : memref<4x4096xf32, #tpu.memory_space<vmem>>, vector<16xf32>,
        tpu.vector_store %arg10[%swap3A_386, %swap3A_387], %add3A_380 {strides = array<i32>} : memref<4x4096xf32, #tpu.memory_space<vmem>>, vector<16xf32>,
      }
      %scan3A_157 = arith.constant 128 : i32
      %mul3A_158 = arith.constant 128 : i32
      %mul3A_159 = arith.muli %add3A_120, %mul3A_158 : i32
      %mul3A_160 = arith.constant 32 : i32
      %mul3A_161 = arith.muli %mul3A_159, %mul3A_160 : i32
      %add3A_162 = arith.addi %mul3A_4, %mul3A_161 : i32
      %dma_start3A_163 = arith.constant 0 : i32
      %dma_start3A_164 = arith.constant 0 : i32
      %dma_start3A_165 = tpu.memref_slice %arg10[%dma_start3A_163, %dma_start3A_164] : memref<4x4096xf32, #tpu.memory_space<vmem>> -> memref<1x4096xf32, #tpu.memory_space<vmem>>
      %dma_start3A_166 = tpu.memref_squeeze %dma_start3A_165 : memref<1x4096xf32, #tpu.memory_space<vmem>> -> memref<4096xf32, #tpu.memory_space<vmem>>
      %dma_start3A_167 = tpu.memref_slice %arg5[%add3A_162] : memref<20971520xf32, #tpu.memory_space<hbm>> -> memref<4096xf32, #tpu.memory_space<hbm>>
      %dma_start3A_168 = tpu.memref_slice %arg5[%add3A_162] : memref<20971520xf32, #tpu.memory_space<hbm>> -> memref<4096xf32, #tpu.memory_space<hbm>>
      %dma_start3A_169 = arith.constant 0 : i32
      %dma_start3A_170 = tpu.memref_slice %arg10[%dma_start3A_163, %dma_start3A_169] : memref<4x4096xf32, #tpu.memory_space<vmem>> -> memref<1x4096xf32, #tpu.memory_space<vmem>>
      %dma_start3A_171 = tpu.memref_squeeze %dma_start3A_170 : memref<1x4096xf32, #tpu.memory_space<vmem>> -> memref<4096xf32, #tpu.memory_space<vmem>>
      tpu.enqueue_dma source(%dma_start3A_171 : memref<4096xf32, #tpu.memory_space<vmem>>) target(%dma_start3A_168 : memref<4096xf32, #tpu.memory_space<hbm>>) target_semaphore(%arg15 : memref<!tpu.dma_semaphore, #tpu.memory_space<semaphore_mem>>)
      %mul3A_172 = arith.constant 4 : i32
      %mul3A_173 = arith.muli %scan3A_116, %mul3A_172 : i32
      %add3A_174 = arith.constant 1 : i32
      %add3A_175 = arith.addi %mul3A_173, %add3A_174 : i32
      %add3A_176 = arith.constant 4 : i32
      %add3A_177 = arith.addi %add3A_175, %add3A_176 : i32
      %sub3A_178 = arith.constant 1 : i32
      %sub3A_179 = arith.subi %add3A_177, %sub3A_178 : i32
      %lt3A_180 = arith.constant 160 : i32
      %lt3A_181 = arith.cmpi slt, %sub3A_179, %lt3A_180 : i32
      %convert_element_type3A_182 = arith.extui %lt3A_181 : i1 to i32
      %cond3A_183 = arith.constant 0 : i32
      %cond3A_184 = arith.cmpi ne, %convert_element_type3A_182, %cond3A_183 : i32
      scf.if %cond3A_184 {
        %add3A_352 = arith.constant 4 : i32
        %add3A_353 = arith.addi %add3A_175, %add3A_352 : i32
        %sub3A_354 = arith.constant 1 : i32
        %sub3A_355 = arith.subi %add3A_353, %sub3A_354 : i32
        %dma_start3A_356 = arith.constant 0 : i32
        %dma_start3A_357 = arith.constant 0 : i32
        %dma_start3A_358 = arith.constant 0 : i32
        %dma_start3A_359 = tpu.memref_slice %arg8[%dma_start3A_356, %dma_start3A_357, %dma_start3A_358] : memref<4x128x32xf32, #tpu.memory_space<vmem>> -> memref<1x128x32xf32, #tpu.memory_space<vmem>>
        %dma_start3A_360 = tpu.memref_squeeze %dma_start3A_359 : memref<1x128x32xf32, #tpu.memory_space<vmem>> -> memref<128x32xf32, #tpu.memory_space<vmem>>
        %dma_start3A_361 = arith.constant 0 : i32
        %dma_start3A_362 = tpu.memref_slice %arg7[%sub3A_355, %dma_start3A_361] : memref<160x128xi32, #tpu.memory_space<vmem>> -> memref<1x128xi32, #tpu.memory_space<vmem>>
        %dma_start3A_363 = tpu.memref_squeeze %dma_start3A_362 : memref<1x128xi32, #tpu.memory_space<vmem>> -> memref<128xi32, #tpu.memory_space<vmem>>
        %dma_start3A_364 = arith.constant 0 : i32
        %dma_start3A_365 = arith.constant 0 : i32
        %dma_start3A_366 = tpu.memref_slice %arg2[%dma_start3A_364, %dma_start3A_365] : memref<20000x32xf32, #tpu.memory_space<hbm>> -> memref<20000x32xf32, #tpu.memory_space<hbm>>
        tpu.enqueue_indirect_dma source(%dma_start3A_366 : memref<20000x32xf32, #tpu.memory_space<hbm>>) target(%dma_start3A_360 : memref<128x32xf32, #tpu.memory_space<vmem>>) offsets(%dma_start3A_363 : memref<128xi32, #tpu.memory_space<vmem>>) semaphore(%arg11 : memref<!tpu.dma_semaphore, #tpu.memory_space<semaphore_mem>>)
        %dma_start3A_367 = arith.constant 0 : i32
        %dma_start3A_368 = arith.constant 0 : i32
        %dma_start3A_369 = arith.constant 0 : i32
        %dma_start3A_370 = tpu.memref_slice %arg9[%dma_start3A_367, %dma_start3A_368, %dma_start3A_369] : memref<4x128x32xf32, #tpu.memory_space<vmem>> -> memref<1x128x32xf32, #tpu.memory_space<vmem>>
        %dma_start3A_371 = tpu.memref_squeeze %dma_start3A_370 : memref<1x128x32xf32, #tpu.memory_space<vmem>> -> memref<128x32xf32, #tpu.memory_space<vmem>>
        %dma_start3A_372 = arith.constant 0 : i32
        %dma_start3A_373 = tpu.memref_slice %arg6[%sub3A_355, %dma_start3A_372] : memref<160x128xi32, #tpu.memory_space<vmem>> -> memref<1x128xi32, #tpu.memory_space<vmem>>
        %dma_start3A_374 = tpu.memref_squeeze %dma_start3A_373 : memref<1x128xi32, #tpu.memory_space<vmem>> -> memref<128xi32, #tpu.memory_space<vmem>>
        %dma_start3A_375 = arith.constant 0 : i32
        %dma_start3A_376 = arith.constant 0 : i32
        %dma_start3A_377 = tpu.memref_slice %arg2[%dma_start3A_375, %dma_start3A_376] : memref<20000x32xf32, #tpu.memory_space<hbm>> -> memref<20000x32xf32, #tpu.memory_space<hbm>>
        tpu.enqueue_indirect_dma source(%dma_start3A_377 : memref<20000x32xf32, #tpu.memory_space<hbm>>) target(%dma_start3A_371 : memref<128x32xf32, #tpu.memory_space<vmem>>) offsets(%dma_start3A_374 : memref<128xi32, #tpu.memory_space<vmem>>) semaphore(%arg11 : memref<!tpu.dma_semaphore, #tpu.memory_space<semaphore_mem>>)
      } else {
      }
      %dma_wait3A_185 = arith.constant 1 : i32
      %dma_wait3A_186 = arith.constant 0 : i32
      %dma_wait3A_187 = arith.constant 0 : i32
      %dma_wait3A_188 = tpu.memref_slice %arg8[%dma_wait3A_185, %dma_wait3A_186, %dma_wait3A_187] : memref<4x128x32xf32, #tpu.memory_space<vmem>> -> memref<1x128x32xf32, #tpu.memory_space<vmem>>
      %dma_wait3A_189 = tpu.memref_squeeze %dma_wait3A_188 : memref<1x128x32xf32, #tpu.memory_space<vmem>> -> memref<128x32xf32, #tpu.memory_space<vmem>>
      %dma_wait3A_190 = arith.constant 0 : i32
      %dma_wait3A_191 = tpu.memref_slice %arg7[%add3A_175, %dma_wait3A_190] : memref<160x128xi32, #tpu.memory_space<vmem>> -> memref<1x128xi32, #tpu.memory_space<vmem>>
      %dma_wait3A_192 = tpu.memref_squeeze %dma_wait3A_191 : memref<1x128xi32, #tpu.memory_space<vmem>> -> memref<128xi32, #tpu.memory_space<vmem>>
      %dma_wait3A_193 = arith.constant 0 : i32
      %dma_wait3A_194 = arith.constant 0 : i32
      %dma_wait3A_195 = tpu.memref_slice %arg2[%dma_wait3A_193, %dma_wait3A_194] : memref<20000x32xf32, #tpu.memory_space<hbm>> -> memref<20000x32xf32, #tpu.memory_space<hbm>>
      tpu.wait_indirect_dma semaphore(%arg12 : memref<!tpu.dma_semaphore, #tpu.memory_space<semaphore_mem>>) src(%dma_wait3A_195 : memref<20000x32xf32, #tpu.memory_space<hbm>>) dst(%dma_wait3A_189 : memref<128x32xf32, #tpu.memory_space<vmem>>)
      %dma_wait3A_196 = arith.constant 1 : i32
      %dma_wait3A_197 = arith.constant 0 : i32
      %dma_wait3A_198 = arith.constant 0 : i32
      %dma_wait3A_199 = tpu.memref_slice %arg9[%dma_wait3A_196, %dma_wait3A_197, %dma_wait3A_198] : memref<4x128x32xf32, #tpu.memory_space<vmem>> -> memref<1x128x32xf32, #tpu.memory_space<vmem>>
      %dma_wait3A_200 = tpu.memref_squeeze %dma_wait3A_199 : memref<1x128x32xf32, #tpu.memory_space<vmem>> -> memref<128x32xf32, #tpu.memory_space<vmem>>
      %dma_wait3A_201 = arith.constant 0 : i32
      %dma_wait3A_202 = tpu.memref_slice %arg6[%add3A_175, %dma_wait3A_201] : memref<160x128xi32, #tpu.memory_space<vmem>> -> memref<1x128xi32, #tpu.memory_space<vmem>>
      %dma_wait3A_203 = tpu.memref_squeeze %dma_wait3A_202 : memref<1x128xi32, #tpu.memory_space<vmem>> -> memref<128xi32, #tpu.memory_space<vmem>>
      %dma_wait3A_204 = arith.constant 0 : i32
      %dma_wait3A_205 = arith.constant 0 : i32
      %dma_wait3A_206 = tpu.memref_slice %arg2[%dma_wait3A_204, %dma_wait3A_205] : memref<20000x32xf32, #tpu.memory_space<hbm>> -> memref<20000x32xf32, #tpu.memory_space<hbm>>
      tpu.wait_indirect_dma semaphore(%arg12 : memref<!tpu.dma_semaphore, #tpu.memory_space<semaphore_mem>>) src(%dma_wait3A_206 : memref<20000x32xf32, #tpu.memory_space<hbm>>) dst(%dma_wait3A_200 : memref<128x32xf32, #tpu.memory_space<vmem>>)
      %ge3A_207 = arith.constant 4 : i32
      %ge3A_208 = arith.cmpi sge, %add3A_175, %ge3A_207 : i32
      %convert_element_type3A_209 = arith.extui %ge3A_208 : i1 to i32
      %cond3A_210 = arith.constant 0 : i32
      %cond3A_211 = arith.cmpi ne, %convert_element_type3A_209, %cond3A_210 : i32
      scf.if %cond3A_211 {
        %dma_wait3A_352 = arith.constant 1 : i32
        %dma_wait3A_353 = arith.constant 0 : i32
        %dma_wait3A_354 = tpu.memref_slice %arg10[%dma_wait3A_352, %dma_wait3A_353] : memref<4x4096xf32, #tpu.memory_space<vmem>> -> memref<1x4096xf32, #tpu.memory_space<vmem>>
        %dma_wait3A_355 = tpu.memref_squeeze %dma_wait3A_354 : memref<1x4096xf32, #tpu.memory_space<vmem>> -> memref<4096xf32, #tpu.memory_space<vmem>>
        %dma_wait3A_356 = tpu.memref_slice %arg5[%mul3A_4] : memref<20971520xf32, #tpu.memory_space<hbm>> -> memref<4096xf32, #tpu.memory_space<hbm>>
        %dma_wait3A_357 = tpu.memref_slice %arg5[%mul3A_4] : memref<20971520xf32, #tpu.memory_space<hbm>> -> memref<4096xf32, #tpu.memory_space<hbm>>
        %dma_wait3A_358 = arith.constant 0 : i32
        %dma_wait3A_359 = tpu.memref_slice %arg10[%dma_wait3A_352, %dma_wait3A_358] : memref<4x4096xf32, #tpu.memory_space<vmem>> -> memref<1x4096xf32, #tpu.memory_space<vmem>>
        %dma_wait3A_360 = tpu.memref_squeeze %dma_wait3A_359 : memref<1x4096xf32, #tpu.memory_space<vmem>> -> memref<4096xf32, #tpu.memory_space<vmem>>
        tpu.wait_dma2 semaphore(%arg16 : memref<!tpu.dma_semaphore, #tpu.memory_space<semaphore_mem>>) src(%dma_wait3A_360 : memref<4096xf32, #tpu.memory_space<vmem>>) dst(%dma_wait3A_357 : memref<4096xf32, #tpu.memory_space<hbm>>)
      } else {
      }
      %scan3A_212 = arith.constant 0 : i32
      %scan3A_213 = arith.constant 0 : i32
      %scan3A_214 = arith.constant 128 : i32
      %scan3A_215 = arith.addi %scan3A_213, %scan3A_214 : i32
      %scan3A_216 = arith.constant 1 : i32
      scf.for %scan3A_352 = %scan3A_213 to %scan3A_215 step %scan3A_216  : i32 {
        %get3A = arith.constant 1 : i32
        %get3A_353 = arith.index_cast %get3A : i32 to index
        %get3A_354 = arith.index_cast %scan3A_352 : i32 to index
        %get3A_355 = arith.constant 0 : index
        %get3A_356 = tpu.vector_load %arg8[%get3A_353, %get3A_354, %get3A_355] {strides = array<i32>} : memref<4x128x32xf32, #tpu.memory_space<vmem>>, vector<16xf32>,
        %get3A_357 = arith.constant 1 : i32
        %get3A_358 = arith.index_cast %get3A_357 : i32 to index
        %get3A_359 = arith.index_cast %scan3A_352 : i32 to index
        %get3A_360 = arith.constant 0 : index
        %get3A_361 = tpu.vector_load %arg9[%get3A_358, %get3A_359, %get3A_360] {strides = array<i32>} : memref<4x128x32xf32, #tpu.memory_space<vmem>>, vector<16xf32>,
        %add3A_362 = arith.addf %get3A_356, %get3A_361 : vector<16xf32>
        %mul3A_363 = arith.constant 32 : i32
        %mul3A_364 = arith.muli %scan3A_352, %mul3A_363 : i32
        %add3A_365 = arith.constant 0 : i32
        %add3A_366 = arith.addi %mul3A_364, %add3A_365 : i32
        %swap3A = arith.constant 1 : i32
        %swap3A_367 = arith.index_cast %swap3A : i32 to index
        %swap3A_368 = arith.index_cast %add3A_366 : i32 to index
        %swap3A_369 = tpu.vector_load %arg10[%swap3A_367, %swap3A_368] {strides = array<i32>} : memref<4x4096xf32, #tpu.memory_space<vmem>>, vector<16xf32>,
        tpu.vector_store %arg10[%swap3A_367, %swap3A_368], %add3A_362 {strides = array<i32>} : memref<4x4096xf32, #tpu.memory_space<vmem>>, vector<16xf32>,
        %get3A_370 = arith.constant 1 : i32
        %get3A_371 = arith.index_cast %get3A_370 : i32 to index
        %get3A_372 = arith.index_cast %scan3A_352 : i32 to index
        %get3A_373 = arith.constant 16 : index
        %get3A_374 = tpu.vector_load %arg8[%get3A_371, %get3A_372, %get3A_373] {strides = array<i32>} : memref<4x128x32xf32, #tpu.memory_space<vmem>>, vector<16xf32>,
        %get3A_375 = arith.constant 1 : i32
        %get3A_376 = arith.index_cast %get3A_375 : i32 to index
        %get3A_377 = arith.index_cast %scan3A_352 : i32 to index
        %get3A_378 = arith.constant 16 : index
        %get3A_379 = tpu.vector_load %arg9[%get3A_376, %get3A_377, %get3A_378] {strides = array<i32>} : memref<4x128x32xf32, #tpu.memory_space<vmem>>, vector<16xf32>,
        %add3A_380 = arith.addf %get3A_374, %get3A_379 : vector<16xf32>
        %mul3A_381 = arith.constant 32 : i32
        %mul3A_382 = arith.muli %scan3A_352, %mul3A_381 : i32
        %add3A_383 = arith.constant 16 : i32
        %add3A_384 = arith.addi %mul3A_382, %add3A_383 : i32
        %swap3A_385 = arith.constant 1 : i32
        %swap3A_386 = arith.index_cast %swap3A_385 : i32 to index
        %swap3A_387 = arith.index_cast %add3A_384 : i32 to index
        %swap3A_388 = tpu.vector_load %arg10[%swap3A_386, %swap3A_387] {strides = array<i32>} : memref<4x4096xf32, #tpu.memory_space<vmem>>, vector<16xf32>,
        tpu.vector_store %arg10[%swap3A_386, %swap3A_387], %add3A_380 {strides = array<i32>} : memref<4x4096xf32, #tpu.memory_space<vmem>>, vector<16xf32>,
      }
      %scan3A_217 = arith.constant 128 : i32
      %mul3A_218 = arith.constant 128 : i32
      %mul3A_219 = arith.muli %add3A_175, %mul3A_218 : i32
      %mul3A_220 = arith.constant 32 : i32
      %mul3A_221 = arith.muli %mul3A_219, %mul3A_220 : i32
      %add3A_222 = arith.addi %mul3A_4, %mul3A_221 : i32
      %dma_start3A_223 = arith.constant 1 : i32
      %dma_start3A_224 = arith.constant 0 : i32
      %dma_start3A_225 = tpu.memref_slice %arg10[%dma_start3A_223, %dma_start3A_224] : memref<4x4096xf32, #tpu.memory_space<vmem>> -> memref<1x4096xf32, #tpu.memory_space<vmem>>
      %dma_start3A_226 = tpu.memref_squeeze %dma_start3A_225 : memref<1x4096xf32, #tpu.memory_space<vmem>> -> memref<4096xf32, #tpu.memory_space<vmem>>
      %dma_start3A_227 = tpu.memref_slice %arg5[%add3A_222] : memref<20971520xf32, #tpu.memory_space<hbm>> -> memref<4096xf32, #tpu.memory_space<hbm>>
      %dma_start3A_228 = tpu.memref_slice %arg5[%add3A_222] : memref<20971520xf32, #tpu.memory_space<hbm>> -> memref<4096xf32, #tpu.memory_space<hbm>>
      %dma_start3A_229 = arith.constant 0 : i32
      %dma_start3A_230 = tpu.memref_slice %arg10[%dma_start3A_223, %dma_start3A_229] : memref<4x4096xf32, #tpu.memory_space<vmem>> -> memref<1x4096xf32, #tpu.memory_space<vmem>>
      %dma_start3A_231 = tpu.memref_squeeze %dma_start3A_230 : memref<1x4096xf32, #tpu.memory_space<vmem>> -> memref<4096xf32, #tpu.memory_space<vmem>>
      tpu.enqueue_dma source(%dma_start3A_231 : memref<4096xf32, #tpu.memory_space<vmem>>) target(%dma_start3A_228 : memref<4096xf32, #tpu.memory_space<hbm>>) target_semaphore(%arg16 : memref<!tpu.dma_semaphore, #tpu.memory_space<semaphore_mem>>)
      %mul3A_232 = arith.constant 4 : i32
      %mul3A_233 = arith.muli %scan3A_116, %mul3A_232 : i32
      %add3A_234 = arith.constant 2 : i32
      %add3A_235 = arith.addi %mul3A_233, %add3A_234 : i32
      %add3A_236 = arith.constant 4 : i32
      %add3A_237 = arith.addi %add3A_235, %add3A_236 : i32
      %sub3A_238 = arith.constant 1 : i32
      %sub3A_239 = arith.subi %add3A_237, %sub3A_238 : i32
      %lt3A_240 = arith.constant 160 : i32
      %lt3A_241 = arith.cmpi slt, %sub3A_239, %lt3A_240 : i32
      %convert_element_type3A_242 = arith.extui %lt3A_241 : i1 to i32
      %cond3A_243 = arith.constant 0 : i32
      %cond3A_244 = arith.cmpi ne, %convert_element_type3A_242, %cond3A_243 : i32
      scf.if %cond3A_244 {
        %add3A_352 = arith.constant 4 : i32
        %add3A_353 = arith.addi %add3A_235, %add3A_352 : i32
        %sub3A_354 = arith.constant 1 : i32
        %sub3A_355 = arith.subi %add3A_353, %sub3A_354 : i32
        %dma_start3A_356 = arith.constant 1 : i32
        %dma_start3A_357 = arith.constant 0 : i32
        %dma_start3A_358 = arith.constant 0 : i32
        %dma_start3A_359 = tpu.memref_slice %arg8[%dma_start3A_356, %dma_start3A_357, %dma_start3A_358] : memref<4x128x32xf32, #tpu.memory_space<vmem>> -> memref<1x128x32xf32, #tpu.memory_space<vmem>>
        %dma_start3A_360 = tpu.memref_squeeze %dma_start3A_359 : memref<1x128x32xf32, #tpu.memory_space<vmem>> -> memref<128x32xf32, #tpu.memory_space<vmem>>
        %dma_start3A_361 = arith.constant 0 : i32
        %dma_start3A_362 = tpu.memref_slice %arg7[%sub3A_355, %dma_start3A_361] : memref<160x128xi32, #tpu.memory_space<vmem>> -> memref<1x128xi32, #tpu.memory_space<vmem>>
        %dma_start3A_363 = tpu.memref_squeeze %dma_start3A_362 : memref<1x128xi32, #tpu.memory_space<vmem>> -> memref<128xi32, #tpu.memory_space<vmem>>
        %dma_start3A_364 = arith.constant 0 : i32
        %dma_start3A_365 = arith.constant 0 : i32
        %dma_start3A_366 = tpu.memref_slice %arg2[%dma_start3A_364, %dma_start3A_365] : memref<20000x32xf32, #tpu.memory_space<hbm>> -> memref<20000x32xf32, #tpu.memory_space<hbm>>
        tpu.enqueue_indirect_dma source(%dma_start3A_366 : memref<20000x32xf32, #tpu.memory_space<hbm>>) target(%dma_start3A_360 : memref<128x32xf32, #tpu.memory_space<vmem>>) offsets(%dma_start3A_363 : memref<128xi32, #tpu.memory_space<vmem>>) semaphore(%arg12 : memref<!tpu.dma_semaphore, #tpu.memory_space<semaphore_mem>>)
        %dma_start3A_367 = arith.constant 1 : i32
        %dma_start3A_368 = arith.constant 0 : i32
        %dma_start3A_369 = arith.constant 0 : i32
        %dma_start3A_370 = tpu.memref_slice %arg9[%dma_start3A_367, %dma_start3A_368, %dma_start3A_369] : memref<4x128x32xf32, #tpu.memory_space<vmem>> -> memref<1x128x32xf32, #tpu.memory_space<vmem>>
        %dma_start3A_371 = tpu.memref_squeeze %dma_start3A_370 : memref<1x128x32xf32, #tpu.memory_space<vmem>> -> memref<128x32xf32, #tpu.memory_space<vmem>>
        %dma_start3A_372 = arith.constant 0 : i32
        %dma_start3A_373 = tpu.memref_slice %arg6[%sub3A_355, %dma_start3A_372] : memref<160x128xi32, #tpu.memory_space<vmem>> -> memref<1x128xi32, #tpu.memory_space<vmem>>
        %dma_start3A_374 = tpu.memref_squeeze %dma_start3A_373 : memref<1x128xi32, #tpu.memory_space<vmem>> -> memref<128xi32, #tpu.memory_space<vmem>>
        %dma_start3A_375 = arith.constant 0 : i32
        %dma_start3A_376 = arith.constant 0 : i32
        %dma_start3A_377 = tpu.memref_slice %arg2[%dma_start3A_375, %dma_start3A_376] : memref<20000x32xf32, #tpu.memory_space<hbm>> -> memref<20000x32xf32, #tpu.memory_space<hbm>>
        tpu.enqueue_indirect_dma source(%dma_start3A_377 : memref<20000x32xf32, #tpu.memory_space<hbm>>) target(%dma_start3A_371 : memref<128x32xf32, #tpu.memory_space<vmem>>) offsets(%dma_start3A_374 : memref<128xi32, #tpu.memory_space<vmem>>) semaphore(%arg12 : memref<!tpu.dma_semaphore, #tpu.memory_space<semaphore_mem>>)
      } else {
      }
      %dma_wait3A_245 = arith.constant 2 : i32
      %dma_wait3A_246 = arith.constant 0 : i32
      %dma_wait3A_247 = arith.constant 0 : i32
      %dma_wait3A_248 = tpu.memref_slice %arg8[%dma_wait3A_245, %dma_wait3A_246, %dma_wait3A_247] : memref<4x128x32xf32, #tpu.memory_space<vmem>> -> memref<1x128x32xf32, #tpu.memory_space<vmem>>
      %dma_wait3A_249 = tpu.memref_squeeze %dma_wait3A_248 : memref<1x128x32xf32, #tpu.memory_space<vmem>> -> memref<128x32xf32, #tpu.memory_space<vmem>>
      %dma_wait3A_250 = arith.constant 0 : i32
      %dma_wait3A_251 = tpu.memref_slice %arg7[%add3A_235, %dma_wait3A_250] : memref<160x128xi32, #tpu.memory_space<vmem>> -> memref<1x128xi32, #tpu.memory_space<vmem>>
      %dma_wait3A_252 = tpu.memref_squeeze %dma_wait3A_251 : memref<1x128xi32, #tpu.memory_space<vmem>> -> memref<128xi32, #tpu.memory_space<vmem>>
      %dma_wait3A_253 = arith.constant 0 : i32
      %dma_wait3A_254 = arith.constant 0 : i32
      %dma_wait3A_255 = tpu.memref_slice %arg2[%dma_wait3A_253, %dma_wait3A_254] : memref<20000x32xf32, #tpu.memory_space<hbm>> -> memref<20000x32xf32, #tpu.memory_space<hbm>>
      tpu.wait_indirect_dma semaphore(%arg13 : memref<!tpu.dma_semaphore, #tpu.memory_space<semaphore_mem>>) src(%dma_wait3A_255 : memref<20000x32xf32, #tpu.memory_space<hbm>>) dst(%dma_wait3A_249 : memref<128x32xf32, #tpu.memory_space<vmem>>)
      %dma_wait3A_256 = arith.constant 2 : i32
      %dma_wait3A_257 = arith.constant 0 : i32
      %dma_wait3A_258 = arith.constant 0 : i32
      %dma_wait3A_259 = tpu.memref_slice %arg9[%dma_wait3A_256, %dma_wait3A_257, %dma_wait3A_258] : memref<4x128x32xf32, #tpu.memory_space<vmem>> -> memref<1x128x32xf32, #tpu.memory_space<vmem>>
      %dma_wait3A_260 = tpu.memref_squeeze %dma_wait3A_259 : memref<1x128x32xf32, #tpu.memory_space<vmem>> -> memref<128x32xf32, #tpu.memory_space<vmem>>
      %dma_wait3A_261 = arith.constant 0 : i32
      %dma_wait3A_262 = tpu.memref_slice %arg6[%add3A_235, %dma_wait3A_261] : memref<160x128xi32, #tpu.memory_space<vmem>> -> memref<1x128xi32, #tpu.memory_space<vmem>>
      %dma_wait3A_263 = tpu.memref_squeeze %dma_wait3A_262 : memref<1x128xi32, #tpu.memory_space<vmem>> -> memref<128xi32, #tpu.memory_space<vmem>>
      %dma_wait3A_264 = arith.constant 0 : i32
      %dma_wait3A_265 = arith.constant 0 : i32
      %dma_wait3A_266 = tpu.memref_slice %arg2[%dma_wait3A_264, %dma_wait3A_265] : memref<20000x32xf32, #tpu.memory_space<hbm>> -> memref<20000x32xf32, #tpu.memory_space<hbm>>
      tpu.wait_indirect_dma semaphore(%arg13 : memref<!tpu.dma_semaphore, #tpu.memory_space<semaphore_mem>>) src(%dma_wait3A_266 : memref<20000x32xf32, #tpu.memory_space<hbm>>) dst(%dma_wait3A_260 : memref<128x32xf32, #tpu.memory_space<vmem>>)
      %ge3A_267 = arith.constant 4 : i32
      %ge3A_268 = arith.cmpi sge, %add3A_235, %ge3A_267 : i32
      %convert_element_type3A_269 = arith.extui %ge3A_268 : i1 to i32
      %cond3A_270 = arith.constant 0 : i32
      %cond3A_271 = arith.cmpi ne, %convert_element_type3A_269, %cond3A_270 : i32
      scf.if %cond3A_271 {
        %dma_wait3A_352 = arith.constant 2 : i32
        %dma_wait3A_353 = arith.constant 0 : i32
        %dma_wait3A_354 = tpu.memref_slice %arg10[%dma_wait3A_352, %dma_wait3A_353] : memref<4x4096xf32, #tpu.memory_space<vmem>> -> memref<1x4096xf32, #tpu.memory_space<vmem>>
        %dma_wait3A_355 = tpu.memref_squeeze %dma_wait3A_354 : memref<1x4096xf32, #tpu.memory_space<vmem>> -> memref<4096xf32, #tpu.memory_space<vmem>>
        %dma_wait3A_356 = tpu.memref_slice %arg5[%mul3A_4] : memref<20971520xf32, #tpu.memory_space<hbm>> -> memref<4096xf32, #tpu.memory_space<hbm>>
        %dma_wait3A_357 = tpu.memref_slice %arg5[%mul3A_4] : memref<20971520xf32, #tpu.memory_space<hbm>> -> memref<4096xf32, #tpu.memory_space<hbm>>
        %dma_wait3A_358 = arith.constant 0 : i32
        %dma_wait3A_359 = tpu.memref_slice %arg10[%dma_wait3A_352, %dma_wait3A_358] : memref<4x4096xf32, #tpu.memory_space<vmem>> -> memref<1x4096xf32, #tpu.memory_space<vmem>>
        %dma_wait3A_360 = tpu.memref_squeeze %dma_wait3A_359 : memref<1x4096xf32, #tpu.memory_space<vmem>> -> memref<4096xf32, #tpu.memory_space<vmem>>
        tpu.wait_dma2 semaphore(%arg17 : memref<!tpu.dma_semaphore, #tpu.memory_space<semaphore_mem>>) src(%dma_wait3A_360 : memref<4096xf32, #tpu.memory_space<vmem>>) dst(%dma_wait3A_357 : memref<4096xf32, #tpu.memory_space<hbm>>)
      } else {
      }
      %scan3A_272 = arith.constant 0 : i32
      %scan3A_273 = arith.constant 0 : i32
      %scan3A_274 = arith.constant 128 : i32
      %scan3A_275 = arith.addi %scan3A_273, %scan3A_274 : i32
      %scan3A_276 = arith.constant 1 : i32
      scf.for %scan3A_352 = %scan3A_273 to %scan3A_275 step %scan3A_276  : i32 {
        %get3A = arith.constant 2 : i32
        %get3A_353 = arith.index_cast %get3A : i32 to index
        %get3A_354 = arith.index_cast %scan3A_352 : i32 to index
        %get3A_355 = arith.constant 0 : index
        %get3A_356 = tpu.vector_load %arg8[%get3A_353, %get3A_354, %get3A_355] {strides = array<i32>} : memref<4x128x32xf32, #tpu.memory_space<vmem>>, vector<16xf32>,
        %get3A_357 = arith.constant 2 : i32
        %get3A_358 = arith.index_cast %get3A_357 : i32 to index
        %get3A_359 = arith.index_cast %scan3A_352 : i32 to index
        %get3A_360 = arith.constant 0 : index
        %get3A_361 = tpu.vector_load %arg9[%get3A_358, %get3A_359, %get3A_360] {strides = array<i32>} : memref<4x128x32xf32, #tpu.memory_space<vmem>>, vector<16xf32>,
        %add3A_362 = arith.addf %get3A_356, %get3A_361 : vector<16xf32>
        %mul3A_363 = arith.constant 32 : i32
        %mul3A_364 = arith.muli %scan3A_352, %mul3A_363 : i32
        %add3A_365 = arith.constant 0 : i32
        %add3A_366 = arith.addi %mul3A_364, %add3A_365 : i32
        %swap3A = arith.constant 2 : i32
        %swap3A_367 = arith.index_cast %swap3A : i32 to index
        %swap3A_368 = arith.index_cast %add3A_366 : i32 to index
        %swap3A_369 = tpu.vector_load %arg10[%swap3A_367, %swap3A_368] {strides = array<i32>} : memref<4x4096xf32, #tpu.memory_space<vmem>>, vector<16xf32>,
        tpu.vector_store %arg10[%swap3A_367, %swap3A_368], %add3A_362 {strides = array<i32>} : memref<4x4096xf32, #tpu.memory_space<vmem>>, vector<16xf32>,
        %get3A_370 = arith.constant 2 : i32
        %get3A_371 = arith.index_cast %get3A_370 : i32 to index
        %get3A_372 = arith.index_cast %scan3A_352 : i32 to index
        %get3A_373 = arith.constant 16 : index
        %get3A_374 = tpu.vector_load %arg8[%get3A_371, %get3A_372, %get3A_373] {strides = array<i32>} : memref<4x128x32xf32, #tpu.memory_space<vmem>>, vector<16xf32>,
        %get3A_375 = arith.constant 2 : i32
        %get3A_376 = arith.index_cast %get3A_375 : i32 to index
        %get3A_377 = arith.index_cast %scan3A_352 : i32 to index
        %get3A_378 = arith.constant 16 : index
        %get3A_379 = tpu.vector_load %arg9[%get3A_376, %get3A_377, %get3A_378] {strides = array<i32>} : memref<4x128x32xf32, #tpu.memory_space<vmem>>, vector<16xf32>,
        %add3A_380 = arith.addf %get3A_374, %get3A_379 : vector<16xf32>
        %mul3A_381 = arith.constant 32 : i32
        %mul3A_382 = arith.muli %scan3A_352, %mul3A_381 : i32
        %add3A_383 = arith.constant 16 : i32
        %add3A_384 = arith.addi %mul3A_382, %add3A_383 : i32
        %swap3A_385 = arith.constant 2 : i32
        %swap3A_386 = arith.index_cast %swap3A_385 : i32 to index
        %swap3A_387 = arith.index_cast %add3A_384 : i32 to index
        %swap3A_388 = tpu.vector_load %arg10[%swap3A_386, %swap3A_387] {strides = array<i32>} : memref<4x4096xf32, #tpu.memory_space<vmem>>, vector<16xf32>,
        tpu.vector_store %arg10[%swap3A_386, %swap3A_387], %add3A_380 {strides = array<i32>} : memref<4x4096xf32, #tpu.memory_space<vmem>>, vector<16xf32>,
      }
      %scan3A_277 = arith.constant 128 : i32
      %mul3A_278 = arith.constant 128 : i32
      %mul3A_279 = arith.muli %add3A_235, %mul3A_278 : i32
      %mul3A_280 = arith.constant 32 : i32
      %mul3A_281 = arith.muli %mul3A_279, %mul3A_280 : i32
      %add3A_282 = arith.addi %mul3A_4, %mul3A_281 : i32
      %dma_start3A_283 = arith.constant 2 : i32
      %dma_start3A_284 = arith.constant 0 : i32
      %dma_start3A_285 = tpu.memref_slice %arg10[%dma_start3A_283, %dma_start3A_284] : memref<4x4096xf32, #tpu.memory_space<vmem>> -> memref<1x4096xf32, #tpu.memory_space<vmem>>
      %dma_start3A_286 = tpu.memref_squeeze %dma_start3A_285 : memref<1x4096xf32, #tpu.memory_space<vmem>> -> memref<4096xf32, #tpu.memory_space<vmem>>
      %dma_start3A_287 = tpu.memref_slice %arg5[%add3A_282] : memref<20971520xf32, #tpu.memory_space<hbm>> -> memref<4096xf32, #tpu.memory_space<hbm>>
      %dma_start3A_288 = tpu.memref_slice %arg5[%add3A_282] : memref<20971520xf32, #tpu.memory_space<hbm>> -> memref<4096xf32, #tpu.memory_space<hbm>>
      %dma_start3A_289 = arith.constant 0 : i32
      %dma_start3A_290 = tpu.memref_slice %arg10[%dma_start3A_283, %dma_start3A_289] : memref<4x4096xf32, #tpu.memory_space<vmem>> -> memref<1x4096xf32, #tpu.memory_space<vmem>>
      %dma_start3A_291 = tpu.memref_squeeze %dma_start3A_290 : memref<1x4096xf32, #tpu.memory_space<vmem>> -> memref<4096xf32, #tpu.memory_space<vmem>>
      tpu.enqueue_dma source(%dma_start3A_291 : memref<4096xf32, #tpu.memory_space<vmem>>) target(%dma_start3A_288 : memref<4096xf32, #tpu.memory_space<hbm>>) target_semaphore(%arg17 : memref<!tpu.dma_semaphore, #tpu.memory_space<semaphore_mem>>)
      %mul3A_292 = arith.constant 4 : i32
      %mul3A_293 = arith.muli %scan3A_116, %mul3A_292 : i32
      %add3A_294 = arith.constant 3 : i32
      %add3A_295 = arith.addi %mul3A_293, %add3A_294 : i32
      %add3A_296 = arith.constant 4 : i32
      %add3A_297 = arith.addi %add3A_295, %add3A_296 : i32
      %sub3A_298 = arith.constant 1 : i32
      %sub3A_299 = arith.subi %add3A_297, %sub3A_298 : i32
      %lt3A_300 = arith.constant 160 : i32
      %lt3A_301 = arith.cmpi slt, %sub3A_299, %lt3A_300 : i32
      %convert_element_type3A_302 = arith.extui %lt3A_301 : i1 to i32
      %cond3A_303 = arith.constant 0 : i32
      %cond3A_304 = arith.cmpi ne, %convert_element_type3A_302, %cond3A_303 : i32
      scf.if %cond3A_304 {
        %add3A_352 = arith.constant 4 : i32
        %add3A_353 = arith.addi %add3A_295, %add3A_352 : i32
        %sub3A_354 = arith.constant 1 : i32
        %sub3A_355 = arith.subi %add3A_353, %sub3A_354 : i32
        %dma_start3A_356 = arith.constant 2 : i32
        %dma_start3A_357 = arith.constant 0 : i32
        %dma_start3A_358 = arith.constant 0 : i32
        %dma_start3A_359 = tpu.memref_slice %arg8[%dma_start3A_356, %dma_start3A_357, %dma_start3A_358] : memref<4x128x32xf32, #tpu.memory_space<vmem>> -> memref<1x128x32xf32, #tpu.memory_space<vmem>>
        %dma_start3A_360 = tpu.memref_squeeze %dma_start3A_359 : memref<1x128x32xf32, #tpu.memory_space<vmem>> -> memref<128x32xf32, #tpu.memory_space<vmem>>
        %dma_start3A_361 = arith.constant 0 : i32
        %dma_start3A_362 = tpu.memref_slice %arg7[%sub3A_355, %dma_start3A_361] : memref<160x128xi32, #tpu.memory_space<vmem>> -> memref<1x128xi32, #tpu.memory_space<vmem>>
        %dma_start3A_363 = tpu.memref_squeeze %dma_start3A_362 : memref<1x128xi32, #tpu.memory_space<vmem>> -> memref<128xi32, #tpu.memory_space<vmem>>
        %dma_start3A_364 = arith.constant 0 : i32
        %dma_start3A_365 = arith.constant 0 : i32
        %dma_start3A_366 = tpu.memref_slice %arg2[%dma_start3A_364, %dma_start3A_365] : memref<20000x32xf32, #tpu.memory_space<hbm>> -> memref<20000x32xf32, #tpu.memory_space<hbm>>
        tpu.enqueue_indirect_dma source(%dma_start3A_366 : memref<20000x32xf32, #tpu.memory_space<hbm>>) target(%dma_start3A_360 : memref<128x32xf32, #tpu.memory_space<vmem>>) offsets(%dma_start3A_363 : memref<128xi32, #tpu.memory_space<vmem>>) semaphore(%arg13 : memref<!tpu.dma_semaphore, #tpu.memory_space<semaphore_mem>>)
        %dma_start3A_367 = arith.constant 2 : i32
        %dma_start3A_368 = arith.constant 0 : i32
        %dma_start3A_369 = arith.constant 0 : i32
        %dma_start3A_370 = tpu.memref_slice %arg9[%dma_start3A_367, %dma_start3A_368, %dma_start3A_369] : memref<4x128x32xf32, #tpu.memory_space<vmem>> -> memref<1x128x32xf32, #tpu.memory_space<vmem>>
        %dma_start3A_371 = tpu.memref_squeeze %dma_start3A_370 : memref<1x128x32xf32, #tpu.memory_space<vmem>> -> memref<128x32xf32, #tpu.memory_space<vmem>>
        %dma_start3A_372 = arith.constant 0 : i32
        %dma_start3A_373 = tpu.memref_slice %arg6[%sub3A_355, %dma_start3A_372] : memref<160x128xi32, #tpu.memory_space<vmem>> -> memref<1x128xi32, #tpu.memory_space<vmem>>
        %dma_start3A_374 = tpu.memref_squeeze %dma_start3A_373 : memref<1x128xi32, #tpu.memory_space<vmem>> -> memref<128xi32, #tpu.memory_space<vmem>>
        %dma_start3A_375 = arith.constant 0 : i32
        %dma_start3A_376 = arith.constant 0 : i32
        %dma_start3A_377 = tpu.memref_slice %arg2[%dma_start3A_375, %dma_start3A_376] : memref<20000x32xf32, #tpu.memory_space<hbm>> -> memref<20000x32xf32, #tpu.memory_space<hbm>>
        tpu.enqueue_indirect_dma source(%dma_start3A_377 : memref<20000x32xf32, #tpu.memory_space<hbm>>) target(%dma_start3A_371 : memref<128x32xf32, #tpu.memory_space<vmem>>) offsets(%dma_start3A_374 : memref<128xi32, #tpu.memory_space<vmem>>) semaphore(%arg13 : memref<!tpu.dma_semaphore, #tpu.memory_space<semaphore_mem>>)
      } else {
      }
      %dma_wait3A_305 = arith.constant 3 : i32
      %dma_wait3A_306 = arith.constant 0 : i32
      %dma_wait3A_307 = arith.constant 0 : i32
      %dma_wait3A_308 = tpu.memref_slice %arg8[%dma_wait3A_305, %dma_wait3A_306, %dma_wait3A_307] : memref<4x128x32xf32, #tpu.memory_space<vmem>> -> memref<1x128x32xf32, #tpu.memory_space<vmem>>
      %dma_wait3A_309 = tpu.memref_squeeze %dma_wait3A_308 : memref<1x128x32xf32, #tpu.memory_space<vmem>> -> memref<128x32xf32, #tpu.memory_space<vmem>>
      %dma_wait3A_310 = arith.constant 0 : i32
      %dma_wait3A_311 = tpu.memref_slice %arg7[%add3A_295, %dma_wait3A_310] : memref<160x128xi32, #tpu.memory_space<vmem>> -> memref<1x128xi32, #tpu.memory_space<vmem>>
      %dma_wait3A_312 = tpu.memref_squeeze %dma_wait3A_311 : memref<1x128xi32, #tpu.memory_space<vmem>> -> memref<128xi32, #tpu.memory_space<vmem>>
      %dma_wait3A_313 = arith.constant 0 : i32
      %dma_wait3A_314 = arith.constant 0 : i32
      %dma_wait3A_315 = tpu.memref_slice %arg2[%dma_wait3A_313, %dma_wait3A_314] : memref<20000x32xf32, #tpu.memory_space<hbm>> -> memref<20000x32xf32, #tpu.memory_space<hbm>>
      tpu.wait_indirect_dma semaphore(%arg14 : memref<!tpu.dma_semaphore, #tpu.memory_space<semaphore_mem>>) src(%dma_wait3A_315 : memref<20000x32xf32, #tpu.memory_space<hbm>>) dst(%dma_wait3A_309 : memref<128x32xf32, #tpu.memory_space<vmem>>)
      %dma_wait3A_316 = arith.constant 3 : i32
      %dma_wait3A_317 = arith.constant 0 : i32
      %dma_wait3A_318 = arith.constant 0 : i32
      %dma_wait3A_319 = tpu.memref_slice %arg9[%dma_wait3A_316, %dma_wait3A_317, %dma_wait3A_318] : memref<4x128x32xf32, #tpu.memory_space<vmem>> -> memref<1x128x32xf32, #tpu.memory_space<vmem>>
      %dma_wait3A_320 = tpu.memref_squeeze %dma_wait3A_319 : memref<1x128x32xf32, #tpu.memory_space<vmem>> -> memref<128x32xf32, #tpu.memory_space<vmem>>
      %dma_wait3A_321 = arith.constant 0 : i32
      %dma_wait3A_322 = tpu.memref_slice %arg6[%add3A_295, %dma_wait3A_321] : memref<160x128xi32, #tpu.memory_space<vmem>> -> memref<1x128xi32, #tpu.memory_space<vmem>>
      %dma_wait3A_323 = tpu.memref_squeeze %dma_wait3A_322 : memref<1x128xi32, #tpu.memory_space<vmem>> -> memref<128xi32, #tpu.memory_space<vmem>>
      %dma_wait3A_324 = arith.constant 0 : i32
      %dma_wait3A_325 = arith.constant 0 : i32
      %dma_wait3A_326 = tpu.memref_slice %arg2[%dma_wait3A_324, %dma_wait3A_325] : memref<20000x32xf32, #tpu.memory_space<hbm>> -> memref<20000x32xf32, #tpu.memory_space<hbm>>
      tpu.wait_indirect_dma semaphore(%arg14 : memref<!tpu.dma_semaphore, #tpu.memory_space<semaphore_mem>>) src(%dma_wait3A_326 : memref<20000x32xf32, #tpu.memory_space<hbm>>) dst(%dma_wait3A_320 : memref<128x32xf32, #tpu.memory_space<vmem>>)
      %ge3A_327 = arith.constant 4 : i32
      %ge3A_328 = arith.cmpi sge, %add3A_295, %ge3A_327 : i32
      %convert_element_type3A_329 = arith.extui %ge3A_328 : i1 to i32
      %cond3A_330 = arith.constant 0 : i32
      %cond3A_331 = arith.cmpi ne, %convert_element_type3A_329, %cond3A_330 : i32
      scf.if %cond3A_331 {
        %dma_wait3A_352 = arith.constant 3 : i32
        %dma_wait3A_353 = arith.constant 0 : i32
        %dma_wait3A_354 = tpu.memref_slice %arg10[%dma_wait3A_352, %dma_wait3A_353] : memref<4x4096xf32, #tpu.memory_space<vmem>> -> memref<1x4096xf32, #tpu.memory_space<vmem>>
        %dma_wait3A_355 = tpu.memref_squeeze %dma_wait3A_354 : memref<1x4096xf32, #tpu.memory_space<vmem>> -> memref<4096xf32, #tpu.memory_space<vmem>>
        %dma_wait3A_356 = tpu.memref_slice %arg5[%mul3A_4] : memref<20971520xf32, #tpu.memory_space<hbm>> -> memref<4096xf32, #tpu.memory_space<hbm>>
        %dma_wait3A_357 = tpu.memref_slice %arg5[%mul3A_4] : memref<20971520xf32, #tpu.memory_space<hbm>> -> memref<4096xf32, #tpu.memory_space<hbm>>
        %dma_wait3A_358 = arith.constant 0 : i32
        %dma_wait3A_359 = tpu.memref_slice %arg10[%dma_wait3A_352, %dma_wait3A_358] : memref<4x4096xf32, #tpu.memory_space<vmem>> -> memref<1x4096xf32, #tpu.memory_space<vmem>>
        %dma_wait3A_360 = tpu.memref_squeeze %dma_wait3A_359 : memref<1x4096xf32, #tpu.memory_space<vmem>> -> memref<4096xf32, #tpu.memory_space<vmem>>
        tpu.wait_dma2 semaphore(%arg18 : memref<!tpu.dma_semaphore, #tpu.memory_space<semaphore_mem>>) src(%dma_wait3A_360 : memref<4096xf32, #tpu.memory_space<vmem>>) dst(%dma_wait3A_357 : memref<4096xf32, #tpu.memory_space<hbm>>)
      } else {
      }
      %scan3A_332 = arith.constant 0 : i32
      %scan3A_333 = arith.constant 0 : i32
      %scan3A_334 = arith.constant 128 : i32
      %scan3A_335 = arith.addi %scan3A_333, %scan3A_334 : i32
      %scan3A_336 = arith.constant 1 : i32
      scf.for %scan3A_352 = %scan3A_333 to %scan3A_335 step %scan3A_336  : i32 {
        %get3A = arith.constant 3 : i32
        %get3A_353 = arith.index_cast %get3A : i32 to index
        %get3A_354 = arith.index_cast %scan3A_352 : i32 to index
        %get3A_355 = arith.constant 0 : index
        %get3A_356 = tpu.vector_load %arg8[%get3A_353, %get3A_354, %get3A_355] {strides = array<i32>} : memref<4x128x32xf32, #tpu.memory_space<vmem>>, vector<16xf32>,
        %get3A_357 = arith.constant 3 : i32
        %get3A_358 = arith.index_cast %get3A_357 : i32 to index
        %get3A_359 = arith.index_cast %scan3A_352 : i32 to index
        %get3A_360 = arith.constant 0 : index
        %get3A_361 = tpu.vector_load %arg9[%get3A_358, %get3A_359, %get3A_360] {strides = array<i32>} : memref<4x128x32xf32, #tpu.memory_space<vmem>>, vector<16xf32>,
        %add3A_362 = arith.addf %get3A_356, %get3A_361 : vector<16xf32>
        %mul3A_363 = arith.constant 32 : i32
        %mul3A_364 = arith.muli %scan3A_352, %mul3A_363 : i32
        %add3A_365 = arith.constant 0 : i32
        %add3A_366 = arith.addi %mul3A_364, %add3A_365 : i32
        %swap3A = arith.constant 3 : i32
        %swap3A_367 = arith.index_cast %swap3A : i32 to index
        %swap3A_368 = arith.index_cast %add3A_366 : i32 to index
        %swap3A_369 = tpu.vector_load %arg10[%swap3A_367, %swap3A_368] {strides = array<i32>} : memref<4x4096xf32, #tpu.memory_space<vmem>>, vector<16xf32>,
        tpu.vector_store %arg10[%swap3A_367, %swap3A_368], %add3A_362 {strides = array<i32>} : memref<4x4096xf32, #tpu.memory_space<vmem>>, vector<16xf32>,
        %get3A_370 = arith.constant 3 : i32
        %get3A_371 = arith.index_cast %get3A_370 : i32 to index
        %get3A_372 = arith.index_cast %scan3A_352 : i32 to index
        %get3A_373 = arith.constant 16 : index
        %get3A_374 = tpu.vector_load %arg8[%get3A_371, %get3A_372, %get3A_373] {strides = array<i32>} : memref<4x128x32xf32, #tpu.memory_space<vmem>>, vector<16xf32>,
        %get3A_375 = arith.constant 3 : i32
        %get3A_376 = arith.index_cast %get3A_375 : i32 to index
        %get3A_377 = arith.index_cast %scan3A_352 : i32 to index
        %get3A_378 = arith.constant 16 : index
        %get3A_379 = tpu.vector_load %arg9[%get3A_376, %get3A_377, %get3A_378] {strides = array<i32>} : memref<4x128x32xf32, #tpu.memory_space<vmem>>, vector<16xf32>,
        %add3A_380 = arith.addf %get3A_374, %get3A_379 : vector<16xf32>
        %mul3A_381 = arith.constant 32 : i32
        %mul3A_382 = arith.muli %scan3A_352, %mul3A_381 : i32
        %add3A_383 = arith.constant 16 : i32
        %add3A_384 = arith.addi %mul3A_382, %add3A_383 : i32
        %swap3A_385 = arith.constant 3 : i32
        %swap3A_386 = arith.index_cast %swap3A_385 : i32 to index
        %swap3A_387 = arith.index_cast %add3A_384 : i32 to index
        %swap3A_388 = tpu.vector_load %arg10[%swap3A_386, %swap3A_387] {strides = array<i32>} : memref<4x4096xf32, #tpu.memory_space<vmem>>, vector<16xf32>,
        tpu.vector_store %arg10[%swap3A_386, %swap3A_387], %add3A_380 {strides = array<i32>} : memref<4x4096xf32, #tpu.memory_space<vmem>>, vector<16xf32>,
      }
      %scan3A_337 = arith.constant 128 : i32
      %mul3A_338 = arith.constant 128 : i32
      %mul3A_339 = arith.muli %add3A_295, %mul3A_338 : i32
      %mul3A_340 = arith.constant 32 : i32
      %mul3A_341 = arith.muli %mul3A_339, %mul3A_340 : i32
      %add3A_342 = arith.addi %mul3A_4, %mul3A_341 : i32
      %dma_start3A_343 = arith.constant 3 : i32
      %dma_start3A_344 = arith.constant 0 : i32
      %dma_start3A_345 = tpu.memref_slice %arg10[%dma_start3A_343, %dma_start3A_344] : memref<4x4096xf32, #tpu.memory_space<vmem>> -> memref<1x4096xf32, #tpu.memory_space<vmem>>
      %dma_start3A_346 = tpu.memref_squeeze %dma_start3A_345 : memref<1x4096xf32, #tpu.memory_space<vmem>> -> memref<4096xf32, #tpu.memory_space<vmem>>
      %dma_start3A_347 = tpu.memref_slice %arg5[%add3A_342] : memref<20971520xf32, #tpu.memory_space<hbm>> -> memref<4096xf32, #tpu.memory_space<hbm>>
      %dma_start3A_348 = tpu.memref_slice %arg5[%add3A_342] : memref<20971520xf32, #tpu.memory_space<hbm>> -> memref<4096xf32, #tpu.memory_space<hbm>>
      %dma_start3A_349 = arith.constant 0 : i32
      %dma_start3A_350 = tpu.memref_slice %arg10[%dma_start3A_343, %dma_start3A_349] : memref<4x4096xf32, #tpu.memory_space<vmem>> -> memref<1x4096xf32, #tpu.memory_space<vmem>>
      %dma_start3A_351 = tpu.memref_squeeze %dma_start3A_350 : memref<1x4096xf32, #tpu.memory_space<vmem>> -> memref<4096xf32, #tpu.memory_space<vmem>>
      tpu.enqueue_dma source(%dma_start3A_351 : memref<4096xf32, #tpu.memory_space<vmem>>) target(%dma_start3A_348 : memref<4096xf32, #tpu.memory_space<hbm>>) target_semaphore(%arg18 : memref<!tpu.dma_semaphore, #tpu.memory_space<semaphore_mem>>)
    }
    %scan3A_80 = arith.constant 40 : i32
    %dma_wait3A = arith.constant 0 : i32
    %dma_wait3A_81 = arith.constant 0 : i32
    %dma_wait3A_82 = tpu.memref_slice %arg10[%dma_wait3A, %dma_wait3A_81] : memref<4x4096xf32, #tpu.memory_space<vmem>> -> memref<1x4096xf32, #tpu.memory_space<vmem>>
    %dma_wait3A_83 = tpu.memref_squeeze %dma_wait3A_82 : memref<1x4096xf32, #tpu.memory_space<vmem>> -> memref<4096xf32, #tpu.memory_space<vmem>>
    %dma_wait3A_84 = tpu.memref_slice %arg5[%mul3A_4] : memref<20971520xf32, #tpu.memory_space<hbm>> -> memref<4096xf32, #tpu.memory_space<hbm>>
    %dma_wait3A_85 = tpu.memref_slice %arg5[%mul3A_4] : memref<20971520xf32, #tpu.memory_space<hbm>> -> memref<4096xf32, #tpu.memory_space<hbm>>
    %dma_wait3A_86 = arith.constant 0 : i32
    %dma_wait3A_87 = tpu.memref_slice %arg10[%dma_wait3A, %dma_wait3A_86] : memref<4x4096xf32, #tpu.memory_space<vmem>> -> memref<1x4096xf32, #tpu.memory_space<vmem>>
    %dma_wait3A_88 = tpu.memref_squeeze %dma_wait3A_87 : memref<1x4096xf32, #tpu.memory_space<vmem>> -> memref<4096xf32, #tpu.memory_space<vmem>>
    tpu.wait_dma2 semaphore(%arg15 : memref<!tpu.dma_semaphore, #tpu.memory_space<semaphore_mem>>) src(%dma_wait3A_88 : memref<4096xf32, #tpu.memory_space<vmem>>) dst(%dma_wait3A_85 : memref<4096xf32, #tpu.memory_space<hbm>>)
    %dma_wait3A_89 = arith.constant 1 : i32
    %dma_wait3A_90 = arith.constant 0 : i32
    %dma_wait3A_91 = tpu.memref_slice %arg10[%dma_wait3A_89, %dma_wait3A_90] : memref<4x4096xf32, #tpu.memory_space<vmem>> -> memref<1x4096xf32, #tpu.memory_space<vmem>>
    %dma_wait3A_92 = tpu.memref_squeeze %dma_wait3A_91 : memref<1x4096xf32, #tpu.memory_space<vmem>> -> memref<4096xf32, #tpu.memory_space<vmem>>
    %dma_wait3A_93 = tpu.memref_slice %arg5[%mul3A_4] : memref<20971520xf32, #tpu.memory_space<hbm>> -> memref<4096xf32, #tpu.memory_space<hbm>>
    %dma_wait3A_94 = tpu.memref_slice %arg5[%mul3A_4] : memref<20971520xf32, #tpu.memory_space<hbm>> -> memref<4096xf32, #tpu.memory_space<hbm>>
    %dma_wait3A_95 = arith.constant 0 : i32
    %dma_wait3A_96 = tpu.memref_slice %arg10[%dma_wait3A_89, %dma_wait3A_95] : memref<4x4096xf32, #tpu.memory_space<vmem>> -> memref<1x4096xf32, #tpu.memory_space<vmem>>
    %dma_wait3A_97 = tpu.memref_squeeze %dma_wait3A_96 : memref<1x4096xf32, #tpu.memory_space<vmem>> -> memref<4096xf32, #tpu.memory_space<vmem>>
    tpu.wait_dma2 semaphore(%arg16 : memref<!tpu.dma_semaphore, #tpu.memory_space<semaphore_mem>>) src(%dma_wait3A_97 : memref<4096xf32, #tpu.memory_space<vmem>>) dst(%dma_wait3A_94 : memref<4096xf32, #tpu.memory_space<hbm>>)
    %dma_wait3A_98 = arith.constant 2 : i32
    %dma_wait3A_99 = arith.constant 0 : i32
    %dma_wait3A_100 = tpu.memref_slice %arg10[%dma_wait3A_98, %dma_wait3A_99] : memref<4x4096xf32, #tpu.memory_space<vmem>> -> memref<1x4096xf32, #tpu.memory_space<vmem>>
    %dma_wait3A_101 = tpu.memref_squeeze %dma_wait3A_100 : memref<1x4096xf32, #tpu.memory_space<vmem>> -> memref<4096xf32, #tpu.memory_space<vmem>>
    %dma_wait3A_102 = tpu.memref_slice %arg5[%mul3A_4] : memref<20971520xf32, #tpu.memory_space<hbm>> -> memref<4096xf32, #tpu.memory_space<hbm>>
    %dma_wait3A_103 = tpu.memref_slice %arg5[%mul3A_4] : memref<20971520xf32, #tpu.memory_space<hbm>> -> memref<4096xf32, #tpu.memory_space<hbm>>
    %dma_wait3A_104 = arith.constant 0 : i32
    %dma_wait3A_105 = tpu.memref_slice %arg10[%dma_wait3A_98, %dma_wait3A_104] : memref<4x4096xf32, #tpu.memory_space<vmem>> -> memref<1x4096xf32, #tpu.memory_space<vmem>>
    %dma_wait3A_106 = tpu.memref_squeeze %dma_wait3A_105 : memref<1x4096xf32, #tpu.memory_space<vmem>> -> memref<4096xf32, #tpu.memory_space<vmem>>
    tpu.wait_dma2 semaphore(%arg17 : memref<!tpu.dma_semaphore, #tpu.memory_space<semaphore_mem>>) src(%dma_wait3A_106 : memref<4096xf32, #tpu.memory_space<vmem>>) dst(%dma_wait3A_103 : memref<4096xf32, #tpu.memory_space<hbm>>)
    %dma_wait3A_107 = arith.constant 3 : i32
    %dma_wait3A_108 = arith.constant 0 : i32
    %dma_wait3A_109 = tpu.memref_slice %arg10[%dma_wait3A_107, %dma_wait3A_108] : memref<4x4096xf32, #tpu.memory_space<vmem>> -> memref<1x4096xf32, #tpu.memory_space<vmem>>
    %dma_wait3A_110 = tpu.memref_squeeze %dma_wait3A_109 : memref<1x4096xf32, #tpu.memory_space<vmem>> -> memref<4096xf32, #tpu.memory_space<vmem>>
    %dma_wait3A_111 = tpu.memref_slice %arg5[%mul3A_4] : memref<20971520xf32, #tpu.memory_space<hbm>> -> memref<4096xf32, #tpu.memory_space<hbm>>
    %dma_wait3A_112 = tpu.memref_slice %arg5[%mul3A_4] : memref<20971520xf32, #tpu.memory_space<hbm>> -> memref<4096xf32, #tpu.memory_space<hbm>>
    %dma_wait3A_113 = arith.constant 0 : i32
    %dma_wait3A_114 = tpu.memref_slice %arg10[%dma_wait3A_107, %dma_wait3A_113] : memref<4x4096xf32, #tpu.memory_space<vmem>> -> memref<1x4096xf32, #tpu.memory_space<vmem>>
    %dma_wait3A_115 = tpu.memref_squeeze %dma_wait3A_114 : memref<1x4096xf32, #tpu.memory_space<vmem>> -> memref<4096xf32, #tpu.memory_space<vmem>>
    tpu.wait_dma2 semaphore(%arg18 : memref<!tpu.dma_semaphore, #tpu.memory_space<semaphore_mem>>) src(%dma_wait3A_115 : memref<4096xf32, #tpu.memory_space<vmem>>) dst(%dma_wait3A_112 : memref<4096xf32, #tpu.memory_space<hbm>>)
    return
  }
}

module attributes {stable_mosaic.version = 14 : i64} {
  func.func @_mlp_body(%arg0: i32, %arg1: memref<1024x128xf32, #tpu.memory_space<vmem>>, %arg2: memref<1024x20xf32, #tpu.memory_space<vmem>>, %arg3: memref<20x128xf32, #tpu.memory_space<vmem>>, %arg4: memref<1x128xf32, #tpu.memory_space<vmem>>, %arg5: memref<128x128xf32, #tpu.memory_space<vmem>>, %arg6: memref<128x128xf32, #tpu.memory_space<vmem>>, %arg7: memref<1x128xf32, #tpu.memory_space<vmem>>, %arg8: memref<2x1024x128xf32, #tpu.memory_space<vmem>>) attributes {dimension_semantics = [#tpu.dimension_semantics<arbitrary>], iteration_bounds = array<i64: 160>, scalar_prefetch = 0 : i64, scratch_operands = 0 : i64, tpu.core_type = #tpu.core_type<tc>, window_params = [{transform_indices = @transform_0, window_bounds = array<i64: 1024, 128>}, {transform_indices = @transform_1, window_bounds = array<i64: 1024, 20>}, {pipeline_mode = #tpu.pipeline_mode<synchronous>, transform_indices = @transform_2, window_bounds = array<i64: 20, 128>}, {pipeline_mode = #tpu.pipeline_mode<synchronous>, transform_indices = @transform_3, window_bounds = array<i64: 1, 128>}, {pipeline_mode = #tpu.pipeline_mode<synchronous>, transform_indices = @transform_4, window_bounds = array<i64: 128, 128>}, {pipeline_mode = #tpu.pipeline_mode<synchronous>, transform_indices = @transform_5, window_bounds = array<i64: 128, 128>}, {pipeline_mode = #tpu.pipeline_mode<synchronous>, transform_indices = @transform_6, window_bounds = array<i64: 1, 128>}, {transform_indices = @transform_7, window_bounds = array<i64: 2, 1024, 128>}]} {
    %get3A = arith.constant 0 : index
    %get3A_0 = arith.constant 0 : index
    %get3A_1 = vector.load %arg1[%get3A, %get3A_0] : memref<1024x128xf32, #tpu.memory_space<vmem>>, vector<1024x128xf32>
    %get3A_2 = arith.constant 0 : index
    %get3A_3 = arith.constant 0 : index
    %get3A_4 = vector.load %arg2[%get3A_2, %get3A_3] : memref<1024x20xf32, #tpu.memory_space<vmem>>, vector<1024x20xf32>
    %get3A_5 = arith.constant 0 : index
    %get3A_6 = arith.constant 0 : index
    %get3A_7 = vector.load %arg3[%get3A_5, %get3A_6] : memref<20x128xf32, #tpu.memory_space<vmem>>, vector<20x128xf32>
    %dot_general3A = arith.constant dense<0.000000e+00> : vector<1024x128xf32>
    %dot_general3A_8 = tpu.matmul %get3A_4, %get3A_7, %dot_general3A {dimension_numbers = #tpu.dot_dimension_numbers<[1], [0], [0], [1], [0, 0, 1, 1], [], []>, transpose_lhs_hint = false} : vector<1024x20xf32>, vector<20x128xf32>, vector<1024x128xf32> -> vector<1024x128xf32>
    %add3A = arith.addf %get3A_1, %dot_general3A_8 : vector<1024x128xf32>
    %get3A_9 = arith.constant 0 : index
    %get3A_10 = arith.constant 0 : index
    %get3A_11 = vector.load %arg4[%get3A_9, %get3A_10] : memref<1x128xf32, #tpu.memory_space<vmem>>, vector<1x128xf32>
    %add3A_12 = vector.broadcast %get3A_11 : vector<1x128xf32> to vector<1024x128xf32>
    %add3A_13 = arith.addf %add3A, %add3A_12 : vector<1024x128xf32>
    %logistic3A = arith.negf %add3A_13 : vector<1024x128xf32>
    %logistic3A_14 = math.exp %logistic3A : vector<1024x128xf32>
    %logistic3A_15 = arith.constant 1.000000e+00 : f32
    %logistic3A_16 = vector.broadcast %logistic3A_15 : f32 to vector<1024x128xf32>
    %logistic3A_17 = arith.addf %logistic3A_16, %logistic3A_14 : vector<1024x128xf32>
    %logistic3A_18 = arith.divf %logistic3A_16, %logistic3A_17 : vector<1024x128xf32>
    %mul3A = arith.mulf %add3A_13, %logistic3A_18 : vector<1024x128xf32>
    %get3A_19 = arith.constant 0 : index
    %get3A_20 = arith.constant 0 : index
    %get3A_21 = vector.load %arg5[%get3A_19, %get3A_20] : memref<128x128xf32, #tpu.memory_space<vmem>>, vector<128x128xf32>
    %dot_general3A_22 = arith.constant dense<0.000000e+00> : vector<1024x128xf32>
    %dot_general3A_23 = tpu.matmul %mul3A, %get3A_21, %dot_general3A_22 {dimension_numbers = #tpu.dot_dimension_numbers<[1], [0], [0], [1], [0, 0, 1, 1], [], []>, transpose_lhs_hint = false} : vector<1024x128xf32>, vector<128x128xf32>, vector<1024x128xf32> -> vector<1024x128xf32>
    %get3A_24 = arith.constant 0 : index
    %get3A_25 = arith.constant 0 : index
    %get3A_26 = vector.load %arg7[%get3A_24, %get3A_25] : memref<1x128xf32, #tpu.memory_space<vmem>>, vector<1x128xf32>
    %add3A_27 = vector.broadcast %get3A_26 : vector<1x128xf32> to vector<1024x128xf32>
    %add3A_28 = arith.addf %dot_general3A_23, %add3A_27 : vector<1024x128xf32>
    %get3A_29 = arith.constant 0 : index
    %get3A_30 = arith.constant 0 : index
    %get3A_31 = vector.load %arg6[%get3A_29, %get3A_30] : memref<128x128xf32, #tpu.memory_space<vmem>>, vector<128x128xf32>
    %dot_general3A_32 = arith.constant dense<0.000000e+00> : vector<1024x128xf32>
    %dot_general3A_33 = tpu.matmul %mul3A, %get3A_31, %dot_general3A_32 {dimension_numbers = #tpu.dot_dimension_numbers<[1], [0], [0], [1], [0, 0, 1, 1], [], []>, transpose_lhs_hint = false} : vector<1024x128xf32>, vector<128x128xf32>, vector<1024x128xf32> -> vector<1024x128xf32>
    %get3A_34 = arith.constant 0 : index
    %get3A_35 = arith.constant 0 : index
    %get3A_36 = vector.load %arg7[%get3A_34, %get3A_35] : memref<1x128xf32, #tpu.memory_space<vmem>>, vector<1x128xf32>
    %add3A_37 = vector.broadcast %get3A_36 : vector<1x128xf32> to vector<1024x128xf32>
    %add3A_38 = arith.addf %dot_general3A_33, %add3A_37 : vector<1024x128xf32>
    %logistic3A_39 = arith.negf %add3A_28 : vector<1024x128xf32>
    %logistic3A_40 = math.exp %logistic3A_39 : vector<1024x128xf32>
    %logistic3A_41 = arith.constant 1.000000e+00 : f32
    %logistic3A_42 = vector.broadcast %logistic3A_41 : f32 to vector<1024x128xf32>
    %logistic3A_43 = arith.addf %logistic3A_42, %logistic3A_40 : vector<1024x128xf32>
    %logistic3A_44 = arith.divf %logistic3A_42, %logistic3A_43 : vector<1024x128xf32>
    %mul3A_45 = arith.mulf %add3A_28, %logistic3A_44 : vector<1024x128xf32>
    %swap3A = arith.constant 0 : index
    %swap3A_46 = arith.constant 0 : index
    %swap3A_47 = arith.constant 0 : index
    %swap3A_48 = vector.load %arg8[%swap3A, %swap3A_46, %swap3A_47] : memref<2x1024x128xf32, #tpu.memory_space<vmem>>, vector<1x1024x128xf32>
    %swap3A_49 = vector.shape_cast %swap3A_48 : vector<1x1024x128xf32> to vector<1024x128xf32>
    %swap3A_50 = vector.shape_cast %mul3A_45 : vector<1024x128xf32> to vector<1x1024x128xf32>
    tpu.vector_store %arg8[%swap3A, %swap3A_46, %swap3A_47], %swap3A_50 {strides = array<i32>} : memref<2x1024x128xf32, #tpu.memory_space<vmem>>, vector<1x1024x128xf32>,
    %logistic3A_51 = arith.negf %add3A_38 : vector<1024x128xf32>
    %logistic3A_52 = math.exp %logistic3A_51 : vector<1024x128xf32>
    %logistic3A_53 = arith.constant 1.000000e+00 : f32
    %logistic3A_54 = vector.broadcast %logistic3A_53 : f32 to vector<1024x128xf32>
    %logistic3A_55 = arith.addf %logistic3A_54, %logistic3A_52 : vector<1024x128xf32>
    %logistic3A_56 = arith.divf %logistic3A_54, %logistic3A_55 : vector<1024x128xf32>
    %mul3A_57 = arith.mulf %add3A_38, %logistic3A_56 : vector<1024x128xf32>
    %swap3A_58 = arith.constant 1 : index
    %swap3A_59 = arith.constant 0 : index
    %swap3A_60 = arith.constant 0 : index
    %swap3A_61 = vector.load %arg8[%swap3A_58, %swap3A_59, %swap3A_60] : memref<2x1024x128xf32, #tpu.memory_space<vmem>>, vector<1x1024x128xf32>
    %swap3A_62 = vector.shape_cast %swap3A_61 : vector<1x1024x128xf32> to vector<1024x128xf32>
    %swap3A_63 = vector.shape_cast %mul3A_57 : vector<1024x128xf32> to vector<1x1024x128xf32>
    tpu.vector_store %arg8[%swap3A_58, %swap3A_59, %swap3A_60], %swap3A_63 {strides = array<i32>} : memref<2x1024x128xf32, #tpu.memory_space<vmem>>, vector<1x1024x128xf32>,
    return
  }
  func.func @transform_0(%arg0: i32) -> (i32, i32) {
    %c0_i32 = arith.constant 0 : i32
    %c0_i32_0 = arith.constant 0 : i32
    return %arg0, %c0_i32 : i32, i32
  }
  func.func @transform_1(%arg0: i32) -> (i32, i32) {
    %c0_i32 = arith.constant 0 : i32
    %c0_i32_0 = arith.constant 0 : i32
    return %arg0, %c0_i32 : i32, i32
  }
  func.func @transform_2(%arg0: i32) -> (i32, i32) {
    %c0_i32 = arith.constant 0 : i32
    %c0_i32_0 = arith.constant 0 : i32
    %c0_i32_1 = arith.constant 0 : i32
    return %c0_i32, %c0_i32_0 : i32, i32
  }
  func.func @transform_3(%arg0: i32) -> (i32, i32) {
    %c0_i32 = arith.constant 0 : i32
    %c0_i32_0 = arith.constant 0 : i32
    %c0_i32_1 = arith.constant 0 : i32
    return %c0_i32, %c0_i32_0 : i32, i32
  }
  func.func @transform_4(%arg0: i32) -> (i32, i32) {
    %c0_i32 = arith.constant 0 : i32
    %c0_i32_0 = arith.constant 0 : i32
    %c0_i32_1 = arith.constant 0 : i32
    return %c0_i32, %c0_i32_0 : i32, i32
  }
  func.func @transform_5(%arg0: i32) -> (i32, i32) {
    %c0_i32 = arith.constant 0 : i32
    %c0_i32_0 = arith.constant 0 : i32
    %c0_i32_1 = arith.constant 0 : i32
    return %c0_i32, %c0_i32_0 : i32, i32
  }
  func.func @transform_6(%arg0: i32) -> (i32, i32) {
    %c0_i32 = arith.constant 0 : i32
    %c0_i32_0 = arith.constant 0 : i32
    %c0_i32_1 = arith.constant 0 : i32
    return %c0_i32, %c0_i32_0 : i32, i32
  }
  func.func @transform_7(%arg0: i32) -> (i32, i32, i32) {
    %c0_i32 = arith.constant 0 : i32
    %c0_i32_0 = arith.constant 0 : i32
    %c0_i32_1 = arith.constant 0 : i32
    return %c0_i32, %arg0, %c0_i32_0 : i32, i32, i32
  }
}

module attributes {stable_mosaic.version = 14 : i64} {
  func.func @_node_body(%arg0: i32, %arg1: memref<1000x128xf32, #tpu.memory_space<vmem>>, %arg2: memref<1000x128xf32, #tpu.memory_space<vmem>>, %arg3: memref<1000x128xf32, #tpu.memory_space<vmem>>, %arg4: memref<1000x128xf32, #tpu.memory_space<vmem>>, %arg5: memref<128x128xf32, #tpu.memory_space<vmem>>, %arg6: memref<1x64xf32, #tpu.memory_space<vmem>>, %arg7: memref<64x128xf32, #tpu.memory_space<vmem>>, %arg8: memref<1x128xf32, #tpu.memory_space<vmem>>, %arg9: memref<1x128xf32, #tpu.memory_space<vmem>>, %arg10: memref<1x128xf32, #tpu.memory_space<vmem>>, %arg11: memref<1x128xf32, #tpu.memory_space<vmem>>, %arg12: memref<1x128xf32, #tpu.memory_space<vmem>>, %arg13: memref<128x128xf32, #tpu.memory_space<vmem>>, %arg14: memref<1000x128xf32, #tpu.memory_space<vmem>>, %arg15: memref<1000x128xf32, #tpu.memory_space<vmem>>, %arg16: memref<1x1x128xf32, #tpu.memory_space<vmem>>) attributes {dimension_semantics = [#tpu.dimension_semantics<arbitrary>], iteration_bounds = array<i64: 5>, scalar_prefetch = 0 : i64, scratch_operands = 0 : i64, tpu.core_type = #tpu.core_type<tc>, window_params = [{transform_indices = @transform_0, window_bounds = array<i64: 1000, 128>}, {transform_indices = @transform_1, window_bounds = array<i64: 1000, 128>}, {transform_indices = @transform_2, window_bounds = array<i64: 1000, 128>}, {transform_indices = @transform_3, window_bounds = array<i64: 1000, 128>}, {pipeline_mode = #tpu.pipeline_mode<synchronous>, transform_indices = @transform_4, window_bounds = array<i64: 128, 128>}, {pipeline_mode = #tpu.pipeline_mode<synchronous>, transform_indices = @transform_5, window_bounds = array<i64: 1, 64>}, {pipeline_mode = #tpu.pipeline_mode<synchronous>, transform_indices = @transform_6, window_bounds = array<i64: 64, 128>}, {pipeline_mode = #tpu.pipeline_mode<synchronous>, transform_indices = @transform_7, window_bounds = array<i64: 1, 128>}, {pipeline_mode = #tpu.pipeline_mode<synchronous>, transform_indices = @transform_8, window_bounds = array<i64: 1, 128>}, {pipeline_mode = #tpu.pipeline_mode<synchronous>, transform_indices = @transform_9, window_bounds = array<i64: 1, 128>}, {pipeline_mode = #tpu.pipeline_mode<synchronous>, transform_indices = @transform_10, window_bounds = array<i64: 1, 128>}, {pipeline_mode = #tpu.pipeline_mode<synchronous>, transform_indices = @transform_11, window_bounds = array<i64: 1, 128>}, {pipeline_mode = #tpu.pipeline_mode<synchronous>, transform_indices = @transform_12, window_bounds = array<i64: 128, 128>}, {transform_indices = @transform_13, window_bounds = array<i64: 1000, 128>}, {transform_indices = @transform_14, window_bounds = array<i64: 1000, 128>}, {transform_indices = @transform_15, window_bounds = array<i64: 1, 1, 128>}]} {
    %get3A = arith.constant 0 : index
    %get3A_0 = arith.constant 0 : index
    %get3A_1 = vector.load %arg1[%get3A, %get3A_0] : memref<1000x128xf32, #tpu.memory_space<vmem>>, vector<1000x128xf32>
    %get3A_2 = arith.constant 0 : index
    %get3A_3 = arith.constant 0 : index
    %get3A_4 = vector.load %arg2[%get3A_2, %get3A_3] : memref<1000x128xf32, #tpu.memory_space<vmem>>, vector<1000x128xf32>
    %get3A_5 = arith.constant 0 : index
    %get3A_6 = arith.constant 0 : index
    %get3A_7 = vector.load %arg3[%get3A_5, %get3A_6] : memref<1000x128xf32, #tpu.memory_space<vmem>>, vector<1000x128xf32>
    %add3A = arith.addf %get3A_4, %get3A_7 : vector<1000x128xf32>
    %get3A_8 = arith.constant 0 : index
    %get3A_9 = arith.constant 0 : index
    %get3A_10 = vector.load %arg5[%get3A_8, %get3A_9] : memref<128x128xf32, #tpu.memory_space<vmem>>, vector<128x128xf32>
    %slice3A = vector.extract_strided_slice %get3A_10 {offsets = [0, 0], sizes = [128, 64], strides = [1, 1]} : vector<128x128xf32> to vector<128x64xf32>
    %dot_general3A = arith.constant dense<0.000000e+00> : vector<1000x64xf32>
    %dot_general3A_11 = tpu.matmul %get3A_1, %slice3A, %dot_general3A {dimension_numbers = #tpu.dot_dimension_numbers<[1], [0], [0], [1], [0, 0, 1, 1], [], []>, transpose_lhs_hint = false} : vector<1000x128xf32>, vector<128x64xf32>, vector<1000x64xf32> -> vector<1000x64xf32>
    %get3A_12 = arith.constant 0 : index
    %get3A_13 = arith.constant 0 : index
    %get3A_14 = vector.load %arg5[%get3A_12, %get3A_13] : memref<128x128xf32, #tpu.memory_space<vmem>>, vector<128x128xf32>
    %slice3A_15 = vector.extract_strided_slice %get3A_14 {offsets = [0, 64], sizes = [128, 64], strides = [1, 1]} : vector<128x128xf32> to vector<128x64xf32>
    %dot_general3A_16 = arith.constant dense<0.000000e+00> : vector<1000x64xf32>
    %dot_general3A_17 = tpu.matmul %add3A, %slice3A_15, %dot_general3A_16 {dimension_numbers = #tpu.dot_dimension_numbers<[1], [0], [0], [1], [0, 0, 1, 1], [], []>, transpose_lhs_hint = false} : vector<1000x128xf32>, vector<128x64xf32>, vector<1000x64xf32> -> vector<1000x64xf32>
    %add3A_18 = arith.addf %dot_general3A_11, %dot_general3A_17 : vector<1000x64xf32>
    %get3A_19 = arith.constant 0 : index
    %get3A_20 = arith.constant 0 : index
    %get3A_21 = vector.load %arg6[%get3A_19, %get3A_20] : memref<1x64xf32, #tpu.memory_space<vmem>>, vector<1x64xf32>
    %add3A_22 = vector.broadcast %get3A_21 : vector<1x64xf32> to vector<1000x64xf32>
    %add3A_23 = arith.addf %add3A_18, %add3A_22 : vector<1000x64xf32>
    %logistic3A = arith.negf %add3A_23 : vector<1000x64xf32>
    %logistic3A_24 = math.exp %logistic3A : vector<1000x64xf32>
    %logistic3A_25 = arith.constant 1.000000e+00 : f32
    %logistic3A_26 = vector.broadcast %logistic3A_25 : f32 to vector<1000x64xf32>
    %logistic3A_27 = arith.addf %logistic3A_26, %logistic3A_24 : vector<1000x64xf32>
    %logistic3A_28 = arith.divf %logistic3A_26, %logistic3A_27 : vector<1000x64xf32>
    %mul3A = arith.mulf %add3A_23, %logistic3A_28 : vector<1000x64xf32>
    %get3A_29 = arith.constant 0 : index
    %get3A_30 = arith.constant 0 : index
    %get3A_31 = vector.load %arg7[%get3A_29, %get3A_30] : memref<64x128xf32, #tpu.memory_space<vmem>>, vector<64x128xf32>
    %dot_general3A_32 = arith.constant dense<0.000000e+00> : vector<1000x128xf32>
    %dot_general3A_33 = tpu.matmul %mul3A, %get3A_31, %dot_general3A_32 {dimension_numbers = #tpu.dot_dimension_numbers<[1], [0], [0], [1], [0, 0, 1, 1], [], []>, transpose_lhs_hint = false} : vector<1000x64xf32>, vector<64x128xf32>, vector<1000x128xf32> -> vector<1000x128xf32>
    %get3A_34 = arith.constant 0 : index
    %get3A_35 = arith.constant 0 : index
    %get3A_36 = vector.load %arg8[%get3A_34, %get3A_35] : memref<1x128xf32, #tpu.memory_space<vmem>>, vector<1x128xf32>
    %add3A_37 = vector.broadcast %get3A_36 : vector<1x128xf32> to vector<1000x128xf32>
    %add3A_38 = arith.addf %dot_general3A_33, %add3A_37 : vector<1000x128xf32>
    %mul3A_39 = arith.constant 0.999994993 : f32
    %mul3A_40 = vector.broadcast %mul3A_39 : f32 to vector<1000x128xf32>
    %mul3A_41 = arith.mulf %add3A_38, %mul3A_40 : vector<1000x128xf32>
    %get3A_42 = arith.constant 0 : index
    %get3A_43 = arith.constant 0 : index
    %get3A_44 = vector.load %arg9[%get3A_42, %get3A_43] : memref<1x128xf32, #tpu.memory_space<vmem>>, vector<1x128xf32>
    %mul3A_45 = vector.broadcast %get3A_44 : vector<1x128xf32> to vector<1000x128xf32>
    %mul3A_46 = arith.mulf %mul3A_41, %mul3A_45 : vector<1000x128xf32>
    %get3A_47 = arith.constant 0 : index
    %get3A_48 = arith.constant 0 : index
    %get3A_49 = vector.load %arg10[%get3A_47, %get3A_48] : memref<1x128xf32, #tpu.memory_space<vmem>>, vector<1x128xf32>
    %add3A_50 = vector.broadcast %get3A_49 : vector<1x128xf32> to vector<1000x128xf32>
    %add3A_51 = arith.addf %mul3A_46, %add3A_50 : vector<1000x128xf32>
    %get3A_52 = arith.constant 0 : index
    %get3A_53 = arith.constant 0 : index
    %get3A_54 = vector.load %arg4[%get3A_52, %get3A_53] : memref<1000x128xf32, #tpu.memory_space<vmem>>, vector<1000x128xf32>
    %add3A_55 = arith.addf %add3A_51, %get3A_54 : vector<1000x128xf32>
    %mul3A_56 = arith.constant 0.999994993 : f32
    %mul3A_57 = vector.broadcast %mul3A_56 : f32 to vector<1000x128xf32>
    %mul3A_58 = arith.mulf %add3A_55, %mul3A_57 : vector<1000x128xf32>
    %get3A_59 = arith.constant 0 : index
    %get3A_60 = arith.constant 0 : index
    %get3A_61 = vector.load %arg11[%get3A_59, %get3A_60] : memref<1x128xf32, #tpu.memory_space<vmem>>, vector<1x128xf32>
    %mul3A_62 = vector.broadcast %get3A_61 : vector<1x128xf32> to vector<1000x128xf32>
    %mul3A_63 = arith.mulf %mul3A_58, %mul3A_62 : vector<1000x128xf32>
    %get3A_64 = arith.constant 0 : index
    %get3A_65 = arith.constant 0 : index
    %get3A_66 = vector.load %arg12[%get3A_64, %get3A_65] : memref<1x128xf32, #tpu.memory_space<vmem>>, vector<1x128xf32>
    %add3A_67 = vector.broadcast %get3A_66 : vector<1x128xf32> to vector<1000x128xf32>
    %add3A_68 = arith.addf %mul3A_63, %add3A_67 : vector<1000x128xf32>
    %swap3A = arith.constant 0 : index
    %swap3A_69 = arith.constant 0 : index
    %swap3A_70 = vector.load %arg14[%swap3A, %swap3A_69] : memref<1000x128xf32, #tpu.memory_space<vmem>>, vector<1000x128xf32>
    tpu.vector_store %arg14[%swap3A, %swap3A_69], %add3A_68 {strides = array<i32>} : memref<1000x128xf32, #tpu.memory_space<vmem>>, vector<1000x128xf32>,
    %get3A_71 = arith.constant 0 : index
    %get3A_72 = arith.constant 0 : index
    %get3A_73 = vector.load %arg13[%get3A_71, %get3A_72] : memref<128x128xf32, #tpu.memory_space<vmem>>, vector<128x128xf32>
    %dot_general3A_74 = arith.constant dense<0.000000e+00> : vector<1000x128xf32>
    %dot_general3A_75 = tpu.matmul %add3A_68, %get3A_73, %dot_general3A_74 {dimension_numbers = #tpu.dot_dimension_numbers<[1], [0], [0], [1], [0, 0, 1, 1], [], []>, transpose_lhs_hint = false} : vector<1000x128xf32>, vector<128x128xf32>, vector<1000x128xf32> -> vector<1000x128xf32>
    %swap3A_76 = arith.constant 0 : index
    %swap3A_77 = arith.constant 0 : index
    %swap3A_78 = vector.load %arg15[%swap3A_76, %swap3A_77] : memref<1000x128xf32, #tpu.memory_space<vmem>>, vector<1000x128xf32>
    tpu.vector_store %arg15[%swap3A_76, %swap3A_77], %dot_general3A_75 {strides = array<i32>} : memref<1000x128xf32, #tpu.memory_space<vmem>>, vector<1000x128xf32>,
    %sub3A = arith.subf %add3A_68, %get3A_1 : vector<1000x128xf32>
    %mul3A_79 = arith.mulf %sub3A, %sub3A : vector<1000x128xf32>
    %reduce_sum3A = vector.shape_cast %mul3A_79 : vector<1000x128xf32> to vector<1x1000x128xf32>
    %reduce_sum3A_80 = arith.constant dense<0.000000e+00> : vector<1xf32>
    %reduce_sum3A_81 = vector.multi_reduction <add>, %reduce_sum3A, %reduce_sum3A_80 [1, 2] : vector<1x1000x128xf32> to vector<1xf32>
    %reduce_sum3A_82 = vector.shape_cast %reduce_sum3A_81 : vector<1xf32> to vector<1x1x1xf32>
    %reduce_sum3A_83 = vector.extract %reduce_sum3A_82[0, 0, 0] : f32 from vector<1x1x1xf32>
    %mul3A_84 = arith.mulf %add3A_68, %add3A_68 : vector<1000x128xf32>
    %reduce_sum3A_85 = vector.shape_cast %mul3A_84 : vector<1000x128xf32> to vector<1x1000x128xf32>
    %reduce_sum3A_86 = arith.constant dense<0.000000e+00> : vector<1xf32>
    %reduce_sum3A_87 = vector.multi_reduction <add>, %reduce_sum3A_85, %reduce_sum3A_86 [1, 2] : vector<1x1000x128xf32> to vector<1xf32>
    %reduce_sum3A_88 = vector.shape_cast %reduce_sum3A_87 : vector<1xf32> to vector<1x1x1xf32>
    %reduce_sum3A_89 = vector.extract %reduce_sum3A_88[0, 0, 0] : f32 from vector<1x1x1xf32>
    %iota3A = tpu.iota {dimensions = array<i32: 2>} : vector<1x1x128xi32>
    %eq3A = arith.constant 0 : i32
    %eq3A_90 = vector.broadcast %eq3A : i32 to vector<1x1x128xi32>
    %eq3A_91 = arith.cmpi eq, %iota3A, %eq3A_90 : vector<1x1x128xi32>
    %eq3A_92 = arith.constant 1 : i32
    %eq3A_93 = vector.broadcast %eq3A_92 : i32 to vector<1x1x128xi32>
    %eq3A_94 = arith.cmpi eq, %iota3A, %eq3A_93 : vector<1x1x128xi32>
    %jit3A = arith.constant 0.000000e+00 : f32
    %broadcast_in_dim3A = vector.broadcast %reduce_sum3A_89 : f32 to vector<1x1x128xf32>
    %broadcast_in_dim3A_95 = vector.broadcast %jit3A : f32 to vector<1x1x128xf32>
    %select_n3A = arith.select %eq3A_94, %broadcast_in_dim3A, %broadcast_in_dim3A_95 : vector<1x1x128xi1>, vector<1x1x128xf32>
    %broadcast_in_dim3A_96 = vector.broadcast %reduce_sum3A_83 : f32 to vector<1x1x128xf32>
    %select_n3A_97 = arith.select %eq3A_91, %broadcast_in_dim3A_96, %select_n3A : vector<1x1x128xi1>, vector<1x1x128xf32>
    %swap3A_98 = arith.constant 0 : index
    %swap3A_99 = arith.constant 0 : index
    %swap3A_100 = arith.constant 0 : index
    %swap3A_101 = vector.load %arg16[%swap3A_98, %swap3A_99, %swap3A_100] : memref<1x1x128xf32, #tpu.memory_space<vmem>>, vector<1x1x128xf32>
    tpu.vector_store %arg16[%swap3A_98, %swap3A_99, %swap3A_100], %select_n3A_97 {strides = array<i32>} : memref<1x1x128xf32, #tpu.memory_space<vmem>>, vector<1x1x128xf32>,
    return
  }
  func.func @transform_0(%arg0: i32) -> (i32, i32) {
    %c0_i32 = arith.constant 0 : i32
    %c0_i32_0 = arith.constant 0 : i32
    return %arg0, %c0_i32 : i32, i32
  }
  func.func @transform_1(%arg0: i32) -> (i32, i32) {
    %c0_i32 = arith.constant 0 : i32
    %c0_i32_0 = arith.constant 0 : i32
    return %arg0, %c0_i32 : i32, i32
  }
  func.func @transform_2(%arg0: i32) -> (i32, i32) {
    %c0_i32 = arith.constant 0 : i32
    %c0_i32_0 = arith.constant 0 : i32
    return %arg0, %c0_i32 : i32, i32
  }
  func.func @transform_3(%arg0: i32) -> (i32, i32) {
    %c0_i32 = arith.constant 0 : i32
    %c0_i32_0 = arith.constant 0 : i32
    return %arg0, %c0_i32 : i32, i32
  }
  func.func @transform_4(%arg0: i32) -> (i32, i32) {
    %c0_i32 = arith.constant 0 : i32
    %c0_i32_0 = arith.constant 0 : i32
    %c0_i32_1 = arith.constant 0 : i32
    return %c0_i32, %c0_i32_0 : i32, i32
  }
  func.func @transform_5(%arg0: i32) -> (i32, i32) {
    %c0_i32 = arith.constant 0 : i32
    %c0_i32_0 = arith.constant 0 : i32
    %c0_i32_1 = arith.constant 0 : i32
    return %c0_i32, %c0_i32_0 : i32, i32
  }
  func.func @transform_6(%arg0: i32) -> (i32, i32) {
    %c0_i32 = arith.constant 0 : i32
    %c0_i32_0 = arith.constant 0 : i32
    %c0_i32_1 = arith.constant 0 : i32
    return %c0_i32, %c0_i32_0 : i32, i32
  }
  func.func @transform_7(%arg0: i32) -> (i32, i32) {
    %c0_i32 = arith.constant 0 : i32
    %c0_i32_0 = arith.constant 0 : i32
    %c0_i32_1 = arith.constant 0 : i32
    return %c0_i32, %c0_i32_0 : i32, i32
  }
  func.func @transform_8(%arg0: i32) -> (i32, i32) {
    %c0_i32 = arith.constant 0 : i32
    %c0_i32_0 = arith.constant 0 : i32
    %c0_i32_1 = arith.constant 0 : i32
    return %c0_i32, %c0_i32_0 : i32, i32
  }
  func.func @transform_9(%arg0: i32) -> (i32, i32) {
    %c0_i32 = arith.constant 0 : i32
    %c0_i32_0 = arith.constant 0 : i32
    %c0_i32_1 = arith.constant 0 : i32
    return %c0_i32, %c0_i32_0 : i32, i32
  }
  func.func @transform_10(%arg0: i32) -> (i32, i32) {
    %c0_i32 = arith.constant 0 : i32
    %c0_i32_0 = arith.constant 0 : i32
    %c0_i32_1 = arith.constant 0 : i32
    return %c0_i32, %c0_i32_0 : i32, i32
  }
  func.func @transform_11(%arg0: i32) -> (i32, i32) {
    %c0_i32 = arith.constant 0 : i32
    %c0_i32_0 = arith.constant 0 : i32
    %c0_i32_1 = arith.constant 0 : i32
    return %c0_i32, %c0_i32_0 : i32, i32
  }
  func.func @transform_12(%arg0: i32) -> (i32, i32) {
    %c0_i32 = arith.constant 0 : i32
    %c0_i32_0 = arith.constant 0 : i32
    %c0_i32_1 = arith.constant 0 : i32
    return %c0_i32, %c0_i32_0 : i32, i32
  }
  func.func @transform_13(%arg0: i32) -> (i32, i32) {
    %c0_i32 = arith.constant 0 : i32
    %c0_i32_0 = arith.constant 0 : i32
    return %arg0, %c0_i32 : i32, i32
  }
  func.func @transform_14(%arg0: i32) -> (i32, i32) {
    %c0_i32 = arith.constant 0 : i32
    %c0_i32_0 = arith.constant 0 : i32
    return %arg0, %c0_i32 : i32, i32
  }
  func.func @transform_15(%arg0: i32) -> (i32, i32, i32) {
    %c0_i32 = arith.constant 0 : i32
    %c0_i32_0 = arith.constant 0 : i32
    %c0_i32_1 = arith.constant 0 : i32
    return %arg0, %c0_i32, %c0_i32_0 : i32, i32, i32
  }
}

</mosaic_0001>

<sc_bundles>
// kernel: closed_call.31.cloned.1.call-start
scs
__scs_entry_jumppad:
0x0: {  	(pc) =	sbr.rel $0x88, $3  }
0x1: {  	(tag) =	ssettag $0x0;
	lr =	simm.s32 $0x1  }
0x2: {  	[smem:$0x3F91] =	sst lr;
	_ =	strace $0xD0000000  }
0x3: {  	_ = 	snop  }
0x4: {  	_ = 	snop  }
0x5: {  	_ = 	snop  }
0x6: {  	_ = 	snop  }
0x7: {  	_ = 	snop  }
__scs_overlays_trampoline_lowered:
0x8: {  	[smem:$0x3FA0] =	sst s0  }
0x9: {  	[smem:$0x3FA1] =	sst s1  }
0xa: {  	[smem:$0x3FA2] =	sst s2  }
0xb: {  	[smem:$0x3FA3] =	sst s3  }
0xc: {  	[smem:$0x3FA4] =	sst s4  }
0xd: {  	[smem:$0x3FA5] =	sst s5  }
0xe: {  	[smem:$0x3FA6] =	sst s6  }
0xf: {  	[smem:$0x3FA7] =	sst s7  }
0x10: {  	[smem:$0x3FA8] =	sst s8  }
0x11: {  	[smem:$0x3FA9] =	sst s9;
	s0 =	simm.s32 @!p0 $0x0  }
0x12: {  	s1 =	sld [smem:$0x3F8F];
	s0 =	simm.s32 @p0 $0x1  }
0x13: {  	[smem:$0x3FAA] =	sst s0;
	s0 =	simm.s32 @!p1 $0x0  }
0x14: {  	s2 =	sld [smem:$0x3F8E];
	s0 =	simm.s32 @p1 $0x1  }
0x15: {  	[smem:$0x3FAB] =	sst s0;
	s0 =	simm.s32 @!p2 $0x0  }
0x16: {  	s3 =	sld [smem:$0x3FDB];
	s0 =	simm.s32 @p2 $0x1  }
0x17: {  	s4 =	simm.s32 $0x1BF5;
	[smem:$0x3FAD] =	sst s0  }
0x18: {  	s0 =	sld [smem:$0x3F90];
	_ =	swait.ge [sflag:s4], $0x0  }
0x19: {  	s7 =	sld [smem:$0x3F91]  }
0x1a: {  	s8 =	sadd.s32 $0xFFFFE003, lr  }
0x1b: {  	s9 =	sadd.s32 $0xFFFFFEF7, lr;
	s5 =	simm.s32 $0xFFFFFFFF;
	p2 =	slt.u32 s8, $0xFFFFF086  }
0x1c: {  	p1 =	slt.u32 s9, $0xF7A;
	s5 =	simm.s32 @!p2 $0x0  }
0x1d: {  	s5 =	simm.s32 @p1 $0x1;
	p0 =	seq.s32 s7, s2  }
0x1e: {  	s7 =	smul.u32 @!p0 $0xF7A, s2;
	p2 =	seq.s32 @!p0 s5, $0x0  }
0x1f: {  	s9 =	smul.u32 $0xF7A, s1;
	s8 =	simm.s32 @!p0 $0x1BF5;
	p2 =	por !p2, p0  }
0x20: {  	[sflag:s8] =	ssyncset.s32 @!p0 $0xFFFFF086;
	s6 =	sadd.s32 @!p0 s3, s7;
	s7 =	simm.s32 @!p0 $0x108  }
0x21: {  	s3 =	sadd.s32 s3, s9;
	s6 =	sadd.s32 @!p0 $0x88, s6;
	s7 =	simm.s32 @p2 $0x1082  }
0x22: {  	[simem:s7], [sflag:s8] =	dma.local @!p0 [hbm:s6], $0xF7A  }
0x23: {  	s9 =	sor.u32 $0xD0000000, s2;
	s6 =	simm.s32 $0x108;
	_ =	swait.ge @!p0 [sflag:s8], $0x0  }
0x24: {  	s3 =	sadd.s32 $0x88, s3;
	s6 =	simm.s32 @!p1 $0x1082;
	[sflag:s4] =	ssyncset.s32 $0xFFFFF086  }
0x25: {  	[simem:s6], [sflag:s4] =	dma.local [hbm:s3], $0xF7A  }
0x26: {  	[smem:$0x3F91] =	sst s1;
	(tag) =	ssettag s2;
	_ =	strace s9  }
0x27: {  	s1 =	sld [smem:$0x3FA1]  }
0x28: {  	s2 =	sld [smem:$0x3FA2]  }
0x29: {  	s4 =	sld [smem:$0x3FA4]  }
0x2a: {  	p0 =	seq.s32 s5, $0x0;
	s5 =	sld [smem:$0x3FA5]  }
0x2b: {  	s6 =	sld [smem:$0x3FA6]  }
0x2c: {  	s7 =	sld [smem:$0x3FA7]  }
0x2d: {  	s3 =	simm.s32 $0x108;
	s8 =	sld [smem:$0x3FA8]  }
0x2e: {  	s3 =	simm.s32 @!p0 $0x1082;
	s9 =	sld [smem:$0x3FA9]  }
0x2f: {  	lr =	sadd.s32 s0, s3;
	s0 =	sld [smem:$0x3FA0]  }
0x30: {  	s3 =	sld [smem:$0x3FA3]  }
0x31: {  	[smem:$0x3FAC] =	sst s10  }
0x32: {  	s10 =	sld [smem:$0x3FAA];
	_ =	sdelay $0x3  }
0x33: {  	p0 =	seq.s32 s10, $0x1;
	s10 =	sld [smem:$0x3FAC];
	_ =	sdelay $0x3  }
0x34: {  	[smem:$0x3FAC] =	sst s10  }
0x35: {  	s10 =	sld [smem:$0x3FAB];
	_ =	sdelay $0x3  }
0x36: {  	p1 =	seq.s32 s10, $0x1;
	s10 =	sld [smem:$0x3FAC];
	_ =	sdelay $0x3  }
0x37: {  	[smem:$0x3FAC] =	sst s10  }
0x38: {  	s10 =	sld [smem:$0x3FAD]  }
0x39: {  	_ = 	snop;
	(pc) =	sbr.ind lr, $3  }
0x3a: {  	_ = 	snop  }
0x3b: {  	_ = 	snop  }
0x3c: {  	p2 =	seq.s32 s10, $0x1;
	s10 =	sld [smem:$0x3FAC]  }
0x3d: {  	_ =	shalt  }
0x3e: {  	_ =	shalt  }
0x3f: {  	_ =	shalt  }
0x40: {  	_ =	shalt  }
0x41: {  	_ =	shalt  }
0x42: {  	_ =	shalt  }
0x43: {  	_ =	shalt  }
0x44: {  	_ =	shalt  }
0x45: {  	_ =	shalt  }
0x46: {  	_ =	shalt  }
0x47: {  	_ =	shalt  }
0x48: {  	_ =	shalt  }
0x49: {  	_ =	shalt  }
0x4a: {  	_ =	shalt  }
0x4b: {  	_ =	shalt  }
0x4c: {  	_ =	shalt  }
0x4d: {  	_ =	shalt  }
0x4e: {  	_ =	shalt  }
0x4f: {  	_ =	shalt  }
0x50: {  	_ =	shalt  }
0x51: {  	_ =	shalt  }
0x52: {  	_ =	shalt  }
0x53: {  	_ =	shalt  }
0x54: {  	_ =	shalt  }
0x55: {  	_ =	shalt  }
0x56: {  	_ =	shalt  }
0x57: {  	_ =	shalt  }
0x58: {  	_ =	shalt  }
0x59: {  	_ =	shalt  }
0x5a: {  	_ =	shalt  }
0x5b: {  	_ =	shalt  }
0x5c: {  	_ =	shalt  }
0x5d: {  	_ =	shalt  }
0x5e: {  	_ =	shalt  }
0x5f: {  	_ =	shalt  }
0x60: {  	_ =	shalt  }
0x61: {  	_ =	shalt  }
0x62: {  	_ =	shalt  }
0x63: {  	_ =	shalt  }
0x64: {  	_ =	shalt  }
0x65: {  	_ =	shalt  }
0x66: {  	_ =	shalt  }
0x67: {  	_ =	shalt  }
0x68: {  	_ =	shalt  }
0x69: {  	_ =	shalt  }
0x6a: {  	_ =	shalt  }
0x6b: {  	_ =	shalt  }
0x6c: {  	_ =	shalt  }
0x6d: {  	_ =	shalt  }
0x6e: {  	_ =	shalt  }
0x6f: {  	_ =	shalt  }
0x70: {  	_ =	shalt  }
0x71: {  	_ =	shalt  }
0x72: {  	_ =	shalt  }
0x73: {  	_ =	shalt  }
0x74: {  	_ =	shalt  }
0x75: {  	_ =	shalt  }
0x76: {  	_ =	shalt  }
0x77: {  	_ =	shalt  }
0x78: {  	_ =	shalt  }
0x79: {  	_ =	shalt  }
0x7a: {  	_ =	shalt  }
0x7b: {  	_ =	shalt  }
0x7c: {  	_ =	shalt  }
0x7d: {  	_ =	shalt  }
0x7e: {  	_ =	shalt  }
0x7f: {  	_ =	shalt  }
0x80: {  	_ =	shalt  }
0x81: {  	_ =	shalt  }
0x82: {  	_ =	shalt  }
0x83: {  	_ =	shalt  }
0x84: {  	_ =	shalt  }
0x85: {  	_ =	shalt  }
0x86: {  	_ =	shalt  }
0x87: {  	_ =	shalt  }
.Lfunc_end0:
.L_simem_size_0:
called_computation.1_lowered:
.L_overlay_start_0:
0x88: {  	s2 =	sld [smem:$0x3FD9]  }
0x89: {  	s3 =	sld [smem:$0x3FFE];
	_ =	sdelay $0x1  }
0x8a: {  	s1 =	srdreg.scid  }
0x8b: {  	s0 =	sand.u32 $0x1, s1  }
0x8c: {  	s16 =	sshll.u32 s0, $0xA;
	s2 =	sadd.s32 s3, s2  }
0x8d: {  	s2 =	sadd.s32 s2, s16  }
0x8e: {  	[smem:$0x3FB8] =	sst s2  }
0x8f: {  	_ = 	snop  }
0x90: {  	(tm) =	ssettm $0x1  }
0x91: {  	s17 =	sld [smem:$0x3FFB];
	_ =	sdelay $0x3  }
0x92: {  	_ =	strace s17  }
0x93: {  	s2 =	sld [smem:$0x3FFC];
	_ =	sdelay $0x3  }
0x94: {  	_ =	strace s2  }
0x95: {  	s2 =	sld [smem:$0x3FFD];
	_ =	sdelay $0x3  }
0x96: {  	_ =	strace s2  }
0x97: {  	_ =	strace $0x8FFFFFFF  }
0x98: {  	s18 =	sld [smem:$0x3FDB];
	_ =	sdelay $0x1  }
0x99: {  	s19 =	simm.s32 $_scs_section_size  }
0x9a: {  	s4 =	simm.s32 $_size__tile_overlayer_lowered;
	s5 =	simm.s32 $_tile_overlayer_lowered  }
0x9b: {  	s22 =	simm.s32 $0x1BFF;
	s21 =	sshll.u32 s5, $0x1;
	s2 =	sadd.s32 s19, s18  }
0x9c: {  	s6 =	simm.s32 $0x0;
	s20 =	sshll.u32 s4, $0x1;
	s4 =	sadd.s32 s21, s2  }
0x9d: {  	[timem:s6], [sflag:s22] =	dma.local [hbm:s4], s20  }
0x9e: {  	_ =	swait.ge [sflag:s22], s20  }
0x9f: {  	s3 =	ssub.s32 $0x0, s20;
	[sflag:s22] =	ssyncset.done $0x0  }
0xa0: {  	[sflag:s22] =	ssyncadd.s32 s3;
	_ =	sdelay $0x1  }
0xa1: {  	s23 =	simm.s32 $0x1B8B  }
0xa2: {  	_ =	swait.ge [sflag:s23], $0x1  }
0xa3: {  	[sflag:s23] =	ssyncset.done $0x0  }
0xa4: {  	s25 =	simm.s32 $0x1B8E;
	s24 =	sld [smem:$0x3FFE];
	[sflag:s23] =	ssyncadd.s32 $0xFFFFFFFF  }
0xa5: {  	s26 =	simm.s32 $execute0_lowered;
	[smem:$0x3FD2] =	sst s25  }
0xa6: {  	s4 =	sshll.u32 s26, $0x1;
	_ =	strace $0x8000004C;
	[dreg:$0x1] =	wrdreg $0xFFFFFFFF  }
0xa7: {  	s28 =	simm.s32 $_size_execute0_lowered;
	s2 =	sadd.s32 s2, s4;
	[dreg:$0x0] =	wrdreg $0x0  }
0xa8: {  	s4 =	sshll.u32 s28, $0x1;
	[dreg:$0x2] =	wrdreg s2  }
0xa9: {  	[dreg:$0x3] =	wrdreg s4  }
0xaa: {  	[dreg:$0x4] =	wrdreg $0xC0  }
0xab: {  	_ =	task [dreg:s6], $0x5FFFF  }
0xac: {  	[dreg:$0x1] =	wrdreg $0xFFFFFFFF  }
0xad: {  	[dreg:$0x0] =	wrdreg $0x60  }
0xae: {  	[dreg:$0x2] =	wrdreg s24  }
0xaf: {  	[dreg:$0x3] =	wrdreg $0x9  }
0xb0: {  	_ =	task.clear_ibuf [dreg:s6], $0x4FFFF;
	_ =	strace $0x9000004C  }
0xb1: {  	s29 =	simm.s32 $0x9;
	_ =	strace $0x8000004E  }
0xb2: {  	_ =	swait.ge [sflag:s29], $0x1  }
0xb3: {  	[sflag:s29] =	ssyncadd.s32 $0xFFFFFFFF  }
0xb4: {  	_ =	strace $0x9000004E  }
0xb5: {  	_ =	sfence  }
0xb6: {  	s30 =	sld [smem:$0x0];
	_ =	sdelay $0x2  }
0xb7: {  	s31 =	sshll.u32 s1, $0xD;
	s1 =	sshrl.u32 s1, $0x2  }
0xb8: {  	s3 =	sand.u32 $0x4000, s31;
	s1 =	sadd.s32 s1, s30  }
0xb9: {  	s0 =	sor.u32 s3, s0;
	s1 =	sshll.u32 s1, $0x11  }
0xba: {  	s0 =	sor.u32 s1, s0  }
0xbb: {  	s0 =	sadd.s32 $0x8F2B, s0  }
0xbc: {  	[sflag:s0] =	ssyncadd.remote.s32 $0x1  }
0xbd: {  	_ =	sfence.sel $0xFFFF  }
0xbe: {  	[dreg:$0x0] =	wrdreg $0xFFFFFFFF;
	(pc) =	sbr.abs _section_cstart, $3  }
0xbf: {  	[dreg:$0x1] =	wrdreg $0xFFFFFFFF  }
0xc0: {  	_ =	task.clear_ibuf [dreg:s6], $0x2FFFF;
	_ =	strace $0x9FFFFFFF  }
0xc1: {  	(tm) =	ssettm $0x7FFFFFFF  }
tec
execute0_lowered:
.L_overlay_start_1:
0x0: {  	(tag) =	ssettag $0x1  }
0x1: {  	s0 =	srdreg.scid;
	s2 =	stileid.u32  }
0x2: {  	s1 =	rddreg [dreg:$0x0];
	s11 =	simm.s32 $0x9;
	s13 =	simm.s32 $0x80  }
0x3: {  	s23 =	simm.s32 $0xD000;
	s28 =	simm.s32 $0x2;
	s29 =	simm.s32 $0x13000  }
0x4: {  	s30 =	simm.s32 $0x3;
	s31 =	simm.s32 $0x14000;
	s14 =	simm.s32 $0x5  }
0x5: {  	s15 =	simm.s32 $0x6;
	s16 =	simm.s32 $0x7;
	s17 =	simm.s32 $0x8  }
0x6: {  	s0 =	sand.u32 $0x1, s0;
	s3 =	sshll.u32 s2, $0x1;
	s2 =	simm.s32 $0x0  }
0x7: {  	s18 =	simm.s32 $0x0;
	s5 =	sor.u32 s0, s3;
	[smem:$0x7FF] =	sst s2  }
0x8: {  	s3 =	sadd.s32 $0x5800, s1;
	s0 =	ssub.s32 $0x2, s0;
	s4 =	smul.u32 $0xA00, s5  }
0x9: {  	_ =	strace $0x8000004D;
	s24 =	sshrl.u32 s0, $0x1;
	s5 =	smul.u32 $0xA0000, s5  }
0xa: {  	s0 =	ssub.s32 s0, s24;
	s24 =	simm.s32 $0x11000;
	s6 =	sadd.s32 s4, s1  }
0xb: {  	s4 =	sadd.s32 $0x93400, s1;
	s8 =	sor.u32 $0x1000, s5;
	s9 =	sor.u32 $0x2000, s5  }
0xc: {  	s10 =	smax.u32 s0, $0x1;
	s1 =	simm.s32 $0x4;
	s25 =	sadd.s32 $0x55800, s6  }
0xd: {  	s0 =	simm.s32 $0x15000;
	s26 =	sadd.s32 $0x41800, s6;
	[dreg:$0x2] =	wrdreg s25  }
0xe: {  	[dreg:$0x3] =	wrdreg s26;
	s25 =	simm.s32 $0x1;
	s26 =	simm.s32 $0x12000  }
.LBB2_1:
0xf: {  	s6 =	rddreg [dreg:$0x2]  }
0x10: {  	[tilespmem:s2], [sflag:$0x9] =	stream.linear.gather [hbm4b:s6+s2], $0x5000, $0x38;
	[tilespmem:$0x16000] =	vst v63  }
0x11: {  	_ =	swait.ge [sflag:s11], $0x5000  }
0x12: {  	[sflag:s11] =	ssyncset.done $0x0  }
0x13: {  	s7 =	simm.s32 $0x5000;
	s12 =	rddreg [dreg:$0x3];
	[sflag:s11] =	ssyncadd.s32 $0xFFFFB000  }
0x14: {  	[tilespmem:s7], [sflag:$0x9] =	stream.linear.gather [hbm4b:s12+s2], $0x5000, $0x38;
	[tilespmem:$0x16000] =	vst v63  }
0x15: {  	_ =	swait.ge [sflag:s11], $0x5000  }
0x16: {  	[sflag:s11] =	ssyncset.done $0x0  }
0x17: {  	s19 =	simm.s32 $0xA000;
	[sflag:s11] =	ssyncadd.s32 $0xFFFFB000  }
0x18: {  	[tilespmem:s19], [sflag:$0x1] =	stream.indirect.gather [hbm4b:s3+s13], $0x20, s7, s13, $0xb8;
	[tilespmem:$0x16000] =	vst v63  }
0x19: {  	s20 =	simm.s32 $0xE000  }
0x1a: {  	[tilespmem:s20], [sflag:$0x1] =	stream.indirect.gather [hbm4b:s3+s13], $0x20, s2, s13, $0xb8;
	[tilespmem:$0x16000] =	vst v63  }
0x1b: {  	s21 =	simm.s32 $0x5080;
	s22 =	simm.s32 $0xB000  }
0x1c: {  	[tilespmem:s22], [sflag:$0x2] =	stream.indirect.gather [hbm4b:s3+s13], $0x20, s21, s13, $0xb8;
	[tilespmem:$0x16000] =	vst v63  }
0x1d: {  	s12 =	simm.s32 $0xF000  }
0x1e: {  	[tilespmem:s12], [sflag:$0x2] =	stream.indirect.gather [hbm4b:s3+s13], $0x20, s13, s13, $0xb8;
	[tilespmem:$0x16000] =	vst v63  }
0x1f: {  	s19 =	simm.s32 $0x5100;
	s20 =	simm.s32 $0xC000  }
0x20: {  	[tilespmem:s20], [sflag:$0x3] =	stream.indirect.gather [hbm4b:s3+s13], $0x20, s19, s13, $0xb8;
	[tilespmem:$0x16000] =	vst v63  }
0x21: {  	s21 =	simm.s32 $0x100;
	s22 =	simm.s32 $0x10000;
	s19 =	simm.s32 $0x0  }
0x22: {  	[tilespmem:s22], [sflag:$0x3] =	stream.indirect.gather [hbm4b:s3+s13], $0x20, s21, s13, $0xb8;
	[tilespmem:$0x16000] =	vst v63  }
.LBB2_2:
0x23: {  	s20 =	sshllo.u32 s19, $0x2  }
0x24: {  	s6 =	sshll.u32 s20, $0x7  }
0x25: {  	s7 =	sadd.s32 $0x5000, s6  }
0x26: {  	[tilespmem:s23], [sflag:$0x4] =	stream.indirect.gather [hbm4b:s3+s13], $0x20, s7, s13, $0xb8;
	[tilespmem:$0x16000] =	vst v63  }
0x27: {  	_ = 	snop  }
0x28: {  	[tilespmem:s24], [sflag:$0x4] =	stream.indirect.gather [hbm4b:s3+s13], $0x20, s6, s13, $0xb8;
	[tilespmem:$0x16000] =	vst v63  }
0x29: {  	_ =	swait.ge [sflag:s25], $0x1000  }
0x2a: {  	[sflag:s25] =	ssyncset.done $0x0  }
0x2b: {  	[sflag:s25] =	ssyncadd.s32 $0xFFFFF000  }
0x2c: {  	_ =	swait.ge [sflag:s25], $0x1000  }
0x2d: {  	p0 =	seq.s32 s19, $0x0;
	[sflag:s25] =	ssyncset.done $0x0  }
0x2e: {  	s6 =	simm.s32 @!p0 $0x5;
	[sflag:s25] =	ssyncadd.s32 $0xFFFFF000  }
0x2f: {  	_ =	swait.ge @!p0 [sflag:s6], $0x1000  }
0x30: {  	[sflag:s6] =	ssyncset.done @!p0 $0x0  }
0x31: {  	s21 =	simm.s32 $0x0;
	[sflag:s6] =	ssyncadd.s32 @!p0 $0xFFFFF000  }
0x32: {  	v0 =	vld [tilespmem:s21+$0xA010]  }
0x33: {  	v2 =	vld [tilespmem:s21+$0xE010]  }
0x34: {  	v1 =	vld [tilespmem:s21+$0xA000]  }
0x35: {  	v3 =	vld [tilespmem:s21+$0xE000]  }
0x36: {  	s6 =	simm.s32 $0x80  }
.LBB2_3:
0x37: {  	s7 =	sshra.s32 s6, $0x2;
	p1 =	sne.s32 s6, $0x3F80  }
.Ltmp0:
0x38: {  	s6 =	sadd.s32 $0x80, s6;
	v4 =	vadd.f32 v2, v0;
	v0 =	vld [tilespmem:s7+$0xA010];
	(pc) =	sbr.rel @p1 .LBB2_3-.Ltmp0, $4  }
0x39: {  	v2 =	vld [tilespmem:s7+$0xE010]  }
0x3a: {  	v5 =	vadd.f32 v3, v1;
	v1 =	vld [tilespmem:s7+$0xA000];
	[tilespmem:s21+$0x12010] =	vst v4  }
0x3b: {  	v3 =	vld [tilespmem:s7+$0xE000]  }
0x3c: {  	[tilespmem:s21+$0x12000] =	vst v5;
	s21 =	smov.u32 s7  }
0x3d: {  	_ =	sdelay $0x1  }
0x3e: {  	s22 =	sshll.u32 s19, $0xE;
	v0 =	vadd.f32 v2, v0  }
0x3f: {  	s6 =	sadd.s32 s5, s22;
	v1 =	vadd.f32 v3, v1  }
0x40: {  	p1 =	seq.s32 s19, $0x27;
	s6 =	sshrl.u32 s6, $0x3;
	[tilespmem:s21+$0x12010] =	vst v0  }
0x41: {  	s6 =	sadd.s32 s4, s6;
	[tilespmem:s21+$0x12000] =	vst v1;
	s21 =	sshll.u32 @!p1 s19, $0x9  }
0x42: {  	[hbm4b:s6+s2] =	stream.linear.scatter [tilespmem:s26], [sflag:$0x5], $0x1000, $0x38;
	[tilespmem:$0x16000] =	vst v63  }
0x43: {  	s7 =	simm.s32 @!p1 $0x80;
	s12 =	simm.s32 @!p1 $0xA000;
	s6 =	sadd.s32 @!p1 $0x5200, s21  }
0x44: {  	[tilespmem:s12], [sflag:$0x1] =	stream.indirect.gather @!p1 [hbm4b:s3+s7], $0x20, s6, s7, $0xb8;
	[tilespmem:$0x16000] =	vst v63  }
0x45: {  	s6 =	sadd.s32 @!p1 $0x200, s21;
	s12 =	simm.s32 @!p1 $0xE000  }
0x46: {  	[tilespmem:s12], [sflag:$0x1] =	stream.indirect.gather @!p1 [hbm4b:s3+s7], $0x20, s6, s7, $0xb8;
	[tilespmem:$0x16000] =	vst v63  }
0x47: {  	_ =	swait.ge [sflag:s28], $0x1000  }
0x48: {  	[sflag:s28] =	ssyncset.done $0x0  }
0x49: {  	[sflag:s28] =	ssyncadd.s32 $0xFFFFF000  }
0x4a: {  	_ =	swait.ge [sflag:s28], $0x1000  }
0x4b: {  	[sflag:s28] =	ssyncset.done $0x0  }
0x4c: {  	s6 =	simm.s32 @!p0 $0x6;
	[sflag:s28] =	ssyncadd.s32 $0xFFFFF000  }
0x4d: {  	_ =	swait.ge @!p0 [sflag:s6], $0x1000  }
0x4e: {  	[sflag:s6] =	ssyncset.done @!p0 $0x0  }
0x4f: {  	[sflag:s6] =	ssyncadd.s32 @!p0 $0xFFFFF000;
	s6 =	simm.s32 $0x0  }
0x50: {  	v0 =	vld [tilespmem:s6+$0xB010]  }
0x51: {  	v2 =	vld [tilespmem:s6+$0xF010]  }
0x52: {  	v1 =	vld [tilespmem:s6+$0xB000]  }
0x53: {  	v3 =	vld [tilespmem:s6+$0xF000]  }
0x54: {  	s7 =	simm.s32 $0x80  }
.LBB2_5:
0x55: {  	s12 =	sshra.s32 s7, $0x2;
	p2 =	sne.s32 s7, $0x3F80  }
.Ltmp1:
0x56: {  	s7 =	sadd.s32 $0x80, s7;
	v4 =	vadd.f32 v2, v0;
	v0 =	vld [tilespmem:s12+$0xB010];
	(pc) =	sbr.rel @p2 .LBB2_5-.Ltmp1, $4  }
0x57: {  	v2 =	vld [tilespmem:s12+$0xF010]  }
0x58: {  	v5 =	vadd.f32 v3, v1;
	v1 =	vld [tilespmem:s12+$0xB000];
	[tilespmem:s6+$0x13010] =	vst v4  }
0x59: {  	v3 =	vld [tilespmem:s12+$0xF000]  }
0x5a: {  	[tilespmem:s6+$0x13000] =	vst v5;
	s6 =	smov.u32 s12  }
0x5b: {  	_ =	sdelay $0x1  }
0x5c: {  	v0 =	vadd.f32 v2, v0  }
0x5d: {  	s7 =	sadd.s32 s22, s8;
	v1 =	vadd.f32 v3, v1  }
0x5e: {  	s7 =	sshrl.u32 s7, $0x3;
	[tilespmem:s6+$0x13010] =	vst v0  }
0x5f: {  	s12 =	sadd.s32 s4, s7;
	[tilespmem:s6+$0x13000] =	vst v1  }
0x60: {  	[hbm4b:s12+s2] =	stream.linear.scatter [tilespmem:s29], [sflag:$0x6], $0x1000, $0x38;
	[tilespmem:$0x16000] =	vst v63  }
0x61: {  	s7 =	simm.s32 @!p1 $0x80;
	s6 =	sadd.s32 @!p1 $0x5280, s21;
	s12 =	simm.s32 @!p1 $0xB000  }
0x62: {  	[tilespmem:s12], [sflag:$0x2] =	stream.indirect.gather @!p1 [hbm4b:s3+s7], $0x20, s6, s7, $0xb8;
	[tilespmem:$0x16000] =	vst v63  }
0x63: {  	s6 =	sadd.s32 @!p1 $0x280, s21;
	s12 =	simm.s32 @!p1 $0xF000  }
0x64: {  	[tilespmem:s12], [sflag:$0x2] =	stream.indirect.gather @!p1 [hbm4b:s3+s7], $0x20, s6, s7, $0xb8;
	[tilespmem:$0x16000] =	vst v63  }
0x65: {  	_ =	swait.ge [sflag:s30], $0x1000  }
0x66: {  	[sflag:s30] =	ssyncset.done $0x0  }
0x67: {  	[sflag:s30] =	ssyncadd.s32 $0xFFFFF000  }
0x68: {  	_ =	swait.ge [sflag:s30], $0x1000  }
0x69: {  	[sflag:s30] =	ssyncset.done $0x0  }
0x6a: {  	s6 =	simm.s32 @!p0 $0x7;
	[sflag:s30] =	ssyncadd.s32 $0xFFFFF000  }
0x6b: {  	_ =	swait.ge @!p0 [sflag:s6], $0x1000  }
0x6c: {  	[sflag:s6] =	ssyncset.done @!p0 $0x0  }
0x6d: {  	[sflag:s6] =	ssyncadd.s32 @!p0 $0xFFFFF000;
	s6 =	simm.s32 $0x0  }
0x6e: {  	v0 =	vld [tilespmem:s6+$0xC010]  }
0x6f: {  	v2 =	vld [tilespmem:s6+$0x10010]  }
0x70: {  	v1 =	vld [tilespmem:s6+$0xC000]  }
0x71: {  	v3 =	vld [tilespmem:s6+$0x10000]  }
0x72: {  	s7 =	simm.s32 $0x80  }
.LBB2_7:
0x73: {  	s12 =	sshra.s32 s7, $0x2;
	p2 =	sne.s32 s7, $0x3F80  }
.Ltmp2:
0x74: {  	s7 =	sadd.s32 $0x80, s7;
	v4 =	vadd.f32 v2, v0;
	v0 =	vld [tilespmem:s12+$0xC010];
	(pc) =	sbr.rel @p2 .LBB2_7-.Ltmp2, $4  }
0x75: {  	v2 =	vld [tilespmem:s12+$0x10010]  }
0x76: {  	v5 =	vadd.f32 v3, v1;
	v1 =	vld [tilespmem:s12+$0xC000];
	[tilespmem:s6+$0x14010] =	vst v4  }
0x77: {  	v3 =	vld [tilespmem:s12+$0x10000]  }
0x78: {  	[tilespmem:s6+$0x14000] =	vst v5;
	s6 =	smov.u32 s12  }
0x79: {  	_ =	sdelay $0x1  }
0x7a: {  	v0 =	vadd.f32 v2, v0  }
0x7b: {  	s7 =	sadd.s32 s22, s9;
	v1 =	vadd.f32 v3, v1  }
0x7c: {  	s7 =	sshrl.u32 s7, $0x3;
	[tilespmem:s6+$0x14010] =	vst v0  }
0x7d: {  	s22 =	sadd.s32 s4, s7;
	[tilespmem:s6+$0x14000] =	vst v1  }
0x7e: {  	[hbm4b:s22+s2] =	stream.linear.scatter [tilespmem:s31], [sflag:$0x7], $0x1000, $0x38;
	[tilespmem:$0x16000] =	vst v63  }
0x7f: {  	s12 =	simm.s32 @!p1 $0xC000;
	s7 =	simm.s32 @!p1 $0x80;
	s6 =	sadd.s32 @!p1 $0x5300, s21  }
0x80: {  	[tilespmem:s12], [sflag:$0x3] =	stream.indirect.gather @!p1 [hbm4b:s3+s7], $0x20, s6, s7, $0xb8;
	[tilespmem:$0x16000] =	vst v63  }
0x81: {  	s6 =	sadd.s32 @!p1 $0x300, s21;
	s12 =	simm.s32 @!p1 $0x10000  }
0x82: {  	[tilespmem:s12], [sflag:$0x3] =	stream.indirect.gather @!p1 [hbm4b:s3+s7], $0x20, s6, s7, $0xb8;
	[tilespmem:$0x16000] =	vst v63  }
0x83: {  	_ =	swait.ge [sflag:s1], $0x1000  }
0x84: {  	[sflag:s1] =	ssyncset.done $0x0  }
0x85: {  	[sflag:s1] =	ssyncadd.s32 $0xFFFFF000  }
0x86: {  	_ =	swait.ge [sflag:s1], $0x1000  }
0x87: {  	[sflag:s1] =	ssyncset.done $0x0  }
0x88: {  	s6 =	simm.s32 @!p0 $0x8;
	[sflag:s1] =	ssyncadd.s32 $0xFFFFF000  }
0x89: {  	_ =	swait.ge @!p0 [sflag:s6], $0x1000  }
0x8a: {  	[sflag:s6] =	ssyncset.done @!p0 $0x0  }
0x8b: {  	s21 =	simm.s32 $0x0;
	[sflag:s6] =	ssyncadd.s32 @!p0 $0xFFFFF000  }
0x8c: {  	v0 =	vld [tilespmem:s21+$0xD010]  }
0x8d: {  	v2 =	vld [tilespmem:s21+$0x11010]  }
0x8e: {  	v1 =	vld [tilespmem:s21+$0xD000]  }
0x8f: {  	v3 =	vld [tilespmem:s21+$0x11000]  }
0x90: {  	s6 =	simm.s32 $0x80  }
.LBB2_9:
0x91: {  	s7 =	sshra.s32 s6, $0x2;
	p0 =	sne.s32 s6, $0x3F80  }
.Ltmp3:
0x92: {  	s6 =	sadd.s32 $0x80, s6;
	v4 =	vadd.f32 v2, v0;
	v0 =	vld [tilespmem:s7+$0xD010];
	(pc) =	sbr.rel @p0 .LBB2_9-.Ltmp3, $4  }
0x93: {  	v2 =	vld [tilespmem:s7+$0x11010]  }
0x94: {  	v5 =	vadd.f32 v3, v1;
	v1 =	vld [tilespmem:s7+$0xD000];
	[tilespmem:s21+$0x15010] =	vst v4  }
0x95: {  	v3 =	vld [tilespmem:s7+$0x11000]  }
0x96: {  	[tilespmem:s21+$0x15000] =	vst v5;
	s21 =	smov.u32 s7  }
0x97: {  	s19 =	sadd.s32 $0x1, s19  }
0x98: {  	p0 =	sne.s32 s19, $0x28  }
.Ltmp4:
0x99: {  	s6 =	sshll.u32 s20, $0xC;
	v0 =	vadd.f32 v2, v0;
	(pc) =	sbr.rel @p0 .LBB2_2-.Ltmp4, $4  }
0x9a: {  	s6 =	sadd.s32 s5, s6;
	v1 =	vadd.f32 v3, v1  }
0x9b: {  	s6 =	sshrl.u32 s6, $0x3;
	[tilespmem:s21+$0x15010] =	vst v0  }
0x9c: {  	s6 =	sadd.s32 s4, s6;
	[tilespmem:s21+$0x15000] =	vst v1  }
0x9d: {  	[hbm4b:s6+s2] =	stream.linear.scatter [tilespmem:s0], [sflag:$0x8], $0x1000, $0x38;
	[tilespmem:$0x16000] =	vst v63  }
0x9e: {  	_ =	swait.ge [sflag:s14], $0x1000  }
0x9f: {  	[sflag:s14] =	ssyncset.done $0x0  }
0xa0: {  	[sflag:s14] =	ssyncadd.s32 $0xFFFFF000  }
0xa1: {  	_ =	swait.ge [sflag:s15], $0x1000  }
0xa2: {  	[sflag:s15] =	ssyncset.done $0x0  }
0xa3: {  	s18 =	sadd.s32 $0x1, s18;
	[sflag:s15] =	ssyncadd.s32 $0xFFFFF000  }
0xa4: {  	p0 =	sne.s32 s18, s10;
	_ =	swait.ge [sflag:s16], $0x1000  }
.Ltmp5:
0xa5: {  	[sflag:s16] =	ssyncset.done $0x0;
	(pc) =	sbr.rel @p0 .LBB2_1-.Ltmp5, $4  }
0xa6: {  	[sflag:s16] =	ssyncadd.s32 $0xFFFFF000  }
0xa7: {  	_ =	swait.ge [sflag:s17], $0x1000  }
0xa8: {  	[sflag:s17] =	ssyncset.done $0x0  }
0xa9: {  	[sflag:s17] =	ssyncadd.s32 $0xFFFFF000  }
0xaa: {  	_ =	sfence.sel $0x180000  }
0xab: {  	[bflag:$0x0] =	sbarrier.arrive $0xFFFF  }
0xac: {  	_ =	strace $0x9000004D  }
0xad: {  	s0 =	stileid.u32;
	[bflag:$0x2] =	sbarrier.arrive $0xFFFF  }
0xae: {  	p0 =	sne.s32 s0, $0x0;
	s0 =	rddreg [dreg:$0x1]  }
0xaf: {  	s0 =	sadd.s32 @!p0 $0x100000, s0  }
0xb0: {  	[sflag:s0] =	ssyncadd.tile.s32 @!p0 $0x1;
	_ =	shalt  }
.Lfunc_end2:
_tile_overlayer_lowered:
.L_overlay_start_2:
0xb1: {  	(tag) =	ssettag $0x2  }
0xb2: {  	s0 =	rddreg [dreg:$0x0];
	s2 =	stileid.u32  }
0xb3: {  	s1 =	rddreg [dreg:$0x1];
	p0 =	sne.s32 s2, $0x0  }
0xb4: {  	s3 =	rddreg [dreg:$0x2];
	[bflag:$0x3] =	sbarrier.arrive $0xFFFF;
	s2 =	simm.s32 @!p0 $0x1C09  }
0xb5: {  	[timem:s3], [sflag:s2] =	dma.local @!p0 [hbm:s0], s1  }
0xb6: {  	s0 =	simm.s32 @!p0 $0x9  }
0xb7: {  	_ =	swait.ge @!p0 [sflag:s0], s1  }
0xb8: {  	s1 =	ssub.s32 @!p0 $0x0, s1;
	[sflag:s0] =	ssyncset.done @!p0 $0x0  }
0xb9: {  	[sflag:s0] =	ssyncadd.s32 @!p0 s1  }
0xba: {  	[bflag:$0x3] =	sbarrier.arrive $0xFFFF  }
0xbb: {  	_ =	shalt  }

// kernel: closed_call.34.cloned.1.call-start
scs
__scs_entry_jumppad:
0x0: {  	(pc) =	sbr.rel $0x88, $3  }
0x1: {  	(tag) =	ssettag $0x0;
	lr =	simm.s32 $0x1  }
0x2: {  	[smem:$0x3F91] =	sst lr;
	_ =	strace $0xD0000000  }
0x3: {  	_ = 	snop  }
0x4: {  	_ = 	snop  }
0x5: {  	_ = 	snop  }
0x6: {  	_ = 	snop  }
0x7: {  	_ = 	snop  }
__scs_overlays_trampoline_lowered:
0x8: {  	[smem:$0x3FA0] =	sst s0  }
0x9: {  	[smem:$0x3FA1] =	sst s1  }
0xa: {  	[smem:$0x3FA2] =	sst s2  }
0xb: {  	[smem:$0x3FA3] =	sst s3  }
0xc: {  	[smem:$0x3FA4] =	sst s4  }
0xd: {  	[smem:$0x3FA5] =	sst s5  }
0xe: {  	[smem:$0x3FA6] =	sst s6  }
0xf: {  	[smem:$0x3FA7] =	sst s7  }
0x10: {  	[smem:$0x3FA8] =	sst s8  }
0x11: {  	[smem:$0x3FA9] =	sst s9;
	s0 =	simm.s32 @!p0 $0x0  }
0x12: {  	s1 =	sld [smem:$0x3F8F];
	s0 =	simm.s32 @p0 $0x1  }
0x13: {  	[smem:$0x3FAA] =	sst s0;
	s0 =	simm.s32 @!p1 $0x0  }
0x14: {  	s2 =	sld [smem:$0x3F8E];
	s0 =	simm.s32 @p1 $0x1  }
0x15: {  	[smem:$0x3FAB] =	sst s0;
	s0 =	simm.s32 @!p2 $0x0  }
0x16: {  	s3 =	sld [smem:$0x3FDB];
	s0 =	simm.s32 @p2 $0x1  }
0x17: {  	s4 =	simm.s32 $0x1BF5;
	[smem:$0x3FAD] =	sst s0  }
0x18: {  	s0 =	sld [smem:$0x3F90];
	_ =	swait.ge [sflag:s4], $0x0  }
0x19: {  	s7 =	sld [smem:$0x3F91]  }
0x1a: {  	s8 =	sadd.s32 $0xFFFFE003, lr  }
0x1b: {  	s9 =	sadd.s32 $0xFFFFFEF7, lr;
	s5 =	simm.s32 $0xFFFFFFFF;
	p2 =	slt.u32 s8, $0xFFFFF086  }
0x1c: {  	p1 =	slt.u32 s9, $0xF7A;
	s5 =	simm.s32 @!p2 $0x0  }
0x1d: {  	s5 =	simm.s32 @p1 $0x1;
	p0 =	seq.s32 s7, s2  }
0x1e: {  	s7 =	smul.u32 @!p0 $0xF7A, s2;
	p2 =	seq.s32 @!p0 s5, $0x0  }
0x1f: {  	s9 =	smul.u32 $0xF7A, s1;
	s8 =	simm.s32 @!p0 $0x1BF5;
	p2 =	por !p2, p0  }
0x20: {  	[sflag:s8] =	ssyncset.s32 @!p0 $0xFFFFF086;
	s6 =	sadd.s32 @!p0 s3, s7;
	s7 =	simm.s32 @!p0 $0x108  }
0x21: {  	s3 =	sadd.s32 s3, s9;
	s6 =	sadd.s32 @!p0 $0x88, s6;
	s7 =	simm.s32 @p2 $0x1082  }
0x22: {  	[simem:s7], [sflag:s8] =	dma.local @!p0 [hbm:s6], $0xF7A  }
0x23: {  	s9 =	sor.u32 $0xD0000000, s2;
	s6 =	simm.s32 $0x108;
	_ =	swait.ge @!p0 [sflag:s8], $0x0  }
0x24: {  	s3 =	sadd.s32 $0x88, s3;
	s6 =	simm.s32 @!p1 $0x1082;
	[sflag:s4] =	ssyncset.s32 $0xFFFFF086  }
0x25: {  	[simem:s6], [sflag:s4] =	dma.local [hbm:s3], $0xF7A  }
0x26: {  	[smem:$0x3F91] =	sst s1;
	(tag) =	ssettag s2;
	_ =	strace s9  }
0x27: {  	s1 =	sld [smem:$0x3FA1]  }
0x28: {  	s2 =	sld [smem:$0x3FA2]  }
0x29: {  	s4 =	sld [smem:$0x3FA4]  }
0x2a: {  	p0 =	seq.s32 s5, $0x0;
	s5 =	sld [smem:$0x3FA5]  }
0x2b: {  	s6 =	sld [smem:$0x3FA6]  }
0x2c: {  	s7 =	sld [smem:$0x3FA7]  }
0x2d: {  	s3 =	simm.s32 $0x108;
	s8 =	sld [smem:$0x3FA8]  }
0x2e: {  	s3 =	simm.s32 @!p0 $0x1082;
	s9 =	sld [smem:$0x3FA9]  }
0x2f: {  	lr =	sadd.s32 s0, s3;
	s0 =	sld [smem:$0x3FA0]  }
0x30: {  	s3 =	sld [smem:$0x3FA3]  }
0x31: {  	[smem:$0x3FAC] =	sst s10  }
0x32: {  	s10 =	sld [smem:$0x3FAA];
	_ =	sdelay $0x3  }
0x33: {  	p0 =	seq.s32 s10, $0x1;
	s10 =	sld [smem:$0x3FAC];
	_ =	sdelay $0x3  }
0x34: {  	[smem:$0x3FAC] =	sst s10  }
0x35: {  	s10 =	sld [smem:$0x3FAB];
	_ =	sdelay $0x3  }
0x36: {  	p1 =	seq.s32 s10, $0x1;
	s10 =	sld [smem:$0x3FAC];
	_ =	sdelay $0x3  }
0x37: {  	[smem:$0x3FAC] =	sst s10  }
0x38: {  	s10 =	sld [smem:$0x3FAD]  }
0x39: {  	_ = 	snop;
	(pc) =	sbr.ind lr, $3  }
0x3a: {  	_ = 	snop  }
0x3b: {  	_ = 	snop  }
0x3c: {  	p2 =	seq.s32 s10, $0x1;
	s10 =	sld [smem:$0x3FAC]  }
0x3d: {  	_ =	shalt  }
0x3e: {  	_ =	shalt  }
0x3f: {  	_ =	shalt  }
0x40: {  	_ =	shalt  }
0x41: {  	_ =	shalt  }
0x42: {  	_ =	shalt  }
0x43: {  	_ =	shalt  }
0x44: {  	_ =	shalt  }
0x45: {  	_ =	shalt  }
0x46: {  	_ =	shalt  }
0x47: {  	_ =	shalt  }
0x48: {  	_ =	shalt  }
0x49: {  	_ =	shalt  }
0x4a: {  	_ =	shalt  }
0x4b: {  	_ =	shalt  }
0x4c: {  	_ =	shalt  }
0x4d: {  	_ =	shalt  }
0x4e: {  	_ =	shalt  }
0x4f: {  	_ =	shalt  }
0x50: {  	_ =	shalt  }
0x51: {  	_ =	shalt  }
0x52: {  	_ =	shalt  }
0x53: {  	_ =	shalt  }
0x54: {  	_ =	shalt  }
0x55: {  	_ =	shalt  }
0x56: {  	_ =	shalt  }
0x57: {  	_ =	shalt  }
0x58: {  	_ =	shalt  }
0x59: {  	_ =	shalt  }
0x5a: {  	_ =	shalt  }
0x5b: {  	_ =	shalt  }
0x5c: {  	_ =	shalt  }
0x5d: {  	_ =	shalt  }
0x5e: {  	_ =	shalt  }
0x5f: {  	_ =	shalt  }
0x60: {  	_ =	shalt  }
0x61: {  	_ =	shalt  }
0x62: {  	_ =	shalt  }
0x63: {  	_ =	shalt  }
0x64: {  	_ =	shalt  }
0x65: {  	_ =	shalt  }
0x66: {  	_ =	shalt  }
0x67: {  	_ =	shalt  }
0x68: {  	_ =	shalt  }
0x69: {  	_ =	shalt  }
0x6a: {  	_ =	shalt  }
0x6b: {  	_ =	shalt  }
0x6c: {  	_ =	shalt  }
0x6d: {  	_ =	shalt  }
0x6e: {  	_ =	shalt  }
0x6f: {  	_ =	shalt  }
0x70: {  	_ =	shalt  }
0x71: {  	_ =	shalt  }
0x72: {  	_ =	shalt  }
0x73: {  	_ =	shalt  }
0x74: {  	_ =	shalt  }
0x75: {  	_ =	shalt  }
0x76: {  	_ =	shalt  }
0x77: {  	_ =	shalt  }
0x78: {  	_ =	shalt  }
0x79: {  	_ =	shalt  }
0x7a: {  	_ =	shalt  }
0x7b: {  	_ =	shalt  }
0x7c: {  	_ =	shalt  }
0x7d: {  	_ =	shalt  }
0x7e: {  	_ =	shalt  }
0x7f: {  	_ =	shalt  }
0x80: {  	_ =	shalt  }
0x81: {  	_ =	shalt  }
0x82: {  	_ =	shalt  }
0x83: {  	_ =	shalt  }
0x84: {  	_ =	shalt  }
0x85: {  	_ =	shalt  }
0x86: {  	_ =	shalt  }
0x87: {  	_ =	shalt  }
.Lfunc_end0:
.L_simem_size_0:
called_computation.2_lowered:
.L_overlay_start_0:
0x88: {  	s2 =	sld [smem:$0x3FD9]  }
0x89: {  	s3 =	sld [smem:$0x3FFE];
	_ =	sdelay $0x1  }
0x8a: {  	s1 =	srdreg.scid  }
0x8b: {  	s0 =	sand.u32 $0x1, s1  }
0x8c: {  	s16 =	sshll.u32 s0, $0xA;
	s2 =	sadd.s32 s3, s2  }
0x8d: {  	s2 =	sadd.s32 s2, s16  }
0x8e: {  	[smem:$0x3FB8] =	sst s2  }
0x8f: {  	_ = 	snop  }
0x90: {  	(tm) =	ssettm $0x1  }
0x91: {  	s17 =	sld [smem:$0x3FFB];
	_ =	sdelay $0x3  }
0x92: {  	_ =	strace s17  }
0x93: {  	s2 =	sld [smem:$0x3FFC];
	_ =	sdelay $0x3  }
0x94: {  	_ =	strace s2  }
0x95: {  	s2 =	sld [smem:$0x3FFD];
	_ =	sdelay $0x3  }
0x96: {  	_ =	strace s2  }
0x97: {  	_ =	strace $0x8FFFFFFF  }
0x98: {  	s18 =	sld [smem:$0x3FDB];
	_ =	sdelay $0x1  }
0x99: {  	s19 =	simm.s32 $_scs_section_size  }
0x9a: {  	s4 =	simm.s32 $_size__tile_overlayer_lowered;
	s5 =	simm.s32 $_tile_overlayer_lowered  }
0x9b: {  	s22 =	simm.s32 $0x1BFF;
	s21 =	sshll.u32 s5, $0x1;
	s2 =	sadd.s32 s19, s18  }
0x9c: {  	s6 =	simm.s32 $0x0;
	s20 =	sshll.u32 s4, $0x1;
	s4 =	sadd.s32 s21, s2  }
0x9d: {  	[timem:s6], [sflag:s22] =	dma.local [hbm:s4], s20  }
0x9e: {  	_ =	swait.ge [sflag:s22], s20  }
0x9f: {  	s3 =	ssub.s32 $0x0, s20;
	[sflag:s22] =	ssyncset.done $0x0  }
0xa0: {  	[sflag:s22] =	ssyncadd.s32 s3;
	_ =	sdelay $0x1  }
0xa1: {  	s23 =	simm.s32 $0x1B8B  }
0xa2: {  	_ =	swait.ge [sflag:s23], $0x1  }
0xa3: {  	[sflag:s23] =	ssyncset.done $0x0  }
0xa4: {  	s25 =	simm.s32 $0x1B8E;
	s24 =	sld [smem:$0x3FFE];
	[sflag:s23] =	ssyncadd.s32 $0xFFFFFFFF  }
0xa5: {  	s26 =	simm.s32 $execute0_lowered;
	[smem:$0x3FD2] =	sst s25  }
0xa6: {  	s4 =	sshll.u32 s26, $0x1;
	_ =	strace $0x8000004F;
	[dreg:$0x1] =	wrdreg $0xFFFFFFFF  }
0xa7: {  	s28 =	simm.s32 $_size_execute0_lowered;
	s2 =	sadd.s32 s2, s4;
	[dreg:$0x0] =	wrdreg $0x0  }
0xa8: {  	s4 =	sshll.u32 s28, $0x1;
	[dreg:$0x2] =	wrdreg s2  }
0xa9: {  	[dreg:$0x3] =	wrdreg s4  }
0xaa: {  	[dreg:$0x4] =	wrdreg $0xC0  }
0xab: {  	_ =	task [dreg:s6], $0x5FFFF  }
0xac: {  	[dreg:$0x1] =	wrdreg $0xFFFFFFFF  }
0xad: {  	[dreg:$0x0] =	wrdreg $0x60  }
0xae: {  	[dreg:$0x2] =	wrdreg s24  }
0xaf: {  	[dreg:$0x3] =	wrdreg $0xF0000  }
0xb0: {  	[dreg:$0x4] =	wrdreg $0x9  }
0xb1: {  	_ =	task.clear_ibuf [dreg:s6], $0x5FFFF;
	_ =	strace $0x9000004F  }
0xb2: {  	s29 =	simm.s32 $0x9;
	_ =	strace $0x80000051  }
0xb3: {  	_ =	swait.ge [sflag:s29], $0x1  }
0xb4: {  	[sflag:s29] =	ssyncadd.s32 $0xFFFFFFFF  }
0xb5: {  	_ =	strace $0x90000051  }
0xb6: {  	_ =	sfence  }
0xb7: {  	s30 =	sld [smem:$0x0];
	_ =	sdelay $0x2  }
0xb8: {  	s31 =	sshll.u32 s1, $0xD;
	s1 =	sshrl.u32 s1, $0x2  }
0xb9: {  	s3 =	sand.u32 $0x4000, s31;
	s1 =	sadd.s32 s1, s30  }
0xba: {  	s0 =	sor.u32 s3, s0;
	s1 =	sshll.u32 s1, $0x11  }
0xbb: {  	s0 =	sor.u32 s1, s0  }
0xbc: {  	s0 =	sadd.s32 $0x8F2B, s0  }
0xbd: {  	[sflag:s0] =	ssyncadd.remote.s32 $0x1  }
0xbe: {  	_ =	sfence.sel $0xFFFF  }
0xbf: {  	[dreg:$0x0] =	wrdreg $0xFFFFFFFF;
	(pc) =	sbr.abs _section_cstart, $3  }
0xc0: {  	[dreg:$0x1] =	wrdreg $0xFFFFFFFF  }
0xc1: {  	_ =	task.clear_ibuf [dreg:s6], $0x2FFFF;
	_ =	strace $0x9FFFFFFF  }
0xc2: {  	(tm) =	ssettm $0x7FFFFFFF  }
0xc3: {  	_ =	shalt  }
tec
execute0_lowered:
.L_overlay_start_1:
0x0: {  	(tag) =	ssettag $0x1  }
0x1: {  	s0 =	rddreg [dreg:$0x0]  }
0x2: {  	s2 =	rddreg [dreg:$0x1]  }
0x3: {  	s1 =	srdreg.scid;
	s11 =	stileid.u32  }
0x4: {  	s3 =	simm.s32 $0x0;
	s15 =	simm.s32 $0xD000;
	s16 =	simm.s32 $0x9  }
0x5: {  	s17 =	simm.s32 $0x5000;
	s18 =	simm.s32 $0x7000;
	s19 =	simm.s32 $0x1  }
0x6: {  	s20 =	simm.s32 $0x80;
	s21 =	simm.s32 $0xB000;
	s7 =	smul.u32 $0x9C40, s11  }
0x7: {  	s28 =	simm.s32 $0x7;
	s29 =	simm.s32 $0x8;
	s8 =	smul.u32 $0x27200, s11  }
0x8: {  	s1 =	sand.u32 $0x1, s1;
	s4 =	sshll.u32 s11, $0x1;
	s13 =	smul.u32 $0x280000, s11  }
0x9: {  	[smem:$0x7FF] =	sst s3;
	s9 =	sadd.s32 $0x313400, s0;
	s5 =	smul.u32 $0x9C400, s1  }
0xa: {  	s6 =	sor.u32 s1, s4;
	s23 =	ssub.s32 $0x2, s1;
	s1 =	smul.u32 $0x140000, s1  }
0xb: {  	s30 =	simm.s32 $0x0;
	_ =	strace $0x80000050;
	s4 =	smul.u32 $0xA00, s6  }
0xc: {  	s24 =	sshrl.u32 s23, $0x1;
	s8 =	sshrl.u32 s8, $0x2;
	s6 =	smul.u32 $0x28000, s6  }
0xd: {  	s12 =	sadd.s32 s7, s2;
	s5 =	sadd.s32 s7, s5;
	s1 =	sadd.s32 s1, s13  }
0xe: {  	s10 =	sadd.s32 s4, s0;
	s4 =	sadd.s32 s8, s2;
	s6 =	sadd.s32 s9, s6  }
0xf: {  	s22 =	sshrl.u32 s5, $0x3;
	s8 =	sadd.s32 $0x2000, s4;
	[dreg:$0xa] =	wrdreg s6  }
0x10: {  	s5 =	ssub.s32 s23, s24;
	s25 =	sadd.s32 $0x4000, s4;
	[dreg:$0x7] =	wrdreg s8  }
0x11: {  	s23 =	sor.u32 $0xA000, s1;
	s26 =	sadd.s32 $0x6000, s4;
	[dreg:$0x8] =	wrdreg s25  }
0x12: {  	s24 =	sor.u32 $0x8000, s1;
	s31 =	sadd.s32 $0x8000, s4;
	[dreg:$0x9] =	wrdreg s26  }
0x13: {  	s0 =	sadd.s32 s22, s0;
	s11 =	sadd.s32 $0x69800, s10;
	[dreg:$0xb] =	wrdreg s31  }
0x14: {  	s6 =	sadd.s32 $0x400, s6;
	s5 =	smax.u32 s5, $0x1;
	[dreg:$0xc] =	wrdreg s11  }
0x15: {  	s22 =	simm.s32 $0x2;
	[dreg:$0xd] =	wrdreg s6;
	s0 =	sadd.s32 $0x19200, s0  }
0x16: {  	[dreg:$0xf] =	wrdreg s5;
	s5 =	sshrl.u32 s23, $0x3;
	s6 =	sshrl.u32 s24, $0x3  }
0x17: {  	s25 =	sor.u32 $0x6000, s1;
	s1 =	sor.u32 $0x4000, s1;
	s31 =	simm.s32 $0x9000  }
0x18: {  	s23 =	simm.s32 $0x4;
	s24 =	simm.s32 $0x5;
	[dreg:$0xe] =	wrdreg s0  }
0x19: {  	s6 =	sadd.s32 s6, s9;
	s7 =	sshrl.u32 s25, $0x3;
	[dreg:$0x4] =	wrdreg s31  }
0x1a: {  	s1 =	sshrl.u32 s1, $0x3;
	[dreg:$0x6] =	wrdreg s6;
	s26 =	sadd.s32 s7, s9  }
0x1b: {  	s14 =	sadd.s32 s5, s9;
	s1 =	sadd.s32 s1, s9;
	[dreg:$0x5] =	wrdreg s26  }
0x1c: {  	v0 =	vimm.f32 $0.0e+00;
	s25 =	sshrl.u32 s12, $0x3;
	[dreg:$0x3] =	wrdreg s1;
	s26 =	simm.s32 $0x6  }
.LBB2_1:
0x1d: {  	s1 =	simm.s32 $0x100;
	s0 =	simm.s32 $0x0  }
.LBB2_2:
0x1e: {  	p0 =	sne.s32 s1, $0x7F00;
	[tilespmem:s0+$0xD030] =	vst v0;
	s5 =	smov.u32 s1;
	s1 =	sadd.s32 $0x100, s1  }
.Ltmp0:
0x1f: {  	[tilespmem:s0+$0xD020] =	vst v0;
	(pc) =	sbr.rel @p0 .LBB2_2-.Ltmp0, $3  }
0x20: {  	[tilespmem:s0+$0xD000] =	vst v0  }
0x21: {  	[tilespmem:s0+$0xD010] =	vst v0;
	_ =	sdelay $0x1  }
0x22: {  	s0 =	sshra.s32 s5, $0x2  }
0x23: {  	[tilespmem:s0+$0xD030] =	vst v0  }
0x24: {  	[tilespmem:s0+$0xD020] =	vst v0  }
0x25: {  	[tilespmem:s0+$0xD000] =	vst v0  }
0x26: {  	[tilespmem:s0+$0xD010] =	vst v0  }
0x27: {  	[spmem:s4] =	stream.linear.scatter [tilespmem:s15], [sflag:$0x9], $0x2000, $0x38;
	[tilespmem:$0x18C80] =	vst v63  }
0x28: {  	_ =	swait.ge [sflag:s16], $0x2000  }
0x29: {  	[sflag:s16] =	ssyncset.done $0x0  }
0x2a: {  	s1 =	rddreg [dreg:$0x7];
	[sflag:s16] =	ssyncadd.s32 $0xFFFFE000  }
0x2b: {  	[spmem:s1] =	stream.linear.scatter [tilespmem:s15], [sflag:$0x9], $0x2000, $0x38;
	[tilespmem:$0x18C80] =	vst v63  }
0x2c: {  	_ =	swait.ge [sflag:s16], $0x2000  }
0x2d: {  	[sflag:s16] =	ssyncset.done $0x0  }
0x2e: {  	s5 =	rddreg [dreg:$0x8];
	[sflag:s16] =	ssyncadd.s32 $0xFFFFE000  }
0x2f: {  	[spmem:s5] =	stream.linear.scatter [tilespmem:s15], [sflag:$0x9], $0x2000, $0x38;
	[tilespmem:$0x18C80] =	vst v63  }
0x30: {  	_ =	swait.ge [sflag:s16], $0x2000  }
0x31: {  	[sflag:s16] =	ssyncset.done $0x0  }
0x32: {  	s6 =	rddreg [dreg:$0x9];
	[sflag:s16] =	ssyncadd.s32 $0xFFFFE000  }
0x33: {  	[spmem:s6] =	stream.linear.scatter [tilespmem:s15], [sflag:$0x9], $0x2000, $0x38;
	[tilespmem:$0x18C80] =	vst v63  }
0x34: {  	_ =	swait.ge [sflag:s16], $0x2000  }
0x35: {  	[sflag:s16] =	ssyncset.done $0x0  }
0x36: {  	s7 =	rddreg [dreg:$0xb];
	[sflag:s16] =	ssyncadd.s32 $0xFFFFE000  }
0x37: {  	[spmem:s7] =	stream.linear.scatter [tilespmem:s15], [sflag:$0x9], $0x1C80, $0x38;
	[tilespmem:$0x18C80] =	vst v63  }
0x38: {  	_ =	swait.ge [sflag:s16], $0x1C80  }
0x39: {  	[sflag:s16] =	ssyncset.done $0x0  }
0x3a: {  	[sflag:s16] =	ssyncadd.s32 $0xFFFFE380  }
0x3b: {  	[bflag:$0x0] =	sbarrier.arrive $0xFFFF  }
0x3c: {  	s8 =	simm.s32 $0x0;
	s1 =	rddreg [dreg:$0xc]  }
0x3d: {  	[tilespmem:s8], [sflag:$0x9] =	stream.linear.gather [hbm4b:s1+s8], $0x5000, $0x38;
	[tilespmem:$0x18C80] =	vst v63  }
0x3e: {  	_ =	swait.ge [sflag:s16], $0x5000  }
0x3f: {  	[sflag:s16] =	ssyncset.done $0x0  }
0x40: {  	p0 =	por $0x1, $0x1;
	s9 =	rddreg [dreg:$0xa];
	[sflag:s16] =	ssyncadd.s32 $0xFFFFB000  }
0x41: {  	[tilespmem:s17], [sflag:$0x1] =	stream.linear.gather [hbm4b:s9+s8], $0x2000, $0x38;
	[tilespmem:$0x18C80] =	vst v63  }
0x42: {  	s1 =	simm.s32 @!p0 $0x7;
	s10 =	rddreg [dreg:$0xd]  }
0x43: {  	[tilespmem:s18], [sflag:$0x2] =	stream.linear.gather [hbm4b:s10+s8], $0x2000, $0x38;
	[tilespmem:$0x18C80] =	vst v63  }
0x44: {  	_ =	swait.ge @!p0 [sflag:s1], $0x2000  }
0x45: {  	s5 =	rddreg [dreg:$0x3];
	[sflag:s1] =	ssyncset.done @!p0 $0x0  }
0x46: {  	s6 =	rddreg [dreg:$0x4];
	[sflag:s1] =	ssyncadd.s32 @!p0 $0xFFFFE000;
	s11 =	sadd.s32 $0x0, s5  }
0x47: {  	[tilespmem:s6], [sflag:$0x3] =	stream.linear.gather [hbm4b:s11+s3], $0x2000, $0x38;
	[tilespmem:$0x18C80] =	vst v63  }
0x48: {  	_ =	swait.ge [sflag:s19], $0x2000  }
0x49: {  	[sflag:s19] =	ssyncset.done $0x0  }
0x4a: {  	s1 =	simm.s32 @!p0 $0x8;
	[sflag:s19] =	ssyncadd.s32 $0xFFFFE000  }
0x4b: {  	[spmem:s2] =	stream.indirect.scatter.add.f32 [tilespmem:s17], [sflag:$0x5], $0x40, s8, s20, $0xb8;
	[tilespmem:$0x18C80] =	vst v63  }
0x4c: {  	_ =	swait.ge @!p0 [sflag:s1], $0x2000  }
0x4d: {  	s12 =	rddreg [dreg:$0x5];
	[sflag:s1] =	ssyncset.done @!p0 $0x0  }
0x4e: {  	[sflag:s1] =	ssyncadd.s32 @!p0 $0xFFFFE000;
	s0 =	sadd.s32 $0x0, s12  }
0x4f: {  	[tilespmem:s21], [sflag:$0x4] =	stream.linear.gather [hbm4b:s0+s3], $0x2000, $0x38;
	[tilespmem:$0x18C80] =	vst v63  }
0x50: {  	_ =	swait.ge [sflag:s22], $0x2000  }
0x51: {  	p0 =	por $0x0, $0x0;
	[sflag:s22] =	ssyncset.done $0x0  }
0x52: {  	s13 =	simm.s32 $0x80;
	s1 =	simm.s32 @p0 $0x3;
	[sflag:s22] =	ssyncadd.s32 $0xFFFFE000  }
0x53: {  	[spmem:s2] =	stream.indirect.scatter.add.f32 [tilespmem:s18], [sflag:$0x6], $0x40, s13, s20, $0xb8;
	[tilespmem:$0x18C80] =	vst v63  }
0x54: {  	_ =	swait.ge @p0 [sflag:s1], $0x2000  }
0x55: {  	s0 =	simm.s32 @p0 $0x9000;
	s5 =	simm.s32 @p0 $0x80;
	[sflag:s1] =	ssyncset.done @p0 $0x0  }
0x56: {  	s6 =	simm.s32 @p0 $0x4F00;
	[sflag:s1] =	ssyncadd.s32 @p0 $0xFFFFE000;
	s1 =	simm.s32 @!p0 $0x5  }
0x57: {  	[spmem:s2] =	stream.indirect.scatter.add.f32 @p0 [tilespmem:s0], [sflag:$0x7], $0x40, s6, s5, $0xb8;
	[tilespmem:$0x18C80] =	vst v63  }
0x58: {  	s5 =	simm.s32 @!p0 $0x5000;
	_ =	swait.ge @!p0 [sflag:s1], $0x2000  }
0x59: {  	s6 =	simm.s32 @!p0 $0x3;
	s0 =	rddreg [dreg:$0x6];
	[sflag:s1] =	ssyncset.done @!p0 $0x0  }
0x5a: {  	[sflag:s1] =	ssyncadd.s32 @!p0 $0xFFFFE000;
	s1 =	simm.s32 @!p0 $0x0;
	s0 =	sadd.s32 @!p0 $0x0, s0  }
0x5b: {  	[tilespmem:s5], [sflag:$0x1] =	stream.linear.gather @!p0 [hbm4b:s0+s1], $0x2000, $0x38;
	[tilespmem:$0x18C80] =	vst v63  }
0x5c: {  	s31 =	simm.s32 $0x380;
	_ =	swait.ge @!p0 [sflag:s6], $0x2000  }
0x5d: {  	s7 =	simm.s32 @!p0 $0x80;
	s0 =	simm.s32 @!p0 $0x9000;
	[sflag:s6] =	ssyncset.done @!p0 $0x0  }
0x5e: {  	s5 =	simm.s32 @!p0 $0x100;
	[sflag:s6] =	ssyncadd.s32 @!p0 $0xFFFFE000;
	s6 =	simm.s32 @!p0 $0x6  }
0x5f: {  	[spmem:s2] =	stream.indirect.scatter.add.f32 @!p0 [tilespmem:s0], [sflag:$0x7], $0x40, s5, s7, $0xb8;
	[tilespmem:$0x18C80] =	vst v63  }
0x60: {  	p1 =	por $0x0, $0x0;
	s9 =	simm.s32 @!p0 $0x7000;
	_ =	swait.ge @!p0 [sflag:s6], $0x2000  }
0x61: {  	s0 =	simm.s32 $0x1000;
	s5 =	simm.s32 $0x180;
	[sflag:s6] =	ssyncset.done @!p0 $0x0  }
0x62: {  	s7 =	sadd.s32 @!p0 $0x0, s14;
	[sflag:s6] =	ssyncadd.s32 @!p0 $0xFFFFE000;
	s6 =	simm.s32 $0x2000  }
0x63: {  	[tilespmem:s9], [sflag:$0x2] =	stream.linear.gather @!p0 [hbm4b:s7+s1], $0x2000, $0x38;
	[tilespmem:$0x18C80] =	vst v63  }
0x64: {  	s1 =	simm.s32 $0x200;
	s7 =	simm.s32 $0x400;
	_ =	swait.ge [sflag:s23], $0x2000  }
.LBB2_4:
0x65: {  	[sflag:s23] =	ssyncset.done $0x0  }
0x66: {  	s10 =	simm.s32 @!p1 $0x7;
	[sflag:s23] =	ssyncadd.s32 $0xFFFFE000  }
0x67: {  	[spmem:s2] =	stream.indirect.scatter.add.f32 [tilespmem:s21], [sflag:$0x8], $0x40, s5, s20, $0xb8;
	[tilespmem:$0x18C80] =	vst v63  }
0x68: {  	s11 =	sadd.s32 $0x180, s7;
	s5 =	smov.u32 s31;
	_ =	swait.ge @!p1 [sflag:s10], $0x2000  }
0x69: {  	s31 =	smov.u32 s11;
	[sflag:s10] =	ssyncset.done @!p1 $0x0;
	s12 =	rddreg [dreg:$0x3]  }
0x6a: {  	s13 =	rddreg [dreg:$0x4];
	[sflag:s10] =	ssyncadd.s32 @!p1 $0xFFFFE000;
	s11 =	sadd.s32 s0, s12  }
0x6b: {  	[tilespmem:s13], [sflag:$0x3] =	stream.linear.gather [hbm4b:s11+s3], $0x2000, $0x38;
	[tilespmem:$0x18C80] =	vst v63  }
0x6c: {  	_ =	swait.ge [sflag:s19], $0x2000  }
0x6d: {  	[sflag:s19] =	ssyncset.done $0x0  }
0x6e: {  	s10 =	simm.s32 @!p1 $0x8;
	[sflag:s19] =	ssyncadd.s32 $0xFFFFE000  }
0x6f: {  	[spmem:s2] =	stream.indirect.scatter.add.f32 [tilespmem:s17], [sflag:$0x5], $0x40, s1, s20, $0xb8;
	[tilespmem:$0x18C80] =	vst v63  }
0x70: {  	_ =	swait.ge @!p1 [sflag:s10], $0x2000  }
0x71: {  	[sflag:s10] =	ssyncset.done @!p1 $0x0;
	s8 =	rddreg [dreg:$0x5]  }
0x72: {  	[sflag:s10] =	ssyncadd.s32 @!p1 $0xFFFFE000;
	s12 =	sadd.s32 s0, s8  }
0x73: {  	[tilespmem:s21], [sflag:$0x4] =	stream.linear.gather [hbm4b:s12+s3], $0x2000, $0x38;
	[tilespmem:$0x18C80] =	vst v63  }
0x74: {  	_ =	swait.ge [sflag:s22], $0x2000  }
0x75: {  	p1 =	seq.s32 s0, $0x27000;
	[sflag:s22] =	ssyncset.done $0x0  }
0x76: {  	s13 =	sadd.s32 $0x80, s1;
	s11 =	simm.s32 @p1 $0x3;
	[sflag:s22] =	ssyncadd.s32 $0xFFFFE000  }
0x77: {  	[spmem:s2] =	stream.indirect.scatter.add.f32 [tilespmem:s18], [sflag:$0x6], $0x40, s13, s20, $0xb8;
	[tilespmem:$0x18C80] =	vst v63  }
0x78: {  	s9 =	smov.u32 s6;
	_ =	swait.ge @p1 [sflag:s11], $0x2000  }
0x79: {  	s10 =	simm.s32 @p1 $0x9000;
	s12 =	simm.s32 @p1 $0x80;
	[sflag:s11] =	ssyncset.done @p1 $0x0  }
0x7a: {  	s13 =	simm.s32 @p1 $0x4F00;
	[sflag:s11] =	ssyncadd.s32 @p1 $0xFFFFE000;
	s11 =	simm.s32 @!p1 $0x5  }
0x7b: {  	[spmem:s2] =	stream.indirect.scatter.add.f32 @p1 [tilespmem:s10], [sflag:$0x7], $0x40, s13, s12, $0xb8;
	[tilespmem:$0x18C80] =	vst v63  }
0x7c: {  	s6 =	sadd.s32 $0x1000, s6;
	s12 =	simm.s32 @!p1 $0x5000;
	_ =	swait.ge @!p1 [sflag:s11], $0x2000  }
0x7d: {  	s13 =	simm.s32 @!p1 $0x3;
	[sflag:s11] =	ssyncset.done @!p1 $0x0;
	s10 =	rddreg [dreg:$0x6]  }
0x7e: {  	[sflag:s11] =	ssyncadd.s32 @!p1 $0xFFFFE000;
	s11 =	simm.s32 @!p1 $0x0;
	s10 =	sadd.s32 @!p1 s0, s10  }
0x7f: {  	[tilespmem:s12], [sflag:$0x1] =	stream.linear.gather @!p1 [hbm4b:s10+s11], $0x2000, $0x38;
	[tilespmem:$0x18C80] =	vst v63  }
0x80: {  	p0 =	sne.s32 s6, $0x28000;
	_ =	swait.ge @!p1 [sflag:s13], $0x2000  }
0x81: {  	s8 =	simm.s32 @!p1 $0x80;
	s10 =	simm.s32 @!p1 $0x9000;
	[sflag:s13] =	ssyncset.done @!p1 $0x0  }
0x82: {  	s12 =	sadd.s32 @!p1 $0x100, s1;
	[sflag:s13] =	ssyncadd.s32 @!p1 $0xFFFFE000;
	s13 =	simm.s32 @!p1 $0x6  }
0x83: {  	[spmem:s2] =	stream.indirect.scatter.add.f32 @!p1 [tilespmem:s10], [sflag:$0x7], $0x40, s12, s8, $0xb8;
	[tilespmem:$0x18C80] =	vst v63  }
.Ltmp1:
0x84: {  	_ =	swait.ge @!p1 [sflag:s13], $0x2000;
	(pc) =	sbr.rel @p0 .LBB2_4-.Ltmp1, $4  }
0x85: {  	s1 =	smov.u32 s7;
	s8 =	sadd.s32 @!p1 s0, s14;
	[sflag:s13] =	ssyncset.done @!p1 $0x0  }
0x86: {  	s10 =	simm.s32 @!p1 $0x7000;
	s0 =	smov.u32 s9;
	[sflag:s13] =	ssyncadd.s32 @!p1 $0xFFFFE000  }
0x87: {  	[tilespmem:s10], [sflag:$0x2] =	stream.linear.gather @!p1 [hbm4b:s8+s11], $0x2000, $0x38;
	[tilespmem:$0x18C80] =	vst v63  }
0x88: {  	s7 =	sadd.s32 $0x200, s7;
	p1 =	seq.s32 s0, $0x0;
	_ =	swait.ge [sflag:s23], $0x2000  }
0x89: {  	[sflag:s23] =	ssyncset.done $0x0  }
0x8a: {  	s6 =	simm.s32 @!p1 $0x7;
	[sflag:s23] =	ssyncadd.s32 $0xFFFFE000  }
0x8b: {  	[spmem:s2] =	stream.indirect.scatter.add.f32 [tilespmem:s21], [sflag:$0x8], $0x40, s5, s20, $0xb8;
	[tilespmem:$0x18C80] =	vst v63  }
0x8c: {  	_ =	swait.ge @!p1 [sflag:s6], $0x2000  }
0x8d: {  	s8 =	rddreg [dreg:$0x3];
	[sflag:s6] =	ssyncset.done @!p1 $0x0  }
0x8e: {  	s7 =	rddreg [dreg:$0x4];
	[sflag:s6] =	ssyncadd.s32 @!p1 $0xFFFFE000;
	s5 =	sadd.s32 s0, s8  }
0x8f: {  	[tilespmem:s7], [sflag:$0x3] =	stream.linear.gather [hbm4b:s5+s3], $0x2000, $0x38;
	[tilespmem:$0x18C80] =	vst v63  }
0x90: {  	_ =	swait.ge [sflag:s19], $0x2000  }
0x91: {  	[sflag:s19] =	ssyncset.done $0x0  }
0x92: {  	s5 =	simm.s32 @!p1 $0x8;
	[sflag:s19] =	ssyncadd.s32 $0xFFFFE000  }
0x93: {  	[spmem:s2] =	stream.indirect.scatter.add.f32 [tilespmem:s17], [sflag:$0x5], $0x40, s1, s20, $0xb8;
	[tilespmem:$0x18C80] =	vst v63  }
0x94: {  	_ =	swait.ge @!p1 [sflag:s5], $0x2000  }
0x95: {  	s9 =	rddreg [dreg:$0x5];
	[sflag:s5] =	ssyncset.done @!p1 $0x0  }
0x96: {  	[sflag:s5] =	ssyncadd.s32 @!p1 $0xFFFFE000;
	s10 =	sadd.s32 s0, s9  }
0x97: {  	[tilespmem:s21], [sflag:$0x4] =	stream.linear.gather [hbm4b:s10+s3], $0x2000, $0x38;
	[tilespmem:$0x18C80] =	vst v63  }
0x98: {  	_ =	swait.ge [sflag:s22], $0x2000  }
0x99: {  	p0 =	seq.s32 s0, $0x27000;
	[sflag:s22] =	ssyncset.done $0x0  }
0x9a: {  	s11 =	sadd.s32 $0x80, s1;
	s6 =	simm.s32 @p0 $0x3;
	[sflag:s22] =	ssyncadd.s32 $0xFFFFE000  }
0x9b: {  	[spmem:s2] =	stream.indirect.scatter.add.f32 [tilespmem:s18], [sflag:$0x6], $0x40, s11, s20, $0xb8;
	[tilespmem:$0x18C80] =	vst v63  }
0x9c: {  	_ =	swait.ge @p0 [sflag:s6], $0x2000  }
0x9d: {  	s7 =	simm.s32 @p0 $0x80;
	[sflag:s6] =	ssyncset.done @p0 $0x0  }
0x9e: {  	s5 =	simm.s32 @p0 $0x9000;
	[sflag:s6] =	ssyncadd.s32 @p0 $0xFFFFE000;
	s6 =	simm.s32 @p0 $0x4F00  }
0x9f: {  	[spmem:s2] =	stream.indirect.scatter.add.f32 @p0 [tilespmem:s5], [sflag:$0x7], $0x40, s6, s7, $0xb8;
	[tilespmem:$0x18C80] =	vst v63  }
0xa0: {  	s5 =	simm.s32 @!p0 $0x5  }
0xa1: {  	_ =	swait.ge @!p0 [sflag:s5], $0x2000  }
0xa2: {  	s7 =	simm.s32 @!p0 $0x5000;
	s6 =	rddreg [dreg:$0x6];
	[sflag:s5] =	ssyncset.done @!p0 $0x0  }
0xa3: {  	[sflag:s5] =	ssyncadd.s32 @!p0 $0xFFFFE000;
	s5 =	simm.s32 @!p0 $0x0;
	s6 =	sadd.s32 @!p0 s0, s6  }
0xa4: {  	[tilespmem:s7], [sflag:$0x1] =	stream.linear.gather @!p0 [hbm4b:s6+s5], $0x2000, $0x38;
	[tilespmem:$0x18C80] =	vst v63  }
0xa5: {  	s6 =	simm.s32 @!p0 $0x3  }
0xa6: {  	_ =	swait.ge @!p0 [sflag:s6], $0x2000  }
0xa7: {  	s1 =	sadd.s32 @!p0 $0x100, s1;
	[sflag:s6] =	ssyncset.done @!p0 $0x0  }
0xa8: {  	s7 =	simm.s32 @!p0 $0x9000;
	[sflag:s6] =	ssyncadd.s32 @!p0 $0xFFFFE000;
	s6 =	simm.s32 @!p0 $0x80  }
0xa9: {  	[spmem:s2] =	stream.indirect.scatter.add.f32 @!p0 [tilespmem:s7], [sflag:$0x7], $0x40, s1, s6, $0xb8;
	[tilespmem:$0x18C80] =	vst v63  }
0xaa: {  	s1 =	simm.s32 @!p0 $0x6  }
0xab: {  	_ =	swait.ge @!p0 [sflag:s1], $0x2000  }
0xac: {  	[sflag:s1] =	ssyncset.done @!p0 $0x0  }
0xad: {  	s0 =	sadd.s32 @!p0 s0, s14;
	[sflag:s1] =	ssyncadd.s32 @!p0 $0xFFFFE000;
	s1 =	simm.s32 @!p0 $0x7000  }
0xae: {  	[tilespmem:s1], [sflag:$0x2] =	stream.linear.gather @!p0 [hbm4b:s0+s5], $0x2000, $0x38;
	[tilespmem:$0x18C80] =	vst v63  }
0xaf: {  	_ =	swait.ge [sflag:s23], $0x2000  }
0xb0: {  	[sflag:s23] =	ssyncset.done $0x0  }
0xb1: {  	[sflag:s23] =	ssyncadd.s32 $0xFFFFE000  }
0xb2: {  	[spmem:s2] =	stream.indirect.scatter.add.f32 [tilespmem:s21], [sflag:$0x8], $0x40, s31, s20, $0xb8;
	[tilespmem:$0x18C80] =	vst v63  }
0xb3: {  	_ =	swait.ge [sflag:s24], $0x2000  }
0xb4: {  	[sflag:s24] =	ssyncset.done $0x0  }
0xb5: {  	[sflag:s24] =	ssyncadd.s32 $0xFFFFE000  }
0xb6: {  	_ =	swait.ge [sflag:s26], $0x2000  }
0xb7: {  	[sflag:s26] =	ssyncset.done $0x0  }
0xb8: {  	[sflag:s26] =	ssyncadd.s32 $0xFFFFE000  }
0xb9: {  	_ =	swait.ge [sflag:s28], $0x2000  }
0xba: {  	[sflag:s28] =	ssyncset.done $0x0  }
0xbb: {  	[sflag:s28] =	ssyncadd.s32 $0xFFFFE000  }
0xbc: {  	_ =	swait.ge [sflag:s29], $0x2000  }
0xbd: {  	[sflag:s29] =	ssyncset.done $0x0  }
0xbe: {  	s12 =	stileid.u32;
	[sflag:s29] =	ssyncadd.s32 $0xFFFFE000  }
0xbf: {  	s0 =	sshll.u32 s12, $0x6;
	[bflag:$0x0] =	sbarrier.arrive $0xFFFF  }
0xc0: {  	s0 =	sor.u32 $0x1C09, s0;
	s13 =	rddreg [dreg:$0xe]  }
0xc1: {  	[hbm:s13], [sflag:s0] =	dma.local [spmem:s25], $0x1388  }
0xc2: {  	_ =	swait.ge [sflag:s16], $0x1388  }
0xc3: {  	s30 =	sadd.s32 $0x1, s30;
	s31 =	rddreg [dreg:$0xf]  }
0xc4: {  	p0 =	sne.s32 s30, s31  }
.Ltmp2:
0xc5: {  	_ = 	snop;
	(pc) =	sbr.rel @p0 .LBB2_1-.Ltmp2, $3  }
0xc6: {  	_ =	sdelay $0x1  }
0xc7: {  	[sflag:s16] =	ssyncset.done $0x0  }
0xc8: {  	[sflag:s16] =	ssyncadd.s32 $0xFFFFEC78  }
0xc9: {  	_ =	sfence.sel $0x180000  }
0xca: {  	[bflag:$0x0] =	sbarrier.arrive $0xFFFF  }
0xcb: {  	_ =	strace $0x90000050  }
0xcc: {  	s0 =	stileid.u32;
	[bflag:$0x2] =	sbarrier.arrive $0xFFFF  }
0xcd: {  	p0 =	sne.s32 s0, $0x0;
	s0 =	rddreg [dreg:$0x2]  }
0xce: {  	s0 =	sadd.s32 @!p0 $0x100000, s0  }
0xcf: {  	[sflag:s0] =	ssyncadd.tile.s32 @!p0 $0x1;
	_ =	shalt  }
.Lfunc_end2:
_tile_overlayer_lowered:
.L_overlay_start_2:
0xd0: {  	(tag) =	ssettag $0x2  }
0xd1: {  	s0 =	rddreg [dreg:$0x0];
	s2 =	stileid.u32  }
0xd2: {  	s1 =	rddreg [dreg:$0x1];
	p0 =	sne.s32 s2, $0x0  }
0xd3: {  	s3 =	rddreg [dreg:$0x2];
	[bflag:$0x3] =	sbarrier.arrive $0xFFFF;
	s2 =	simm.s32 @!p0 $0x1C09  }
0xd4: {  	[timem:s3], [sflag:s2] =	dma.local @!p0 [hbm:s0], s1  }
0xd5: {  	s0 =	simm.s32 @!p0 $0x9  }
0xd6: {  	_ =	swait.ge @!p0 [sflag:s0], s1  }
0xd7: {  	s1 =	ssub.s32 @!p0 $0x0, s1;
	[sflag:s0] =	ssyncset.done @!p0 $0x0  }
0xd8: {  	[sflag:s0] =	ssyncadd.s32 @!p0 s1  }
0xd9: {  	[bflag:$0x3] =	sbarrier.arrive $0xFFFF  }
0xda: {  	_ =	shalt  }

// kernel: gather_offload_async_start
scs
__scs_entry_jumppad:
0x0: {  	(pc) =	sbr.rel $0x88, $3  }
0x1: {  	(tag) =	ssettag $0x0;
	lr =	simm.s32 $0x1  }
0x2: {  	[smem:$0x3F91] =	sst lr;
	_ =	strace $0xD0000000  }
0x3: {  	_ = 	snop  }
0x4: {  	_ = 	snop  }
0x5: {  	_ = 	snop  }
0x6: {  	_ = 	snop  }
0x7: {  	_ = 	snop  }
__scs_overlays_trampoline_lowered:
0x8: {  	[smem:$0x3FA0] =	sst s0  }
0x9: {  	[smem:$0x3FA1] =	sst s1  }
0xa: {  	[smem:$0x3FA2] =	sst s2  }
0xb: {  	[smem:$0x3FA3] =	sst s3  }
0xc: {  	[smem:$0x3FA4] =	sst s4  }
0xd: {  	[smem:$0x3FA5] =	sst s5  }
0xe: {  	[smem:$0x3FA6] =	sst s6  }
0xf: {  	[smem:$0x3FA7] =	sst s7  }
0x10: {  	[smem:$0x3FA8] =	sst s8  }
0x11: {  	[smem:$0x3FA9] =	sst s9;
	s0 =	simm.s32 @!p0 $0x0  }
0x12: {  	s1 =	sld [smem:$0x3F8F];
	s0 =	simm.s32 @p0 $0x1  }
0x13: {  	[smem:$0x3FAA] =	sst s0;
	s0 =	simm.s32 @!p1 $0x0  }
0x14: {  	s2 =	sld [smem:$0x3F8E];
	s0 =	simm.s32 @p1 $0x1  }
0x15: {  	[smem:$0x3FAB] =	sst s0;
	s0 =	simm.s32 @!p2 $0x0  }
0x16: {  	s3 =	sld [smem:$0x3FDB];
	s0 =	simm.s32 @p2 $0x1  }
0x17: {  	s4 =	simm.s32 $0x1BF5;
	[smem:$0x3FAD] =	sst s0  }
0x18: {  	s0 =	sld [smem:$0x3F90];
	_ =	swait.ge [sflag:s4], $0x0  }
0x19: {  	s7 =	sld [smem:$0x3F91]  }
0x1a: {  	s8 =	sadd.s32 $0xFFFFE003, lr  }
0x1b: {  	s9 =	sadd.s32 $0xFFFFFEF7, lr;
	s5 =	simm.s32 $0xFFFFFFFF;
	p2 =	slt.u32 s8, $0xFFFFF086  }
0x1c: {  	p1 =	slt.u32 s9, $0xF7A;
	s5 =	simm.s32 @!p2 $0x0  }
0x1d: {  	s5 =	simm.s32 @p1 $0x1;
	p0 =	seq.s32 s7, s2  }
0x1e: {  	s7 =	smul.u32 @!p0 $0xF7A, s2;
	p2 =	seq.s32 @!p0 s5, $0x0  }
0x1f: {  	s9 =	smul.u32 $0xF7A, s1;
	s8 =	simm.s32 @!p0 $0x1BF5;
	p2 =	por !p2, p0  }
0x20: {  	[sflag:s8] =	ssyncset.s32 @!p0 $0xFFFFF086;
	s6 =	sadd.s32 @!p0 s3, s7;
	s7 =	simm.s32 @!p0 $0x108  }
0x21: {  	s3 =	sadd.s32 s3, s9;
	s6 =	sadd.s32 @!p0 $0x88, s6;
	s7 =	simm.s32 @p2 $0x1082  }
0x22: {  	[simem:s7], [sflag:s8] =	dma.local @!p0 [hbm:s6], $0xF7A  }
0x23: {  	s9 =	sor.u32 $0xD0000000, s2;
	s6 =	simm.s32 $0x108;
	_ =	swait.ge @!p0 [sflag:s8], $0x0  }
0x24: {  	s3 =	sadd.s32 $0x88, s3;
	s6 =	simm.s32 @!p1 $0x1082;
	[sflag:s4] =	ssyncset.s32 $0xFFFFF086  }
0x25: {  	[simem:s6], [sflag:s4] =	dma.local [hbm:s3], $0xF7A  }
0x26: {  	[smem:$0x3F91] =	sst s1;
	(tag) =	ssettag s2;
	_ =	strace s9  }
0x27: {  	s1 =	sld [smem:$0x3FA1]  }
0x28: {  	s2 =	sld [smem:$0x3FA2]  }
0x29: {  	s4 =	sld [smem:$0x3FA4]  }
0x2a: {  	p0 =	seq.s32 s5, $0x0;
	s5 =	sld [smem:$0x3FA5]  }
0x2b: {  	s6 =	sld [smem:$0x3FA6]  }
0x2c: {  	s7 =	sld [smem:$0x3FA7]  }
0x2d: {  	s3 =	simm.s32 $0x108;
	s8 =	sld [smem:$0x3FA8]  }
0x2e: {  	s3 =	simm.s32 @!p0 $0x1082;
	s9 =	sld [smem:$0x3FA9]  }
0x2f: {  	lr =	sadd.s32 s0, s3;
	s0 =	sld [smem:$0x3FA0]  }
0x30: {  	s3 =	sld [smem:$0x3FA3]  }
0x31: {  	[smem:$0x3FAC] =	sst s10  }
0x32: {  	s10 =	sld [smem:$0x3FAA];
	_ =	sdelay $0x3  }
0x33: {  	p0 =	seq.s32 s10, $0x1;
	s10 =	sld [smem:$0x3FAC];
	_ =	sdelay $0x3  }
0x34: {  	[smem:$0x3FAC] =	sst s10  }
0x35: {  	s10 =	sld [smem:$0x3FAB];
	_ =	sdelay $0x3  }
0x36: {  	p1 =	seq.s32 s10, $0x1;
	s10 =	sld [smem:$0x3FAC];
	_ =	sdelay $0x3  }
0x37: {  	[smem:$0x3FAC] =	sst s10  }
0x38: {  	s10 =	sld [smem:$0x3FAD]  }
0x39: {  	_ = 	snop;
	(pc) =	sbr.ind lr, $3  }
0x3a: {  	_ = 	snop  }
0x3b: {  	_ = 	snop  }
0x3c: {  	p2 =	seq.s32 s10, $0x1;
	s10 =	sld [smem:$0x3FAC]  }
0x3d: {  	_ =	shalt  }
0x3e: {  	_ =	shalt  }
0x3f: {  	_ =	shalt  }
0x40: {  	_ =	shalt  }
0x41: {  	_ =	shalt  }
0x42: {  	_ =	shalt  }
0x43: {  	_ =	shalt  }
0x44: {  	_ =	shalt  }
0x45: {  	_ =	shalt  }
0x46: {  	_ =	shalt  }
0x47: {  	_ =	shalt  }
0x48: {  	_ =	shalt  }
0x49: {  	_ =	shalt  }
0x4a: {  	_ =	shalt  }
0x4b: {  	_ =	shalt  }
0x4c: {  	_ =	shalt  }
0x4d: {  	_ =	shalt  }
0x4e: {  	_ =	shalt  }
0x4f: {  	_ =	shalt  }
0x50: {  	_ =	shalt  }
0x51: {  	_ =	shalt  }
0x52: {  	_ =	shalt  }
0x53: {  	_ =	shalt  }
0x54: {  	_ =	shalt  }
0x55: {  	_ =	shalt  }
0x56: {  	_ =	shalt  }
0x57: {  	_ =	shalt  }
0x58: {  	_ =	shalt  }
0x59: {  	_ =	shalt  }
0x5a: {  	_ =	shalt  }
0x5b: {  	_ =	shalt  }
0x5c: {  	_ =	shalt  }
0x5d: {  	_ =	shalt  }
0x5e: {  	_ =	shalt  }
0x5f: {  	_ =	shalt  }
0x60: {  	_ =	shalt  }
0x61: {  	_ =	shalt  }
0x62: {  	_ =	shalt  }
0x63: {  	_ =	shalt  }
0x64: {  	_ =	shalt  }
0x65: {  	_ =	shalt  }
0x66: {  	_ =	shalt  }
0x67: {  	_ =	shalt  }
0x68: {  	_ =	shalt  }
0x69: {  	_ =	shalt  }
0x6a: {  	_ =	shalt  }
0x6b: {  	_ =	shalt  }
0x6c: {  	_ =	shalt  }
0x6d: {  	_ =	shalt  }
0x6e: {  	_ =	shalt  }
0x6f: {  	_ =	shalt  }
0x70: {  	_ =	shalt  }
0x71: {  	_ =	shalt  }
0x72: {  	_ =	shalt  }
0x73: {  	_ =	shalt  }
0x74: {  	_ =	shalt  }
0x75: {  	_ =	shalt  }
0x76: {  	_ =	shalt  }
0x77: {  	_ =	shalt  }
0x78: {  	_ =	shalt  }
0x79: {  	_ =	shalt  }
0x7a: {  	_ =	shalt  }
0x7b: {  	_ =	shalt  }
0x7c: {  	_ =	shalt  }
0x7d: {  	_ =	shalt  }
0x7e: {  	_ =	shalt  }
0x7f: {  	_ =	shalt  }
0x80: {  	_ =	shalt  }
0x81: {  	_ =	shalt  }
0x82: {  	_ =	shalt  }
0x83: {  	_ =	shalt  }
0x84: {  	_ =	shalt  }
0x85: {  	_ =	shalt  }
0x86: {  	_ =	shalt  }
0x87: {  	_ =	shalt  }
.Lfunc_end0:
.L_simem_size_0:
called_computation_lowered:
.L_overlay_start_0:
0x88: {  	s2 =	sld [smem:$0x3FD9]  }
0x89: {  	s3 =	sld [smem:$0x3FFE];
	_ =	sdelay $0x1  }
0x8a: {  	s1 =	srdreg.scid  }
0x8b: {  	s0 =	sand.u32 $0x1, s1  }
0x8c: {  	s16 =	sshll.u32 s0, $0xA;
	s2 =	sadd.s32 s3, s2  }
0x8d: {  	s2 =	sadd.s32 s2, s16  }
0x8e: {  	[smem:$0x3FB8] =	sst s2  }
0x8f: {  	_ = 	snop  }
0x90: {  	(tm) =	ssettm $0x1  }
0x91: {  	s17 =	sld [smem:$0x3FFB];
	_ =	sdelay $0x3  }
0x92: {  	_ =	strace s17  }
0x93: {  	s2 =	sld [smem:$0x3FFC];
	_ =	sdelay $0x3  }
0x94: {  	_ =	strace s2  }
0x95: {  	s2 =	sld [smem:$0x3FFD];
	_ =	sdelay $0x3  }
0x96: {  	_ =	strace s2  }
0x97: {  	_ =	strace $0x8FFFFFFF  }
0x98: {  	s18 =	sld [smem:$0x3FDB];
	_ =	sdelay $0x1  }
0x99: {  	s19 =	simm.s32 $_scs_section_size  }
0x9a: {  	s4 =	simm.s32 $_size__tile_overlayer_lowered;
	s5 =	simm.s32 $_tile_overlayer_lowered  }
0x9b: {  	s22 =	simm.s32 $0x1BFF;
	s21 =	sshll.u32 s5, $0x1;
	s2 =	sadd.s32 s19, s18  }
0x9c: {  	s6 =	simm.s32 $0x0;
	s20 =	sshll.u32 s4, $0x1;
	s4 =	sadd.s32 s21, s2  }
0x9d: {  	[timem:s6], [sflag:s22] =	dma.local [hbm:s4], s20  }
0x9e: {  	_ =	swait.ge [sflag:s22], s20  }
0x9f: {  	s3 =	ssub.s32 $0x0, s20;
	[sflag:s22] =	ssyncset.done $0x0  }
0xa0: {  	[sflag:s22] =	ssyncadd.s32 s3;
	_ =	sdelay $0x1  }
0xa1: {  	s23 =	simm.s32 $0x1B8B  }
0xa2: {  	_ =	swait.ge [sflag:s23], $0x1  }
0xa3: {  	[sflag:s23] =	ssyncset.done $0x0  }
0xa4: {  	s25 =	simm.s32 $0x1B8E;
	s24 =	sld [smem:$0x3FFE];
	[sflag:s23] =	ssyncadd.s32 $0xFFFFFFFF  }
0xa5: {  	s26 =	simm.s32 $execute0_lowered;
	[smem:$0x3FD2] =	sst s25  }
0xa6: {  	s4 =	sshll.u32 s26, $0x1;
	_ =	strace $0x80000049;
	[dreg:$0x1] =	wrdreg $0xFFFFFFFF  }
0xa7: {  	s28 =	simm.s32 $_size_execute0_lowered;
	s2 =	sadd.s32 s2, s4;
	[dreg:$0x0] =	wrdreg $0x0  }
0xa8: {  	s4 =	sshll.u32 s28, $0x1;
	[dreg:$0x2] =	wrdreg s2  }
0xa9: {  	[dreg:$0x3] =	wrdreg s4  }
0xaa: {  	[dreg:$0x4] =	wrdreg $0xC0  }
0xab: {  	_ =	task [dreg:s6], $0x5FFFF  }
0xac: {  	[dreg:$0x1] =	wrdreg $0xFFFFFFFF  }
0xad: {  	[dreg:$0x0] =	wrdreg $0x60  }
0xae: {  	[dreg:$0x2] =	wrdreg s24  }
0xaf: {  	[dreg:$0x3] =	wrdreg $0x9  }
0xb0: {  	_ =	task.clear_ibuf [dreg:s6], $0x4FFFF;
	_ =	strace $0x90000049  }
0xb1: {  	s29 =	simm.s32 $0x9;
	_ =	strace $0x8000004B  }
0xb2: {  	_ =	swait.ge [sflag:s29], $0x1  }
0xb3: {  	[sflag:s29] =	ssyncadd.s32 $0xFFFFFFFF  }
0xb4: {  	_ =	strace $0x9000004B  }
0xb5: {  	_ =	sfence  }
0xb6: {  	s30 =	sld [smem:$0x0];
	_ =	sdelay $0x2  }
0xb7: {  	s31 =	sshll.u32 s1, $0xD;
	s1 =	sshrl.u32 s1, $0x2  }
0xb8: {  	s3 =	sand.u32 $0x4000, s31;
	s1 =	sadd.s32 s1, s30  }
0xb9: {  	s0 =	sor.u32 s3, s0;
	s1 =	sshll.u32 s1, $0x11  }
0xba: {  	s0 =	sor.u32 s1, s0  }
0xbb: {  	s0 =	sadd.s32 $0x8F2B, s0  }
0xbc: {  	[sflag:s0] =	ssyncadd.remote.s32 $0x1  }
0xbd: {  	_ =	sfence.sel $0xFFFF  }
0xbe: {  	[dreg:$0x0] =	wrdreg $0xFFFFFFFF;
	(pc) =	sbr.abs _section_cstart, $3  }
0xbf: {  	[dreg:$0x1] =	wrdreg $0xFFFFFFFF  }
0xc0: {  	_ =	task.clear_ibuf [dreg:s6], $0x2FFFF;
	_ =	strace $0x9FFFFFFF  }
0xc1: {  	(tm) =	ssettm $0x7FFFFFFF  }
tec
execute0_lowered:
.L_overlay_start_1:
0x0: {  	(tag) =	ssettag $0x1  }
0x1: {  	s0 =	srdreg.scid;
	s5 =	rddreg [dreg:$0x0]  }
0x2: {  	s1 =	stileid.u32;
	s6 =	simm.s32 $0x1;
	s9 =	simm.s32 $0x1  }
0x3: {  	s10 =	simm.s32 $0x3;
	s13 =	simm.s32 $0x0;
	s2 =	sshll.u32 s0, $0xE  }
0x4: {  	s12 =	simm.s32 $0x0;
	s3 =	sshll.u32 s1, $0xF;
	s2 =	sand.u32 $0x4000, s2  }
0x5: {  	s0 =	rddreg [dreg:$0x1];
	_ =	strace $0x8000004A;
	s2 =	sor.u32 s3, s2  }
0x6: {  	s4 =	sadd.s32 $0x93400, s5;
	[sflag:s6] =	ssyncpa.u1 $0x0;
	s8 =	ssub.s32 $0xA0000, s2  }
.Ltmp0:
0x7: {  	s3 =	sadd.s32 $0x2D800, s5;
	s7 =	sand.u32 $0x7C000, s8;
	(pc) =	sbr.rel .LBB2_1-.Ltmp0, $4  }
0x8: {  	s5 =	sadd.s32 $0x69800, s5;
	s11 =	smov.u32 s2;
	p0 =	sne.s32 s7, $0x0  }
0x9: {  	s8 =	sshrl.u32 s8, $0x13;
	s7 =	simm.s32 $0x2;
	s9 =	simm.s32 @!p0 $0x0  }
0xa: {  	[sflag:s7] =	ssyncpa.u1 $0x0;
	p0 =	por $0x0, $0x0;
	s8 =	sadd.s32 s9, s8  }
0xb: {  	vm0 =	vmmov $0xffff;
	[sflag:s10] =	ssyncpa.u1 $0x0;
	s10 =	simm.s32 $0x0;
	s9 =	sadd.s32 $0x1, s8  }
.LBB2_4:
0xc: {  	v2 =	vnsel vm1, $0x0, v2  }
0xd: {  	vm1 =	vgt.s32 v0, $0x0;
	v2 =	vmin.u32 v2, $0x9FFFF  }
0xe: {  	v0 =	vnsel vm1, $0x0, v0  }
0xf: {  	v0 =	vmin.u32 v0, $0x9FFFF  }
0x10: {  	[tilespmem:s15], [sflag:$0x1] =	stream.indirect_vreg.gather [hbm4b:s3+s10], $0x1, v1, vm0, $0x4038;
	[tilespmem:$0x10000] =	vst v63  }
0x11: {  	(ifvalue) =	ssetifvalue $0x7FFFFFFF  }
0x12: {  	[tilespmem:s16], [sflag:$0x1] =	stream.indirect_vreg.gather [hbm4b:s3+s10], $0x1, v2, vm0, $0x4038;
	[tilespmem:$0x10000] =	vst v63  }
0x13: {  	s29 =	sadd.s32 $0x10, s16;
	(ifvalue) =	ssetifvalue $0x7FFFFFFF  }
0x14: {  	[tilespmem:s29], [sflag:$0x1] =	stream.indirect_vreg.gather [hbm4b:s3+s10], $0x1, v0, vm0, $0x4038;
	[tilespmem:$0x10000] =	vst v63  }
0x15: {  	_ =	swait.ge [sflag:s6], $0x4000  }
0x16: {  	s30 =	sshrl.u32 s13, $0x3;
	[sflag:s6] =	ssyncset.done $0x0  }
0x17: {  	s31 =	sand.u32 $0x7, s13;
	s15 =	sadd.s32 s5, s30;
	[sflag:s6] =	ssyncadd.s32 $0xFFFFC000  }
0x18: {  	[hbm4b:s15+s31] =	stream.linear.scatter [tilespmem:s14], [sflag:$0x3], $0x4000, $0x38;
	[tilespmem:$0x10000] =	vst v63  }
.LBB2_5:
0x19: {  	s15 =	sadd.s32 $0x80000, s11  }
0x1a: {  	p2 =	sgt.s32 s15, $0x9FFFF  }
0x1b: {  	s15 =	smov.u32 @p2 s2;
	p2 =	sne.s32 s12, s9  }
.Ltmp1:
0x1c: {  	p1 =	slt.u32 s12, $0x2;
	(pc) =	sbr.rel @!p2 .LBB2_6-.Ltmp1, $4  }
0x1d: {  	s14 =	simm.s32 @!p1 $0x3  }
0x1e: {  	s16 =	sadd.s32 $0x1, s12;
	_ =	swait.ge @!p1 [sflag:s14], $0x4000  }
0x1f: {  	s13 =	smov.u32 s11;
	p0 =	por !p0, !p0;
	[sflag:s14] =	ssyncset.done @!p1 $0x0  }
0x20: {  	s12 =	smov.u32 s16;
	s11 =	smov.u32 s15;
	[sflag:s14] =	ssyncadd.s32 @!p1 $0xFFFFC000  }
.LBB2_1:
0x21: {  	p1 =	sge.u32 s12, s8  }
0x22: {  	s14 =	sxor.u32 @!p1 $0xFFFFFFFF, s12  }
0x23: {  	s31 =	sadd.s32 $0xFFFFFFFF, s12;
	s15 =	sshrl.u32 @!p1 s11, $0x3;
	s14 =	sshll.u32 @!p1 s14, $0xE  }
0x24: {  	s16 =	sand.u32 @!p1 $0x7, s11;
	s15 =	sadd.s32 @!p1 s4, s15;
	s14 =	sand.u32 @!p1 $0x4000, s14  }
0x25: {  	[tilespmem:s14], [sflag:$0x2] =	stream.linear.gather @!p1 [hbm4b:s15+s16], $0x4000, $0x38;
	[tilespmem:$0x10000] =	vst v63  }
0x26: {  	p1 =	sge.u32 s31, s8  }
.Ltmp2:
0x27: {  	_ = 	snop;
	(pc) =	sbr.rel @p1 .LBB2_5-.Ltmp2, $1  }
0x28: {  	_ =	sdelay $0x3  }
0x29: {  	s14 =	simm.s32 $0x1  }
0x2a: {  	_ =	swait.ge [sflag:s7], $0x4000;
	s14 =	simm.s32 @!p0 $0x0  }
0x2b: {  	[sflag:s7] =	ssyncset.done $0x0;
	s14 =	sshll.u32 s14, $0xE  }
0x2c: {  	[sflag:s7] =	ssyncadd.s32 $0xFFFFC000;
	(ifvalue) =	ssetifvalue $0x7FFFFFFF;
	v0 =	vld.msk [tilespmem:s14+$0x0 ss:$0x1], $0xffff;
	_ =	sdelay $0x4  }
0x2d: {  	s15 =	sadd.s32 $0x10, s14;
	vm1 =	vgt.s32 v0, $0x0  }
0x2e: {  	v2 =	vld.msk [tilespmem:s15+$0x0 ss:$0x1], $0xffff;
	v1 =	vnsel vm1, $0x0, v0  }
0x2f: {  	v1 =	vmin.u32 v1, $0x9FFFF;
	_ =	sdelay $0x1  }
0x30: {  	s16 =	sshll.u32 s12, $0xE;
	s18 =	simm.s32 $0x20  }
0x31: {  	s16 =	sand.u32 $0x4000, s16;
	s17 =	sadd.s32 $0x10, s15;
	s15 =	sor.u32 $0x8000, s14  }
0x32: {  	s14 =	sor.u32 $0x8000, s16;
	s16 =	sadd.s32 $0x10, s15;
	v0 =	vld.msk [tilespmem:s17+$0x0 ss:$0x1], $0xffff;
	vm1 =	vgt.s32 v2, $0x0;
	(ifvalue) =	ssetifvalue $0x7FFFFFFF  }
.LBB2_3:
0x33: {  	[tilespmem:s15], [sflag:$0x1] =	stream.indirect_vreg.gather [hbm4b:s3+s10], $0x1, v1, vm0, $0x4038;
	[tilespmem:$0x10000] =	vst v63  }
0x34: {  	s18 =	sadd.s32 $0x10, s18  }
0x35: {  	v2 =	vnsel vm1, $0x0, v2;
	p1 =	slt.u32 s18, $0x3FF0  }
.Ltmp3:
0x36: {  	s15 =	smov.u32 s16;
	v1 =	vmin.u32 v2, $0x9FFFF;
	(pc) =	sbr.rel @p1 .LBB2_3-.Ltmp3, $3  }
0x37: {  	_ =	sdelay $0x1  }
0x38: {  	s17 =	sadd.s32 $0x10, s17  }
0x39: {  	vm1 =	vgt.s32 v0, $0x0;
	s16 =	sadd.s32 $0x10, s16;
	v2 =	vmov v0;
	(ifvalue) =	ssetifvalue $0x7FFFFFFF;
	v0 =	vld.msk [tilespmem:s17+$0x0 ss:$0x1], $0xffff  }
.Ltmp4:
0x3a: {  	_ = 	snop;
	(pc) =	sbr.rel .LBB2_4-.Ltmp4, $1  }
0x3b: {  	_ =	sdelay $0x3  }
.LBB2_6:
0x3c: {  	_ =	sfence.sel $0x180000  }
0x3d: {  	s2 =	simm.s32 $0x2;
	[bflag:$0x0] =	sbarrier.arrive $0xFFFF  }
0x3e: {  	s30 =	simm.s32 $0x3;
	[sflag:s2] =	ssyncpa.u1 $0x1  }
0x3f: {  	s31 =	simm.s32 $0x1;
	[sflag:s30] =	ssyncpa.u1 $0x1  }
0x40: {  	[sflag:s31] =	ssyncpa.u1 $0x1  }
0x41: {  	p0 =	sne.s32 s1, $0x0;
	_ =	strace $0x9000004A  }
0x42: {  	s0 =	sadd.s32 @!p0 $0x100000, s0;
	[bflag:$0x2] =	sbarrier.arrive $0xFFFF  }
0x43: {  	[sflag:s0] =	ssyncadd.tile.s32 @!p0 $0x1;
	_ =	shalt  }
.Lfunc_end2:
_tile_overlayer_lowered:
.L_overlay_start_2:
0x44: {  	(tag) =	ssettag $0x2  }
0x45: {  	s0 =	rddreg [dreg:$0x0];
	s2 =	stileid.u32  }
0x46: {  	s1 =	rddreg [dreg:$0x1];
	p0 =	sne.s32 s2, $0x0  }
0x47: {  	s3 =	rddreg [dreg:$0x2];
	[bflag:$0x3] =	sbarrier.arrive $0xFFFF;
	s2 =	simm.s32 @!p0 $0x1C01  }
0x48: {  	[timem:s3], [sflag:s2] =	dma.local @!p0 [hbm:s0], s1  }
0x49: {  	s0 =	simm.s32 @!p0 $0x1  }
0x4a: {  	_ =	swait.ge @!p0 [sflag:s0], s1  }
0x4b: {  	s1 =	ssub.s32 @!p0 $0x0, s1;
	[sflag:s0] =	ssyncset.done @!p0 $0x0  }
0x4c: {  	[sflag:s0] =	ssyncadd.s32 @!p0 s1  }
0x4d: {  	[bflag:$0x3] =	sbarrier.arrive $0xFFFF  }
0x4e: {  	_ =	shalt  }

// kernel: kernel.3.cloned.1.call-start
scs
__scs_entry_jumppad:
0x0: {  	(pc) =	sbr.rel $0x88, $3  }
0x1: {  	(tag) =	ssettag $0x0;
	lr =	simm.s32 $0x1  }
0x2: {  	[smem:$0x3F91] =	sst lr;
	_ =	strace $0xD0000000  }
0x3: {  	_ = 	snop  }
0x4: {  	_ = 	snop  }
0x5: {  	_ = 	snop  }
0x6: {  	_ = 	snop  }
0x7: {  	_ = 	snop  }
__scs_overlays_trampoline_lowered:
0x8: {  	[smem:$0x3FA0] =	sst s0  }
0x9: {  	[smem:$0x3FA1] =	sst s1  }
0xa: {  	[smem:$0x3FA2] =	sst s2  }
0xb: {  	[smem:$0x3FA3] =	sst s3  }
0xc: {  	[smem:$0x3FA4] =	sst s4  }
0xd: {  	[smem:$0x3FA5] =	sst s5  }
0xe: {  	[smem:$0x3FA6] =	sst s6  }
0xf: {  	[smem:$0x3FA7] =	sst s7  }
0x10: {  	[smem:$0x3FA8] =	sst s8  }
0x11: {  	[smem:$0x3FA9] =	sst s9;
	s0 =	simm.s32 @!p0 $0x0  }
0x12: {  	s1 =	sld [smem:$0x3F8F];
	s0 =	simm.s32 @p0 $0x1  }
0x13: {  	[smem:$0x3FAA] =	sst s0;
	s0 =	simm.s32 @!p1 $0x0  }
0x14: {  	s2 =	sld [smem:$0x3F8E];
	s0 =	simm.s32 @p1 $0x1  }
0x15: {  	[smem:$0x3FAB] =	sst s0;
	s0 =	simm.s32 @!p2 $0x0  }
0x16: {  	s3 =	sld [smem:$0x3FDB];
	s0 =	simm.s32 @p2 $0x1  }
0x17: {  	s4 =	simm.s32 $0x1BF5;
	[smem:$0x3FAD] =	sst s0  }
0x18: {  	s0 =	sld [smem:$0x3F90];
	_ =	swait.ge [sflag:s4], $0x0  }
0x19: {  	s7 =	sld [smem:$0x3F91]  }
0x1a: {  	s8 =	sadd.s32 $0xFFFFE003, lr  }
0x1b: {  	s9 =	sadd.s32 $0xFFFFFEF7, lr;
	s5 =	simm.s32 $0xFFFFFFFF;
	p2 =	slt.u32 s8, $0xFFFFF086  }
0x1c: {  	p1 =	slt.u32 s9, $0xF7A;
	s5 =	simm.s32 @!p2 $0x0  }
0x1d: {  	s5 =	simm.s32 @p1 $0x1;
	p0 =	seq.s32 s7, s2  }
0x1e: {  	s7 =	smul.u32 @!p0 $0xF7A, s2;
	p2 =	seq.s32 @!p0 s5, $0x0  }
0x1f: {  	s9 =	smul.u32 $0xF7A, s1;
	s8 =	simm.s32 @!p0 $0x1BF5;
	p2 =	por !p2, p0  }
0x20: {  	[sflag:s8] =	ssyncset.s32 @!p0 $0xFFFFF086;
	s6 =	sadd.s32 @!p0 s3, s7;
	s7 =	simm.s32 @!p0 $0x108  }
0x21: {  	s3 =	sadd.s32 s3, s9;
	s6 =	sadd.s32 @!p0 $0x88, s6;
	s7 =	simm.s32 @p2 $0x1082  }
0x22: {  	[simem:s7], [sflag:s8] =	dma.local @!p0 [hbm:s6], $0xF7A  }
0x23: {  	s9 =	sor.u32 $0xD0000000, s2;
	s6 =	simm.s32 $0x108;
	_ =	swait.ge @!p0 [sflag:s8], $0x0  }
0x24: {  	s3 =	sadd.s32 $0x88, s3;
	s6 =	simm.s32 @!p1 $0x1082;
	[sflag:s4] =	ssyncset.s32 $0xFFFFF086  }
0x25: {  	[simem:s6], [sflag:s4] =	dma.local [hbm:s3], $0xF7A  }
0x26: {  	[smem:$0x3F91] =	sst s1;
	(tag) =	ssettag s2;
	_ =	strace s9  }
0x27: {  	s1 =	sld [smem:$0x3FA1]  }
0x28: {  	s2 =	sld [smem:$0x3FA2]  }
0x29: {  	s4 =	sld [smem:$0x3FA4]  }
0x2a: {  	p0 =	seq.s32 s5, $0x0;
	s5 =	sld [smem:$0x3FA5]  }
0x2b: {  	s6 =	sld [smem:$0x3FA6]  }
0x2c: {  	s7 =	sld [smem:$0x3FA7]  }
0x2d: {  	s3 =	simm.s32 $0x108;
	s8 =	sld [smem:$0x3FA8]  }
0x2e: {  	s3 =	simm.s32 @!p0 $0x1082;
	s9 =	sld [smem:$0x3FA9]  }
0x2f: {  	lr =	sadd.s32 s0, s3;
	s0 =	sld [smem:$0x3FA0]  }
0x30: {  	s3 =	sld [smem:$0x3FA3]  }
0x31: {  	[smem:$0x3FAC] =	sst s10  }
0x32: {  	s10 =	sld [smem:$0x3FAA];
	_ =	sdelay $0x3  }
0x33: {  	p0 =	seq.s32 s10, $0x1;
	s10 =	sld [smem:$0x3FAC];
	_ =	sdelay $0x3  }
0x34: {  	[smem:$0x3FAC] =	sst s10  }
0x35: {  	s10 =	sld [smem:$0x3FAB];
	_ =	sdelay $0x3  }
0x36: {  	p1 =	seq.s32 s10, $0x1;
	s10 =	sld [smem:$0x3FAC];
	_ =	sdelay $0x3  }
0x37: {  	[smem:$0x3FAC] =	sst s10  }
0x38: {  	s10 =	sld [smem:$0x3FAD]  }
0x39: {  	_ = 	snop;
	(pc) =	sbr.ind lr, $3  }
0x3a: {  	_ = 	snop  }
0x3b: {  	_ = 	snop  }
0x3c: {  	p2 =	seq.s32 s10, $0x1;
	s10 =	sld [smem:$0x3FAC]  }
0x3d: {  	_ =	shalt  }
0x3e: {  	_ =	shalt  }
0x3f: {  	_ =	shalt  }
0x40: {  	_ =	shalt  }
0x41: {  	_ =	shalt  }
0x42: {  	_ =	shalt  }
0x43: {  	_ =	shalt  }
0x44: {  	_ =	shalt  }
0x45: {  	_ =	shalt  }
0x46: {  	_ =	shalt  }
0x47: {  	_ =	shalt  }
0x48: {  	_ =	shalt  }
0x49: {  	_ =	shalt  }
0x4a: {  	_ =	shalt  }
0x4b: {  	_ =	shalt  }
0x4c: {  	_ =	shalt  }
0x4d: {  	_ =	shalt  }
0x4e: {  	_ =	shalt  }
0x4f: {  	_ =	shalt  }
0x50: {  	_ =	shalt  }
0x51: {  	_ =	shalt  }
0x52: {  	_ =	shalt  }
0x53: {  	_ =	shalt  }
0x54: {  	_ =	shalt  }
0x55: {  	_ =	shalt  }
0x56: {  	_ =	shalt  }
0x57: {  	_ =	shalt  }
0x58: {  	_ =	shalt  }
0x59: {  	_ =	shalt  }
0x5a: {  	_ =	shalt  }
0x5b: {  	_ =	shalt  }
0x5c: {  	_ =	shalt  }
0x5d: {  	_ =	shalt  }
0x5e: {  	_ =	shalt  }
0x5f: {  	_ =	shalt  }
0x60: {  	_ =	shalt  }
0x61: {  	_ =	shalt  }
0x62: {  	_ =	shalt  }
0x63: {  	_ =	shalt  }
0x64: {  	_ =	shalt  }
0x65: {  	_ =	shalt  }
0x66: {  	_ =	shalt  }
0x67: {  	_ =	shalt  }
0x68: {  	_ =	shalt  }
0x69: {  	_ =	shalt  }
0x6a: {  	_ =	shalt  }
0x6b: {  	_ =	shalt  }
0x6c: {  	_ =	shalt  }
0x6d: {  	_ =	shalt  }
0x6e: {  	_ =	shalt  }
0x6f: {  	_ =	shalt  }
0x70: {  	_ =	shalt  }
0x71: {  	_ =	shalt  }
0x72: {  	_ =	shalt  }
0x73: {  	_ =	shalt  }
0x74: {  	_ =	shalt  }
0x75: {  	_ =	shalt  }
0x76: {  	_ =	shalt  }
0x77: {  	_ =	shalt  }
0x78: {  	_ =	shalt  }
0x79: {  	_ =	shalt  }
0x7a: {  	_ =	shalt  }
0x7b: {  	_ =	shalt  }
0x7c: {  	_ =	shalt  }
0x7d: {  	_ =	shalt  }
0x7e: {  	_ =	shalt  }
0x7f: {  	_ =	shalt  }
0x80: {  	_ =	shalt  }
0x81: {  	_ =	shalt  }
0x82: {  	_ =	shalt  }
0x83: {  	_ =	shalt  }
0x84: {  	_ =	shalt  }
0x85: {  	_ =	shalt  }
0x86: {  	_ =	shalt  }
0x87: {  	_ =	shalt  }
.Lfunc_end0:
.L_simem_size_0:
called_computation.3_lowered:
.L_overlay_start_0:
0x88: {  	s2 =	sld [smem:$0x3FD9]  }
0x89: {  	s3 =	sld [smem:$0x3FFE];
	_ =	sdelay $0x1  }
0x8a: {  	s1 =	srdreg.scid  }
0x8b: {  	s0 =	sand.u32 $0x1, s1  }
0x8c: {  	s14 =	sshll.u32 s0, $0xA;
	s2 =	sadd.s32 s3, s2  }
0x8d: {  	s2 =	sadd.s32 s2, s14  }
0x8e: {  	[smem:$0x3FB8] =	sst s2  }
0x8f: {  	_ = 	snop  }
0x90: {  	s2 =	sld [smem:$0x3FD0];
	_ =	sdelay $0x2  }
0x91: {  	s15 =	simm.s32 $0xA;
	s4 =	simm.s32 $0x10  }
0x92: {  	[smem:s4], [sflag:s15] =	dma.local [hbm:s2], $0x1  }
0x93: {  	_ =	swait.eq [sflag:s15], $0x1  }
0x94: {  	[sflag:s15] =	ssyncset.done $0x0  }
0x95: {  	[sflag:s15] =	ssyncadd.s32 $0xFFFFFFFF  }
0x96: {  	s16 =	sld [smem:$0x11];
	(tm) =	ssettm $0x1  }
0x97: {  	s17 =	sld [smem:$0x3FFB];
	_ =	sdelay $0x3  }
0x98: {  	_ =	strace s17  }
0x99: {  	s3 =	sld [smem:$0x3FFC];
	_ =	sdelay $0x3  }
0x9a: {  	_ =	strace s3  }
0x9b: {  	s3 =	sld [smem:$0x3FFD];
	_ =	sdelay $0x3  }
0x9c: {  	_ =	strace s3  }
0x9d: {  	_ =	strace $0x8FFFFFFF  }
0x9e: {  	s18 =	sld [smem:$0x3FDB];
	_ =	sdelay $0x1  }
0x9f: {  	s19 =	simm.s32 $_scs_section_size  }
0xa0: {  	s5 =	simm.s32 $_size__tile_overlayer_lowered;
	s6 =	simm.s32 $_tile_overlayer_lowered  }
0xa1: {  	s22 =	simm.s32 $0x1BFF;
	s21 =	sshll.u32 s6, $0x1;
	s3 =	sadd.s32 s19, s18  }
0xa2: {  	s7 =	simm.s32 $0x0;
	s20 =	sshll.u32 s5, $0x1;
	s5 =	sadd.s32 s21, s3  }
0xa3: {  	[timem:s7], [sflag:s22] =	dma.local [hbm:s5], s20  }
0xa4: {  	_ =	swait.ge [sflag:s22], s20  }
0xa5: {  	s4 =	ssub.s32 $0x0, s20;
	[sflag:s22] =	ssyncset.done $0x0  }
0xa6: {  	[sflag:s22] =	ssyncadd.s32 s4;
	_ =	sdelay $0x1  }
0xa7: {  	s23 =	simm.s32 $0x1B8B  }
0xa8: {  	_ =	swait.ge [sflag:s23], $0x1  }
0xa9: {  	[sflag:s23] =	ssyncset.done $0x0  }
0xaa: {  	s25 =	simm.s32 $0x1B8E;
	s24 =	sld [smem:$0x3FFE];
	[sflag:s23] =	ssyncadd.s32 $0xFFFFFFFF  }
0xab: {  	s26 =	simm.s32 $execute0_lowered;
	[smem:$0x3FD2] =	sst s25  }
0xac: {  	s5 =	sshll.u32 s26, $0x1;
	_ =	strace $0x80000046;
	[dreg:$0x1] =	wrdreg $0xFFFFFFFF  }
0xad: {  	s28 =	simm.s32 $_size_execute0_lowered;
	s3 =	sadd.s32 s3, s5;
	[dreg:$0x0] =	wrdreg $0x0  }
0xae: {  	s5 =	sshll.u32 s28, $0x1;
	[dreg:$0x2] =	wrdreg s3  }
0xaf: {  	[dreg:$0x3] =	wrdreg s5  }
0xb0: {  	[dreg:$0x4] =	wrdreg $0xC0  }
0xb1: {  	_ =	task [dreg:s7], $0x5FFFF  }
0xb2: {  	[dreg:$0x1] =	wrdreg $0xFFFFFFFF  }
0xb3: {  	[dreg:$0x0] =	wrdreg $0x60  }
0xb4: {  	[dreg:$0x2] =	wrdreg s16  }
0xb5: {  	[dreg:$0x3] =	wrdreg s24  }
0xb6: {  	[dreg:$0x4] =	wrdreg $0x9  }
0xb7: {  	_ =	task.clear_ibuf [dreg:s7], $0x5FFFF;
	_ =	strace $0x90000046  }
0xb8: {  	s29 =	simm.s32 $0x9;
	_ =	strace $0x80000048  }
0xb9: {  	_ =	swait.ge [sflag:s29], $0x1  }
0xba: {  	[sflag:s29] =	ssyncadd.s32 $0xFFFFFFFF  }
0xbb: {  	_ =	strace $0x90000048  }
0xbc: {  	_ =	sfence  }
0xbd: {  	s30 =	sld [smem:$0x0];
	_ =	sdelay $0x2  }
0xbe: {  	s31 =	sshll.u32 s1, $0xD;
	s1 =	sshrl.u32 s1, $0x2  }
0xbf: {  	s3 =	sand.u32 $0x4000, s31;
	s1 =	sadd.s32 s1, s30  }
0xc0: {  	s0 =	sor.u32 s3, s0;
	s1 =	sshll.u32 s1, $0x11  }
0xc1: {  	s0 =	sor.u32 s1, s0  }
0xc2: {  	s0 =	sadd.s32 $0x8F2B, s0  }
0xc3: {  	[sflag:s0] =	ssyncadd.remote.s32 $0x1  }
0xc4: {  	_ =	sfence.sel $0xFFFF  }
0xc5: {  	[dreg:$0x0] =	wrdreg $0xFFFFFFFF;
	(pc) =	sbr.abs _section_cstart, $3  }
0xc6: {  	[dreg:$0x1] =	wrdreg $0xFFFFFFFF  }
0xc7: {  	_ =	task.clear_ibuf [dreg:s7], $0x2FFFF;
	_ =	strace $0x9FFFFFFF  }
0xc8: {  	(tm) =	ssettm $0x7FFFFFFF  }
0xc9: {  	_ =	shalt  }
tec
execute0_lowered:
.L_overlay_start_1:
0x0: {  	(tag) =	ssettag $0x1  }
0x1: {  	s2 =	rddreg [dreg:$0x0];
	s1 =	srdreg.scid  }
0x2: {  	s0 =	stileid.u32;
	s4 =	rddreg [dreg:$0x1]  }
0x3: {  	s8 =	simm.s32 $0x1;
	s9 =	simm.s32 $0x7530;
	s10 =	simm.s32 $0xC530  }
0x4: {  	s11 =	simm.s32 $0x11530;
	s5 =	sand.u32 $0x1, s1;
	s3 =	sshll.u32 s0, $0x1  }
0x5: {  	s1 =	rddreg [dreg:$0x2];
	s6 =	sor.u32 s5, s3;
	s5 =	ssub.s32 $0x2, s5  }
0x6: {  	s3 =	simm.s32 $0x0;
	s6 =	smul.u32 $0xA00, s6;
	s7 =	sshrl.u32 s5, $0x1  }
0x7: {  	s12 =	simm.s32 $0x0;
	[smem:$0x7FF] =	sst s3;
	s7 =	ssub.s32 s5, s7  }
0x8: {  	_ =	strace $0x80000047;
	s6 =	sadd.s32 s6, s4;
	s7 =	smax.u32 s7, $0x1  }
0x9: {  	s4 =	sadd.s32 $0x19800, s6;
	s5 =	sadd.s32 $0x5800, s6;
	s6 =	sadd.s32 $0x69800, s6  }
.LBB2_1:
0xa: {  	[tilespmem:s3], [sflag:$0x1] =	stream.linear.gather [hbm4b:s2+s3], $0x7530, $0x38;
	[tilespmem:$0x16530] =	vst v63  }
0xb: {  	_ =	swait.ge [sflag:s8], $0x7530  }
0xc: {  	[sflag:s8] =	ssyncset.done $0x0  }
0xd: {  	[sflag:s8] =	ssyncadd.s32 $0xFFFF8AD0  }
0xe: {  	[tilespmem:s9], [sflag:$0x1] =	stream.linear.gather [hbm4b:s4+s3], $0x5000, $0x38;
	[tilespmem:$0x16530] =	vst v63  }
0xf: {  	_ =	swait.ge [sflag:s8], $0x5000  }
0x10: {  	[sflag:s8] =	ssyncset.done $0x0  }
0x11: {  	[sflag:s8] =	ssyncadd.s32 $0xFFFFB000  }
0x12: {  	[tilespmem:s10], [sflag:$0x1] =	stream.linear.gather [hbm4b:s5+s3], $0x5000, $0x38;
	[tilespmem:$0x16530] =	vst v63  }
0x13: {  	_ =	swait.ge [sflag:s8], $0x5000  }
0x14: {  	[sflag:s8] =	ssyncset.done $0x0  }
0x15: {  	s13 =	simm.s32 $0x0;
	[sflag:s8] =	ssyncadd.s32 $0xFFFFB000  }
0x16: {  	v0 =	vld [tilespmem:s13+$0x7530]  }
0x17: {  	v1 =	vld [tilespmem:s13+$0xC530];
	_ =	sdelay $0x3  }
0x18: {  	v0 =	vmul.u32 $0x3, v0  }
0x19: {  	v1 =	vmul.u32 $0x3, v1;
	_ =	sdelay $0x1  }
0x1a: {  	v4 =	vadd.s32 $0x1, v1  }
0x1b: {  	v6 =	vadd.s32 $0x1, v0  }
0x1c: {  	v2 =	vld [tilespmem:s13+$0x7540];
	v8 =	vadd.s32 $0x2, v0  }
0x1d: {  	v9 =	vadd.s32 $0x2, v1;
	v0 =	vld.idx.msk [tilespmem:v0+s3+$0x0], $0xffff  }
0x1e: {  	v1 =	vld.idx.msk [tilespmem:v1+s3+$0x0], $0xffff  }
0x1f: {  	v4 =	vld.idx.msk [tilespmem:v4+s3+$0x0], $0xffff  }
0x20: {  	v6 =	vld.idx.msk [tilespmem:v6+s3+$0x0], $0xffff  }
0x21: {  	v8 =	vld.idx.msk [tilespmem:v8+s3+$0x0], $0xffff  }
0x22: {  	v9 =	vld.idx.msk [tilespmem:v9+s3+$0x0], $0xffff  }
0x23: {  	v3 =	vld [tilespmem:s13+$0xC540];
	_ =	sdelay $0x1  }
0x24: {  	v0 =	vsub.f32 v1, v0;
	v4 =	vsub.f32 v4, v6  }
0x25: {  	v2 =	vmul.u32 $0x3, v2  }
0x26: {  	v8 =	vsub.f32 v9, v8;
	v0 =	vmul.f32 v0, v0;
	v4 =	vmul.f32 v4, v4  }
0x27: {  	v3 =	vmul.u32 $0x3, v3  }
0x28: {  	v61 =	vadd.s32 $0x1, v2;
	v0 =	vadd.f32 v4, v0;
	v4 =	vmul.f32 v8, v8;
	_ =	sdelay $0x1  }
0x29: {  	v4 =	vadd.f32 v4, v0  }
0x2a: {  	v16 =	vadd.s32 $0x1, v3  }
0x2b: {  	v5 =	vld [tilespmem:s13+$0x7550];
	v17 =	vadd.s32 $0x2, v3;
	[tilespmem:s13+$0x11530] =	vst v4  }
0x2c: {  	v4 =	vadd.s32 $0x2, v2;
	v8 =	vld.idx.msk [tilespmem:v61+s3+$0x0], $0xffff  }
0x2d: {  	v3 =	vld.idx.msk [tilespmem:v3+s3+$0x0], $0xffff  }
0x2e: {  	v2 =	vld.idx.msk [tilespmem:v2+s3+$0x0], $0xffff  }
0x2f: {  	v16 =	vld.idx.msk [tilespmem:v16+s3+$0x0], $0xffff  }
0x30: {  	v17 =	vld.idx.msk [tilespmem:v17+s3+$0x0], $0xffff  }
0x31: {  	v4 =	vld.idx.msk [tilespmem:v4+s3+$0x0], $0xffff;
	_ =	sdelay $0x2  }
0x32: {  	v7 =	vld [tilespmem:s13+$0xC550];
	v2 =	vsub.f32 v3, v2;
	v3 =	vsub.f32 v16, v8  }
0x33: {  	v5 =	vmul.u32 $0x3, v5  }
0x34: {  	v2 =	vmul.f32 v2, v2;
	v3 =	vmul.f32 v3, v3;
	v4 =	vsub.f32 v17, v4;
	_ =	sdelay $0x1  }
0x35: {  	v2 =	vadd.f32 v3, v2;
	v3 =	vmul.f32 v4, v4;
	v4 =	vadd.s32 $0x1, v5  }
0x36: {  	v7 =	vmul.u32 $0x3, v7  }
0x37: {  	v2 =	vadd.f32 v3, v2  }
0x38: {  	v3 =	vadd.s32 $0x1, v7  }
0x39: {  	v62 =	vadd.s32 $0x2, v7;
	[tilespmem:s13+$0x11540] =	vst v2  }
0x3a: {  	v2 =	vadd.s32 $0x2, v5;
	v4 =	vld.idx.msk [tilespmem:v4+s3+$0x0], $0xffff  }
0x3b: {  	v5 =	vld.idx.msk [tilespmem:v5+s3+$0x0], $0xffff  }
0x3c: {  	v7 =	vld.idx.msk [tilespmem:v7+s3+$0x0], $0xffff  }
0x3d: {  	v3 =	vld.idx.msk [tilespmem:v3+s3+$0x0], $0xffff  }
0x3e: {  	v8 =	vld.idx.msk [tilespmem:v62+s3+$0x0], $0xffff  }
0x3f: {  	v2 =	vld.idx.msk [tilespmem:v2+s3+$0x0], $0xffff  }
0x40: {  	v10 =	vld [tilespmem:s13+$0x7560];
	_ =	sdelay $0x1  }
0x41: {  	v11 =	vld [tilespmem:s13+$0xC560];
	v5 =	vsub.f32 v7, v5;
	v3 =	vsub.f32 v3, v4;
	_ =	sdelay $0x1  }
0x42: {  	v4 =	vmul.f32 v5, v5;
	v2 =	vsub.f32 v8, v2;
	v3 =	vmul.f32 v3, v3  }
0x43: {  	v5 =	vmul.u32 $0x3, v10  }
0x44: {  	v3 =	vadd.f32 v3, v4;
	v2 =	vmul.f32 v2, v2  }
0x45: {  	v7 =	vadd.s32 $0x1, v5;
	v4 =	vmul.u32 $0x3, v11  }
0x46: {  	v2 =	vadd.f32 v2, v3  }
0x47: {  	v3 =	vadd.s32 $0x1, v4  }
0x48: {  	v1 =	vld [tilespmem:s13+$0x7570];
	[tilespmem:s13+$0x11550] =	vst v2;
	v2 =	vadd.s32 $0x2, v4  }
0x49: {  	v63 =	vld.idx.msk [tilespmem:v5+s3+$0x0], $0xffff;
	v5 =	vadd.s32 $0x2, v5  }
0x4a: {  	v7 =	vld.idx.msk [tilespmem:v7+s3+$0x0], $0xffff  }
0x4b: {  	v4 =	vld.idx.msk [tilespmem:v4+s3+$0x0], $0xffff  }
0x4c: {  	v3 =	vld.idx.msk [tilespmem:v3+s3+$0x0], $0xffff  }
0x4d: {  	v2 =	vld.idx.msk [tilespmem:v2+s3+$0x0], $0xffff  }
0x4e: {  	v5 =	vld.idx.msk [tilespmem:v5+s3+$0x0], $0xffff;
	_ =	sdelay $0x2  }
0x4f: {  	v6 =	vld [tilespmem:s13+$0xC570];
	v4 =	vsub.f32 v4, v63;
	v3 =	vsub.f32 v3, v7  }
0x50: {  	v1 =	vmul.u32 $0x3, v1  }
0x51: {  	v4 =	vmul.f32 v4, v4;
	v3 =	vmul.f32 v3, v3;
	v2 =	vsub.f32 v2, v5;
	_ =	sdelay $0x1  }
0x52: {  	v3 =	vadd.f32 v3, v4;
	v4 =	vadd.s32 $0x1, v1;
	v2 =	vmul.f32 v2, v2  }
0x53: {  	v5 =	vmul.u32 $0x3, v6  }
0x54: {  	v2 =	vadd.f32 v2, v3  }
0x55: {  	v3 =	vadd.s32 $0x1, v5  }
0x56: {  	v12 =	vld [tilespmem:s13+$0x7580];
	v6 =	vadd.s32 $0x2, v1;
	[tilespmem:s13+$0x11560] =	vst v2  }
0x57: {  	v2 =	vadd.s32 $0x2, v5;
	v4 =	vld.idx.msk [tilespmem:v4+s3+$0x0], $0xffff  }
0x58: {  	v1 =	vld.idx.msk [tilespmem:v1+s3+$0x0], $0xffff  }
0x59: {  	v5 =	vld.idx.msk [tilespmem:v5+s3+$0x0], $0xffff  }
0x5a: {  	v3 =	vld.idx.msk [tilespmem:v3+s3+$0x0], $0xffff  }
0x5b: {  	v6 =	vld.idx.msk [tilespmem:v6+s3+$0x0], $0xffff  }
0x5c: {  	v2 =	vld.idx.msk [tilespmem:v2+s3+$0x0], $0xffff;
	_ =	sdelay $0x2  }
0x5d: {  	v60 =	vld [tilespmem:s13+$0xC580];
	v1 =	vsub.f32 v5, v1;
	v3 =	vsub.f32 v3, v4  }
0x5e: {  	v4 =	vmul.u32 $0x3, v12  }
0x5f: {  	v1 =	vmul.f32 v1, v1;
	v2 =	vsub.f32 v2, v6;
	v3 =	vmul.f32 v3, v3;
	_ =	sdelay $0x1  }
0x60: {  	v1 =	vadd.f32 v3, v1;
	v2 =	vmul.f32 v2, v2;
	v3 =	vadd.s32 $0x1, v4  }
0x61: {  	v5 =	vmul.u32 $0x3, v60  }
0x62: {  	v1 =	vadd.f32 v2, v1  }
0x63: {  	v2 =	vadd.s32 $0x1, v5  }
0x64: {  	v13 =	vld [tilespmem:s13+$0x7590];
	v6 =	vadd.s32 $0x2, v4;
	[tilespmem:s13+$0x11570] =	vst v1  }
0x65: {  	v1 =	vadd.s32 $0x2, v5;
	v3 =	vld.idx.msk [tilespmem:v3+s3+$0x0], $0xffff  }
0x66: {  	v4 =	vld.idx.msk [tilespmem:v4+s3+$0x0], $0xffff  }
0x67: {  	v5 =	vld.idx.msk [tilespmem:v5+s3+$0x0], $0xffff  }
0x68: {  	v2 =	vld.idx.msk [tilespmem:v2+s3+$0x0], $0xffff  }
0x69: {  	v6 =	vld.idx.msk [tilespmem:v6+s3+$0x0], $0xffff  }
0x6a: {  	v1 =	vld.idx.msk [tilespmem:v1+s3+$0x0], $0xffff  }
0x6b: {  	v14 =	vld [tilespmem:s13+$0xC590];
	_ =	sdelay $0x1  }
0x6c: {  	v4 =	vsub.f32 v5, v4;
	v2 =	vsub.f32 v2, v3  }
0x6d: {  	v3 =	vmul.u32 $0x3, v13  }
0x6e: {  	v4 =	vmul.f32 v4, v4;
	v1 =	vsub.f32 v1, v6;
	v2 =	vmul.f32 v2, v2  }
0x6f: {  	v5 =	vmul.u32 $0x3, v14  }
0x70: {  	v2 =	vadd.f32 v2, v4;
	v1 =	vmul.f32 v1, v1;
	v4 =	vadd.s32 $0x1, v3  }
0x71: {  	v6 =	vadd.s32 $0x1, v5  }
0x72: {  	v1 =	vadd.f32 v1, v2;
	_ =	sdelay $0x1  }
0x73: {  	v15 =	vld [tilespmem:s13+$0xC5A0];
	[tilespmem:s13+$0x11580] =	vst v1;
	v1 =	vadd.s32 $0x2, v5  }
0x74: {  	v2 =	vld.idx.msk [tilespmem:v4+s3+$0x0], $0xffff;
	v4 =	vadd.s32 $0x2, v3  }
0x75: {  	v6 =	vld.idx.msk [tilespmem:v6+s3+$0x0], $0xffff  }
0x76: {  	v5 =	vld.idx.msk [tilespmem:v5+s3+$0x0], $0xffff  }
0x77: {  	v3 =	vld.idx.msk [tilespmem:v3+s3+$0x0], $0xffff  }
0x78: {  	v7 =	vld.idx.msk [tilespmem:v1+s3+$0x0], $0xffff  }
0x79: {  	v4 =	vld.idx.msk [tilespmem:v4+s3+$0x0], $0xffff;
	_ =	sdelay $0x1  }
0x7a: {  	v0 =	vld [tilespmem:s13+$0x75A0]  }
0x7b: {  	v2 =	vsub.f32 v6, v2;
	v5 =	vsub.f32 v5, v3  }
0x7c: {  	v1 =	vmul.u32 $0x3, v15  }
0x7d: {  	s14 =	simm.s32 $0x200;
	v2 =	vmul.f32 v2, v2;
	v3 =	vsub.f32 v7, v4;
	v4 =	vmul.f32 v5, v5  }
.LBB2_2:
0x7e: {  	p0 =	sne.s32 s14, $0x13E00;
	s15 =	smov.u32 s14;
	s14 =	sadd.s32 $0x200, s14  }
0x7f: {  	v0 =	vmul.u32 $0x3, v0;
	v2 =	vadd.f32 v2, v4;
	v3 =	vmul.f32 v3, v3;
	_ =	sdelay $0x1  }
0x80: {  	v2 =	vadd.f32 v3, v2;
	v3 =	vadd.s32 $0x1, v0  }
0x81: {  	v4 =	vadd.s32 $0x1, v1  }
0x82: {  	[tilespmem:s13+$0x11590] =	vst v2;
	v2 =	vadd.s32 $0x2, v1  }
0x83: {  	v5 =	vadd.s32 $0x2, v0;
	v1 =	vld.idx.msk [tilespmem:v1+s3+$0x0], $0xffff  }
0x84: {  	v0 =	vld.idx.msk [tilespmem:v0+s3+$0x0], $0xffff  }
0x85: {  	v3 =	vld.idx.msk [tilespmem:v3+s3+$0x0], $0xffff  }
0x86: {  	v4 =	vld.idx.msk [tilespmem:v4+s3+$0x0], $0xffff  }
0x87: {  	v2 =	vld.idx.msk [tilespmem:v2+s3+$0x0], $0xffff  }
0x88: {  	v5 =	vld.idx.msk [tilespmem:v5+s3+$0x0], $0xffff  }
0x89: {  	s15 =	sshra.s32 s15, $0x2  }
0x8a: {  	v0 =	vsub.f32 v1, v0;
	v6 =	vld [tilespmem:s15+$0x7530]  }
0x8b: {  	v1 =	vld [tilespmem:s15+$0xC530]  }
0x8c: {  	v3 =	vsub.f32 v4, v3;
	v0 =	vmul.f32 v0, v0;
	v8 =	vld [tilespmem:s15+$0x7540]  }
0x8d: {  	v9 =	vld [tilespmem:s15+$0xC540]  }
0x8e: {  	v2 =	vsub.f32 v2, v5;
	v3 =	vmul.f32 v3, v3;
	v10 =	vld [tilespmem:s15+$0x7550]  }
0x8f: {  	v5 =	vmul.u32 $0x3, v6;
	v11 =	vld [tilespmem:s15+$0xC550]  }
0x90: {  	v0 =	vadd.f32 v3, v0;
	v2 =	vmul.f32 v2, v2;
	v1 =	vmul.u32 $0x3, v1;
	v12 =	vld [tilespmem:s15+$0x7560]  }
0x91: {  	v3 =	vadd.s32 $0x1, v5;
	v13 =	vadd.s32 $0x2, v5;
	v14 =	vld [tilespmem:s15+$0xC560]  }
0x92: {  	v0 =	vadd.f32 v2, v0;
	v15 =	vadd.s32 $0x1, v1;
	v16 =	vadd.s32 $0x2, v1;
	v7 =	vld [tilespmem:s15+$0x7570]  }
0x93: {  	v6 =	vld [tilespmem:s15+$0xC570]  }
0x94: {  	v4 =	vld [tilespmem:s15+$0x7580];
	[tilespmem:s13+$0x115A0] =	vst v0;
	s13 =	smov.u32 s15  }
0x95: {  	v0 =	vld.idx.msk [tilespmem:v5+s3+$0x0], $0xffff  }
0x96: {  	v1 =	vld.idx.msk [tilespmem:v1+s3+$0x0], $0xffff  }
0x97: {  	v15 =	vld.idx.msk [tilespmem:v15+s3+$0x0], $0xffff  }
0x98: {  	v17 =	vld.idx.msk [tilespmem:v3+s3+$0x0], $0xffff  }
0x99: {  	v13 =	vld.idx.msk [tilespmem:v13+s3+$0x0], $0xffff  }
0x9a: {  	v16 =	vld.idx.msk [tilespmem:v16+s3+$0x0], $0xffff  }
0x9b: {  	v5 =	vld [tilespmem:s13+$0xC580]  }
0x9c: {  	v0 =	vsub.f32 v1, v0;
	v3 =	vld [tilespmem:s13+$0x7590]  }
0x9d: {  	v2 =	vld [tilespmem:s13+$0xC590]  }
0x9e: {  	v1 =	vsub.f32 v15, v17;
	v15 =	vmul.f32 v0, v0;
	v17 =	vld [tilespmem:s13+$0xC5A0]  }
0x9f: {  	v0 =	vld [tilespmem:s13+$0x75A0]  }
0xa0: {  	v8 =	vmul.u32 $0x3, v8;
	v13 =	vsub.f32 v16, v13;
	v1 =	vmul.f32 v1, v1  }
0xa1: {  	v9 =	vmul.u32 $0x3, v9  }
0xa2: {  	v16 =	vadd.s32 $0x1, v8;
	v15 =	vadd.f32 v1, v15;
	v13 =	vmul.f32 v13, v13  }
0xa3: {  	v1 =	vmul.u32 $0x3, v17  }
0xa4: {  	v13 =	vadd.f32 v13, v15  }
0xa5: {  	v15 =	vadd.s32 $0x1, v9  }
0xa6: {  	[tilespmem:s13+$0x11530] =	vst v13;
	v13 =	vadd.s32 $0x2, v8  }
0xa7: {  	v17 =	vadd.s32 $0x2, v9;
	v16 =	vld.idx.msk [tilespmem:v16+s3+$0x0], $0xffff  }
0xa8: {  	v9 =	vld.idx.msk [tilespmem:v9+s3+$0x0], $0xffff  }
0xa9: {  	v8 =	vld.idx.msk [tilespmem:v8+s3+$0x0], $0xffff  }
0xaa: {  	v15 =	vld.idx.msk [tilespmem:v15+s3+$0x0], $0xffff  }
0xab: {  	v13 =	vld.idx.msk [tilespmem:v13+s3+$0x0], $0xffff  }
0xac: {  	v17 =	vld.idx.msk [tilespmem:v17+s3+$0x0], $0xffff;
	_ =	sdelay $0x2  }
0xad: {  	v8 =	vsub.f32 v9, v8  }
0xae: {  	v9 =	vsub.f32 v15, v16  }
0xaf: {  	v10 =	vmul.u32 $0x3, v10  }
0xb0: {  	v8 =	vmul.f32 v8, v8;
	v13 =	vsub.f32 v17, v13;
	v9 =	vmul.f32 v9, v9;
	_ =	sdelay $0x1  }
0xb1: {  	v8 =	vadd.f32 v9, v8;
	v9 =	vmul.f32 v13, v13;
	v13 =	vadd.s32 $0x1, v10  }
0xb2: {  	v11 =	vmul.u32 $0x3, v11  }
0xb3: {  	v8 =	vadd.f32 v9, v8  }
0xb4: {  	v9 =	vadd.s32 $0x1, v11  }
0xb5: {  	[tilespmem:s13+$0x11540] =	vst v8;
	v8 =	vadd.s32 $0x2, v10  }
0xb6: {  	v15 =	vadd.s32 $0x2, v11;
	v13 =	vld.idx.msk [tilespmem:v13+s3+$0x0], $0xffff  }
0xb7: {  	v10 =	vld.idx.msk [tilespmem:v10+s3+$0x0], $0xffff  }
0xb8: {  	v11 =	vld.idx.msk [tilespmem:v11+s3+$0x0], $0xffff  }
0xb9: {  	v9 =	vld.idx.msk [tilespmem:v9+s3+$0x0], $0xffff  }
0xba: {  	v8 =	vld.idx.msk [tilespmem:v8+s3+$0x0], $0xffff  }
0xbb: {  	v15 =	vld.idx.msk [tilespmem:v15+s3+$0x0], $0xffff;
	_ =	sdelay $0x2  }
0xbc: {  	v10 =	vsub.f32 v11, v10  }
0xbd: {  	v9 =	vsub.f32 v9, v13;
	_ =	sdelay $0x1  }
0xbe: {  	v10 =	vmul.f32 v10, v10;
	v8 =	vsub.f32 v15, v8;
	v9 =	vmul.f32 v9, v9  }
0xbf: {  	v11 =	vmul.u32 $0x3, v12  }
0xc0: {  	v9 =	vadd.f32 v9, v10;
	v8 =	vmul.f32 v8, v8  }
0xc1: {  	v12 =	vadd.s32 $0x1, v11;
	v10 =	vmul.u32 $0x3, v14  }
0xc2: {  	v8 =	vadd.f32 v8, v9  }
0xc3: {  	v9 =	vadd.s32 $0x1, v10  }
0xc4: {  	[tilespmem:s13+$0x11550] =	vst v8;
	v8 =	vadd.s32 $0x2, v10  }
0xc5: {  	v13 =	vld.idx.msk [tilespmem:v11+s3+$0x0], $0xffff;
	v11 =	vadd.s32 $0x2, v11  }
0xc6: {  	v12 =	vld.idx.msk [tilespmem:v12+s3+$0x0], $0xffff  }
0xc7: {  	v10 =	vld.idx.msk [tilespmem:v10+s3+$0x0], $0xffff  }
0xc8: {  	v9 =	vld.idx.msk [tilespmem:v9+s3+$0x0], $0xffff  }
0xc9: {  	v8 =	vld.idx.msk [tilespmem:v8+s3+$0x0], $0xffff  }
0xca: {  	v11 =	vld.idx.msk [tilespmem:v11+s3+$0x0], $0xffff;
	_ =	sdelay $0x2  }
0xcb: {  	v10 =	vsub.f32 v10, v13  }
0xcc: {  	v9 =	vsub.f32 v9, v12  }
0xcd: {  	v7 =	vmul.u32 $0x3, v7  }
0xce: {  	v10 =	vmul.f32 v10, v10;
	v8 =	vsub.f32 v8, v11;
	v9 =	vmul.f32 v9, v9;
	_ =	sdelay $0x1  }
0xcf: {  	v9 =	vadd.f32 v9, v10;
	v8 =	vmul.f32 v8, v8;
	v10 =	vadd.s32 $0x1, v7  }
0xd0: {  	v6 =	vmul.u32 $0x3, v6  }
0xd1: {  	v8 =	vadd.f32 v8, v9  }
0xd2: {  	v9 =	vadd.s32 $0x1, v6  }
0xd3: {  	[tilespmem:s13+$0x11560] =	vst v8;
	v8 =	vadd.s32 $0x2, v6  }
0xd4: {  	v11 =	vadd.s32 $0x2, v7;
	v10 =	vld.idx.msk [tilespmem:v10+s3+$0x0], $0xffff  }
0xd5: {  	v7 =	vld.idx.msk [tilespmem:v7+s3+$0x0], $0xffff  }
0xd6: {  	v6 =	vld.idx.msk [tilespmem:v6+s3+$0x0], $0xffff  }
0xd7: {  	v9 =	vld.idx.msk [tilespmem:v9+s3+$0x0], $0xffff  }
0xd8: {  	v8 =	vld.idx.msk [tilespmem:v8+s3+$0x0], $0xffff  }
0xd9: {  	v11 =	vld.idx.msk [tilespmem:v11+s3+$0x0], $0xffff;
	_ =	sdelay $0x2  }
0xda: {  	v6 =	vsub.f32 v6, v7  }
0xdb: {  	v7 =	vsub.f32 v9, v10  }
0xdc: {  	v4 =	vmul.u32 $0x3, v4  }
0xdd: {  	v6 =	vmul.f32 v6, v6;
	v8 =	vsub.f32 v8, v11;
	v7 =	vmul.f32 v7, v7;
	_ =	sdelay $0x1  }
0xde: {  	v6 =	vadd.f32 v7, v6;
	v7 =	vmul.f32 v8, v8;
	v8 =	vadd.s32 $0x1, v4  }
0xdf: {  	v5 =	vmul.u32 $0x3, v5  }
0xe0: {  	v6 =	vadd.f32 v7, v6  }
0xe1: {  	v7 =	vadd.s32 $0x1, v5  }
0xe2: {  	[tilespmem:s13+$0x11570] =	vst v6;
	v6 =	vadd.s32 $0x2, v5  }
0xe3: {  	v9 =	vadd.s32 $0x2, v4;
	v8 =	vld.idx.msk [tilespmem:v8+s3+$0x0], $0xffff  }
0xe4: {  	v4 =	vld.idx.msk [tilespmem:v4+s3+$0x0], $0xffff  }
0xe5: {  	v5 =	vld.idx.msk [tilespmem:v5+s3+$0x0], $0xffff  }
0xe6: {  	v7 =	vld.idx.msk [tilespmem:v7+s3+$0x0], $0xffff  }
0xe7: {  	v6 =	vld.idx.msk [tilespmem:v6+s3+$0x0], $0xffff  }
0xe8: {  	v9 =	vld.idx.msk [tilespmem:v9+s3+$0x0], $0xffff;
	_ =	sdelay $0x2  }
0xe9: {  	v4 =	vsub.f32 v5, v4  }
0xea: {  	v5 =	vsub.f32 v7, v8  }
0xeb: {  	v3 =	vmul.u32 $0x3, v3  }
0xec: {  	v4 =	vmul.f32 v4, v4;
	v6 =	vsub.f32 v6, v9;
	v5 =	vmul.f32 v5, v5  }
0xed: {  	v2 =	vmul.u32 $0x3, v2  }
0xee: {  	v4 =	vadd.f32 v5, v4;
	v5 =	vmul.f32 v6, v6;
	v6 =	vadd.s32 $0x1, v3  }
0xef: {  	v7 =	vadd.s32 $0x1, v2  }
0xf0: {  	v4 =	vadd.f32 v5, v4;
	_ =	sdelay $0x1  }
0xf1: {  	[tilespmem:s13+$0x11580] =	vst v4;
	v4 =	vadd.s32 $0x2, v2  }
0xf2: {  	v5 =	vld.idx.msk [tilespmem:v6+s3+$0x0], $0xffff;
	v6 =	vadd.s32 $0x2, v3  }
0xf3: {  	v7 =	vld.idx.msk [tilespmem:v7+s3+$0x0], $0xffff  }
0xf4: {  	v2 =	vld.idx.msk [tilespmem:v2+s3+$0x0], $0xffff  }
0xf5: {  	v3 =	vld.idx.msk [tilespmem:v3+s3+$0x0], $0xffff  }
0xf6: {  	v4 =	vld.idx.msk [tilespmem:v4+s3+$0x0], $0xffff  }
0xf7: {  	v6 =	vld.idx.msk [tilespmem:v6+s3+$0x0], $0xffff;
	_ =	sdelay $0x1  }
.Ltmp0:
0xf8: {  	v5 =	vsub.f32 v7, v5;
	(pc) =	sbr.rel @p0 .LBB2_2-.Ltmp0, $3  }
0xf9: {  	_ = 	snop  }
0xfa: {  	v7 =	vsub.f32 v2, v3;
	v2 =	vmul.f32 v5, v5;
	_ =	sdelay $0x1  }
0xfb: {  	v3 =	vsub.f32 v4, v6;
	v4 =	vmul.f32 v7, v7  }
0xfc: {  	_ = 	snop  }
0xfd: {  	v0 =	vmul.u32 $0x3, v0;
	v2 =	vadd.f32 v2, v4;
	v3 =	vmul.f32 v3, v3;
	_ =	sdelay $0x1  }
0xfe: {  	v59 =	vadd.s32 $0x1, v1;
	v2 =	vadd.f32 v3, v2  }
0xff: {  	v58 =	vadd.s32 $0x1, v0  }
0x100: {  	v60 =	vadd.s32 $0x2, v1;
	[tilespmem:s13+$0x11590] =	vst v2  }
0x101: {  	v5 =	vadd.s32 $0x2, v0;
	v61 =	vld.idx.msk [tilespmem:v1+s3+$0x0], $0xffff  }
0x102: {  	v0 =	vld.idx.msk [tilespmem:v0+s3+$0x0], $0xffff  }
0x103: {  	v4 =	vld.idx.msk [tilespmem:v59+s3+$0x0], $0xffff  }
0x104: {  	v3 =	vld.idx.msk [tilespmem:v58+s3+$0x0], $0xffff  }
0x105: {  	v2 =	vld.idx.msk [tilespmem:v60+s3+$0x0], $0xffff  }
0x106: {  	v5 =	vld.idx.msk [tilespmem:v5+s3+$0x0], $0xffff;
	_ =	sdelay $0x2  }
0x107: {  	v0 =	vsub.f32 v61, v0;
	v62 =	vsub.f32 v4, v3;
	_ =	sdelay $0x1  }
0x108: {  	v2 =	vsub.f32 v2, v5;
	v0 =	vmul.f32 v0, v0;
	v1 =	vmul.f32 v62, v62;
	_ =	sdelay $0x1  }
0x109: {  	v63 =	vmul.f32 v2, v2;
	v0 =	vadd.f32 v1, v0;
	_ =	sdelay $0x1  }
0x10a: {  	s12 =	sadd.s32 $0x1, s12;
	v0 =	vadd.f32 v63, v0  }
0x10b: {  	p0 =	sne.s32 s12, s7  }
.Ltmp1:
0x10c: {  	[tilespmem:s13+$0x115A0] =	vst v0;
	(pc) =	sbr.rel @p0 .LBB2_1-.Ltmp1, $4  }
0x10d: {  	[hbm4b:s6+s3] =	stream.linear.scatter [tilespmem:s11], [sflag:$0x1], $0x5000, $0x38;
	[tilespmem:$0x16530] =	vst v63  }
0x10e: {  	_ =	swait.ge [sflag:s8], $0x5000  }
0x10f: {  	[sflag:s8] =	ssyncset.done $0x0  }
0x110: {  	[sflag:s8] =	ssyncadd.s32 $0xFFFFB000  }
0x111: {  	_ =	sfence.sel $0x180000  }
0x112: {  	[bflag:$0x0] =	sbarrier.arrive $0xFFFF  }
0x113: {  	p0 =	sne.s32 s0, $0x0;
	_ =	strace $0x90000047  }
0x114: {  	s0 =	sadd.s32 @!p0 $0x100000, s1;
	[bflag:$0x2] =	sbarrier.arrive $0xFFFF  }
0x115: {  	[sflag:s0] =	ssyncadd.tile.s32 @!p0 $0x1;
	_ =	shalt  }
.Lfunc_end2:
_tile_overlayer_lowered:
.L_overlay_start_2:
0x116: {  	(tag) =	ssettag $0x2  }
0x117: {  	s0 =	rddreg [dreg:$0x0];
	s2 =	stileid.u32  }
0x118: {  	s1 =	rddreg [dreg:$0x1];
	p0 =	sne.s32 s2, $0x0  }
0x119: {  	s3 =	rddreg [dreg:$0x2];
	[bflag:$0x3] =	sbarrier.arrive $0xFFFF;
	s2 =	simm.s32 @!p0 $0x1C01  }
0x11a: {  	[timem:s3], [sflag:s2] =	dma.local @!p0 [hbm:s0], s1  }
0x11b: {  	s0 =	simm.s32 @!p0 $0x1  }
0x11c: {  	_ =	swait.ge @!p0 [sflag:s0], s1  }
0x11d: {  	s1 =	ssub.s32 @!p0 $0x0, s1;
	[sflag:s0] =	ssyncset.done @!p0 $0x0  }
0x11e: {  	[sflag:s0] =	ssyncadd.s32 @!p0 s1  }
0x11f: {  	[bflag:$0x3] =	sbarrier.arrive $0xFFFF  }
0x120: {  	_ =	shalt  }

</sc_bundles>
